<compile_context>
chip_gen: v7x
topology: tpu7x:2x2x1
jax: 0.10.2.dev20260603
libtpu: 0.0.44.dev20260713+nightly
codegen_flags: <defaults>
</compile_context>

<pallas_src>
import functools

import jax
import jax.numpy as jnp
from jax import lax
from jax.experimental import pallas as pl
from jax.experimental.pallas import tpu as pltpu
from jax.experimental.pallas import tpu_sc as plsc

EPS = 1e-05
LANE = 128



def _log0(y, sqrt_c):
    diff = y / (1.0 + EPS)
    dn = jnp.sqrt(jnp.sum(diff * diff, axis=-1, keepdims=True))
    dn = jnp.maximum(dn, EPS)
    arg = jnp.minimum(sqrt_c * dn, 1.0 - 1e-06)
    atanh = 0.5 * jnp.log((1.0 + arg) / (1.0 - arg))
    return (atanh / (sqrt_c * dn)) * diff


def _exp0(v, sqrt_c):
    vn = jnp.sqrt(jnp.sum(v * v, axis=-1, keepdims=True))
    vn = jnp.maximum(vn, EPS)
    factor = jnp.tanh(sqrt_c * vn) / (sqrt_c * vn)
    return (factor * v) / (1.0 + EPS)


def _mobius_add(x, y, c):
    x2 = jnp.sum(x * x, axis=-1, keepdims=True)
    y2 = jnp.sum(y * y, axis=-1, keepdims=True)
    xy = jnp.sum(x * y, axis=-1, keepdims=True)
    num = (1.0 + 2.0 * c * xy + c * y2) * x + (1.0 - c * x2) * y
    den = 1.0 + 2.0 * c * xy + c * x2 * y2
    return num / (den + EPS)


def _two_branch(t, wnt, bn, wst, bs, sqrt_c):
    y = _exp0(jnp.dot(t, wnt, preferred_element_type=jnp.float32) + bn, sqrt_c)
    xs = _exp0(jnp.dot(t, wst, preferred_element_type=jnp.float32) + bs, sqrt_c)
    return y, xs



def _pre_body(c_ref, x_ref, wpt, bp, wnt, bn, wst, bs, y_ref, xs_ref):
    cc = c_ref[0, 0]
    sq = jnp.sqrt(cc)
    x = x_ref[...]
    nrm = jnp.sqrt(jnp.sum(x * x, axis=-1, keepdims=True))
    x = x / (nrm + 1e-08)
    h = jnp.dot(_log0(x, sq), wpt[...], preferred_element_type=jnp.float32) + bp[...]
    x0 = _exp0(h, sq)
    t = _log0(x0, sq)
    y_ref[...], xs_ref[...] = _two_branch(t, wnt[...], bn[...], wst[...], bs[...], sq)


def _layer_update(c_ref, xs_ref, y_ref, p_ref, d_ref, nc):
    cc = c_ref[0, 0]
    sq = jnp.sqrt(cc)
    y = y_ref[...]
    s = y
    for k in range(nc):
        s = s + p_ref[k]
    deg = d_ref[0, :, 0:1]
    for k in range(1, nc):
        deg = deg + d_ref[k, :, 0:1]
    deg = jnp.maximum(deg + 1.0, 1.0)
    agg = s / deg
    xn = _mobius_add(xs_ref[...], agg, cc)
    xt = jnp.tanh(_log0(xn, sq))
    return _exp0(xt, sq), sq


def _mid_body(c_ref, xs_ref, y_ref, p_ref, d_ref, wnt, bn, wst, bs, y1_ref, xs1_ref, *, nc):
    x1, sq = _layer_update(c_ref, xs_ref, y_ref, p_ref, d_ref, nc)
    t = _log0(x1, sq)
    y1_ref[...], xs1_ref[...] = _two_branch(t, wnt[...], bn[...], wst[...], bs[...], sq)


def _post_body(c_ref, xs_ref, y_ref, p_ref, d_ref, w1t, b1, w2t, b2, out_ref, *, nc):
    x2, sq = _layer_update(c_ref, xs_ref, y_ref, p_ref, d_ref, nc)
    t = _log0(x2, sq)
    h = jnp.tanh(jnp.dot(t, w1t[...], preferred_element_type=jnp.float32) + b1[...])
    out_ref[...] = jnp.dot(h, w2t[...], preferred_element_type=jnp.float32) + b2[...]


def _row_spec(blk):
    return pl.BlockSpec((blk, LANE), lambda i: (i, 0))


def _w_spec():
    return pl.BlockSpec((LANE, LANE), lambda i: (0, 0))


def _b_spec():
    return pl.BlockSpec((LANE,), lambda i: (0,))


def _smem_spec():
    return pl.BlockSpec(memory_space=pltpu.SMEM)


def _p_spec(nc, blk):
    return pl.BlockSpec((nc, blk, LANE), lambda i: (0, i, 0))


def _d_spec(nc, blk):
    return pl.BlockSpec((nc, blk, DEGW), lambda i: (0, i, 0))



def _make_seg_sum(npad, nch0, nch1, nc, ns):
    rows_pt = npad // ns
    mesh = plsc.VectorSubcoreMesh(core_axis_name="c", subcore_axis_name="s")

    out_type = [jax.ShapeDtypeStruct((nc, npad, LANE), jnp.float32)]
    scratch = [
        pltpu.VMEM_SHARED((npad, LANE), jnp.float32),
        pltpu.VMEM((LANE,), jnp.int32),
        pltpu.VMEM((LANE,), jnp.int32),
        pltpu.VMEM((LANE,), jnp.int32),
        pltpu.VMEM((LANE,), jnp.int32),
        pltpu.VMEM((LANE, LANE), jnp.float32),
        pltpu.VMEM((LANE, LANE), jnp.float32),
        pltpu.SemaphoreType.DMA,
        pltpu.SemaphoreType.DMA,
    ]

    @functools.partial(pl.kernel, out_type=out_type, mesh=mesh,
                       scratch_types=scratch)
    def seg(y_hbm, src0_hbm, dst0_hbm, src1_hbm, dst1_hbm, z_hbm, agg_out,
            agg_sh, si0, si1, di0, di1, r0, r1, sem0, sem1):
        cid = lax.axis_index("c")
        sid = lax.axis_index("s")
        base = sid * rows_pt

        pltpu.sync_copy(z_hbm, agg_sh.at[pl.ds(base, rows_pt)])
        plsc.subcore_barrier()

        si = (si0, si1)
        di = (di0, di1)
        rows = (r0, r1)
        sems = (sem0, sem1)

        def edge_loop(src_hbm, dst_hbm, n_chunks):
            pltpu.sync_copy(src_hbm.at[sid, 0], si0)
            pltpu.sync_copy(dst_hbm.at[sid, 0], di0)
            pltpu.async_copy(y_hbm.at[si0], r0, sem0)

            def loop_body(i2, carry):
                for b in (0, 1):
                    j = i2 * 2 + b
                    nb = 1 - b

                    @pl.when(j + 1 < n_chunks)
                    def _():
                        pltpu.sync_copy(src_hbm.at[sid, j + 1], si[nb])
                        pltpu.sync_copy(dst_hbm.at[sid, j + 1], di[nb])
                        pltpu.async_copy(y_hbm.at[si[nb]], rows[nb], sems[nb])

                    pltpu.make_async_copy(y_hbm.at[si[b]], rows[b],
                                          sems[b]).wait()
                    pltpu.sync_copy(rows[b], agg_sh.at[di[b]], add=True)
                return carry

            lax.fori_loop(0, n_chunks // 2, loop_body, 0)

        @pl.when(cid == 0)
        def _():
            edge_loop(src0_hbm, dst0_hbm, nch0)

        @pl.when(cid == 1)
        def _():
            edge_loop(src1_hbm, dst1_hbm, nch1)

        plsc.subcore_barrier()

        pltpu.sync_copy(agg_sh.at[pl.ds(base, rows_pt)],
                        agg_out.at[cid, pl.ds(base, rows_pt)])

    return seg


DEGW = LANE


def _make_deg(npad, n_chunks, nc, ns):
    rows_pt = npad // ns
    mesh = plsc.VectorSubcoreMesh(core_axis_name="c", subcore_axis_name="s")

    @functools.partial(
        pl.kernel,
        out_type=[jax.ShapeDtypeStruct((nc, npad, DEGW), jnp.float32)],
        mesh=mesh,
        scratch_types=[
            pltpu.VMEM_SHARED((npad, DEGW), jnp.float32),
            pltpu.VMEM((LANE,), jnp.int32),
            pltpu.VMEM((LANE,), jnp.int32),
            pltpu.VMEM((LANE, DEGW), jnp.float32),
            pltpu.SemaphoreType.DMA,
            pltpu.SemaphoreType.DMA,
        ])
    def deg(dst_hbm, z_hbm, ones_hbm, deg_out,
            deg_sh, di0, di1, ones_v, sem0, sem1):
        cid = lax.axis_index("c")
        sid = lax.axis_index("s")
        wid = sid * nc + cid
        base = sid * rows_pt

        pltpu.sync_copy(z_hbm, deg_sh.at[pl.ds(base, rows_pt)])
        pltpu.sync_copy(ones_hbm, ones_v)
        plsc.subcore_barrier()

        di = (di0, di1)
        sems = (sem0, sem1)
        pltpu.async_copy(dst_hbm.at[wid, 0], di0, sem0)

        def loop_body(i2, carry):
            for b in (0, 1):
                j = i2 * 2 + b
                nb = 1 - b

                @pl.when(j + 1 < n_chunks)
                def _():
                    pltpu.async_copy(dst_hbm.at[wid, j + 1], di[nb], sems[nb])

                pltpu.make_async_copy(dst_hbm.at[wid, j], di[b], sems[b]).wait()
                pltpu.sync_copy(ones_v, deg_sh.at[di[b]], add=True)
            return carry

        lax.fori_loop(0, n_chunks // 2, loop_body, 0)
        plsc.subcore_barrier()
        pltpu.sync_copy(deg_sh.at[pl.ds(base, rows_pt)],
                        deg_out.at[cid, pl.ds(base, rows_pt)])

    return deg



def kernel(x, c, Wp, bp, Ws0, bs0, Wn0, bn0, Ws1, bs1, Wn1, bn1, W1, b1,
           W2, b2, edge_index):
    N, D = x.shape
    H = Wp.shape[0]
    Cout = W2.shape[0]
    E = edge_index.shape[1]

    info = plsc.get_sparse_core_info()
    nc, ns = info.num_cores, info.num_subcores
    nw = nc * ns

    rows_pt = -(-(N + 1) // (ns * 8)) * 8
    npad = ns * rows_pt
    idt = edge_index.dtype

    n_chunks = max(2, -(-E // (nw * 2 * LANE)) * 2)
    pad_e = nw * n_chunks * LANE - E
    dstp = jnp.concatenate(
        [edge_index[1], jnp.full((pad_e,), N, idt)]).astype(jnp.int32).reshape(
            nw, n_chunks, LANE)

    frac0 = 0.75
    ch_tot = -(-E // LANE)
    nch0 = max(2, -(-int(ch_tot * frac0) // (ns * 2)) * 2)
    cap0 = ns * nch0 * LANE
    rem = max(0, E - cap0)
    nch1 = max(2, -(-rem // (LANE * ns * 2)) * 2)
    cap1 = ns * nch1 * LANE
    pad_s = cap0 + cap1 - E
    src_all = jnp.concatenate(
        [edge_index[0], jnp.full((pad_s,), N, idt)]).astype(jnp.int32)
    dst_all = jnp.concatenate(
        [edge_index[1], jnp.full((pad_s,), N, idt)]).astype(jnp.int32)
    src0 = src_all[:cap0].reshape(ns, nch0, LANE)
    dst0 = dst_all[:cap0].reshape(ns, nch0, LANE)
    src1 = src_all[cap0:].reshape(ns, nch1, LANE)
    dst1 = dst_all[cap0:].reshape(ns, nch1, LANE)

    xp = jnp.zeros((npad, D), jnp.float32).at[:N].set(x)
    c2 = jnp.reshape(c, (1, 1)).astype(jnp.float32)
    z64 = jnp.zeros((rows_pt, DEGW), jnp.float32)
    o64 = jnp.ones((LANE, DEGW), jnp.float32)

    w2pad = jnp.zeros((LANE, H), jnp.float32).at[:Cout].set(W2)
    b2pad = jnp.zeros((LANE,), jnp.float32).at[:Cout].set(b2)

    blk = 2 * rows_pt
    grid = (npad // blk,)

    f32 = jnp.float32
    rows2 = jax.ShapeDtypeStruct((npad, LANE), f32)

    y0, xs0 = pl.pallas_call(
        _pre_body,
        grid=grid,
        in_specs=[_smem_spec(), _row_spec(blk), _w_spec(), _b_spec(),
                  _w_spec(), _b_spec(), _w_spec(), _b_spec()],
        out_specs=[_row_spec(blk), _row_spec(blk)],
        out_shape=[rows2, rows2],
    )(c2, xp, Wp.T, bp, Wn0.T, bn0, Ws0.T, bs0)

    degk = _make_deg(npad, n_chunks, nc, ns)
    d0 = degk(dstp, z64, o64)
    if isinstance(d0, (list, tuple)):
        d0 = d0[0]

    z128 = jnp.broadcast_to(jnp.minimum(d0[0, 0, 0], 0.0),
                            (rows_pt, LANE))

    seg0 = _make_seg_sum(npad, nch0, nch1, nc, ns)
    p0 = seg0(y0, src0, dst0, src1, dst1, z128)
    if isinstance(p0, (list, tuple)):
        p0 = p0[0]

    y1, xs1 = pl.pallas_call(
        functools.partial(_mid_body, nc=nc),
        grid=grid,
        in_specs=[_smem_spec(), _row_spec(blk), _row_spec(blk),
                  _p_spec(nc, blk), _d_spec(nc, blk),
                  _w_spec(), _b_spec(), _w_spec(), _b_spec()],
        out_specs=[_row_spec(blk), _row_spec(blk)],
        out_shape=[rows2, rows2],
    )(c2, xs0, y0, p0, d0, Wn1.T, bn1, Ws1.T, bs1)

    seg1 = _make_seg_sum(npad, nch0, nch1, nc, ns)
    p1 = seg1(y1, src0, dst0, src1, dst1, z128)
    if isinstance(p1, (list, tuple)):
        p1 = p1[0]

    out = pl.pallas_call(
        functools.partial(_post_body, nc=nc),
        grid=grid,
        in_specs=[_smem_spec(), _row_spec(blk), _row_spec(blk),
                  _p_spec(nc, blk), _d_spec(nc, blk),
                  _w_spec(), _b_spec(), _w_spec(), _b_spec()],
        out_specs=[_row_spec(blk)],
        out_shape=[rows2],
    )(c2, xs1, y1, p1, d0, W1.T, b1, w2pad.T, b2pad)
    if isinstance(out, (list, tuple)):
        out = out[0]

    return out[:N, :Cout]

# --- scband reference (transcript-rebuilt; emitter-appended) ---
"""Pipeline reference for scband-hgnn-79697413145179 (READ-ONLY COPY).

The authoritative reference and input builder live on the scoring server;
editing this copy changes nothing except your own understanding.
"""

import jax, jax.numpy as jnp
import numpy as np

EPS = 1e-05

def mobius_add(x, y, c):
    x2 = jnp.sum(x * x, axis=-1, keepdims=True)
    y2 = jnp.sum(y * y, axis=-1, keepdims=True)
    xy = jnp.sum(x * y, axis=-1, keepdims=True)
    num = (1.0 + 2.0 * c * xy + c * y2) * x + (1.0 - c * x2) * y
    denom = 1.0 + 2.0 * c * xy + c * x2 * y2
    return num / (denom + EPS)

def exp_map(v, x, c):
    v_norm = jnp.linalg.norm(v, axis=-1, keepdims=True)
    v_norm = jnp.maximum(v_norm, EPS)
    sqrt_c = jnp.sqrt(c)
    lam = 2.0 / (1.0 - c * jnp.sum(x * x, axis=-1, keepdims=True))
    factor = jnp.tanh(sqrt_c * lam * v_norm / 2.0) / (sqrt_c * v_norm)
    return mobius_add(x, factor * v, c)

def log_map(y, x, c):
    diff = mobius_add(-x, y, c)
    diff_norm = jnp.linalg.norm(diff, axis=-1, keepdims=True)
    diff_norm = jnp.maximum(diff_norm, EPS)
    sqrt_c = jnp.sqrt(c)
    lam = 2.0 / (1.0 - c * jnp.sum(x * x, axis=-1, keepdims=True))
    arg = jnp.minimum(sqrt_c * diff_norm, 1.0 - 1e-06)
    factor = 2.0 / (sqrt_c * lam) * jnp.arctanh(arg) / diff_norm
    return factor * diff

def hyp_linear(x, W, b, c):
    xt = log_map(x, jnp.zeros_like(x), c)
    out = xt @ W.T + b
    return exp_map(out, jnp.zeros_like(out), c)

def _xavier(k, shape):
    a = float(np.sqrt(6.0 / (shape[0] + shape[1])))
    return jax.random.uniform(k, shape, jnp.float32, -a, a)

def setup_inputs(seed: int = 0):
    key = jax.random.key(seed)
    N, E, D, H, C = 10000, 320000, 128, 128, 40
    ks = jax.random.split(key, 12)
    return {
        "x": jax.random.normal(ks[0], (N, D), jnp.float32),
        "c": jnp.asarray(1.0, jnp.float32),
        "Wp": _xavier(ks[1], (H, D)), "bp": jnp.zeros((H,), jnp.float32),
        "Ws0": _xavier(ks[2], (H, H)), "bs0": jnp.zeros((H,), jnp.float32),
        "Wn0": _xavier(ks[3], (H, H)), "bn0": jnp.zeros((H,), jnp.float32),
        "Ws1": _xavier(ks[4], (H, H)), "bs1": jnp.zeros((H,), jnp.float32),
        "Wn1": _xavier(ks[5], (H, H)), "bn1": jnp.zeros((H,), jnp.float32),
        "W1": _xavier(ks[6], (H, H)), "b1": jnp.zeros((H,), jnp.float32),
        "W2": _xavier(ks[7], (C, H)), "b2": jnp.zeros((C,), jnp.float32),
        "edge_index": jax.random.randint(ks[8], (2, E), 0, N, jnp.int32),
    }

def reference(x, c, Wp, bp, Ws0, bs0, Wn0, bn0, Ws1, bs1, Wn1, bn1, W1, b1, W2, b2, edge_index):
    N = x.shape[0]
    x = x / (jnp.linalg.norm(x, axis=-1, keepdims=True) + 1e-08)
    x = hyp_linear(x, Wp, bp, c)
    loops = jnp.arange(N, dtype=edge_index.dtype)
    src = jnp.concatenate([edge_index[0], loops])
    dst = jnp.concatenate([edge_index[1], loops])
    ones = jnp.ones((src.shape[0], 1), jnp.float32)
    deg = jnp.maximum(jax.ops.segment_sum(ones, dst, num_segments=N), 1.0)
    for Ws, bs, Wn, bn in ((Ws0, bs0, Wn0, bn0), (Ws1, bs1, Wn1, bn1)):
        msgs = hyp_linear(x[src], Wn, bn, c)
        agg = jax.ops.segment_sum(msgs, dst, num_segments=N) / deg
        x_self = hyp_linear(x, Ws, bs, c)
        x_new = mobius_add(x_self, agg, c)
        xt = jnp.tanh(log_map(x_new, jnp.zeros_like(x_new), c))
        x = exp_map(xt, jnp.zeros_like(xt), c)
    xt = log_map(x, jnp.zeros_like(x), c)
    h = jnp.tanh(xt @ W1.T + b1)
    return h @ W2.T + b2

if __name__ == "__main__":
    import jax
    _d = setup_inputs()
    print(jax.jit(kernel)(*tuple(_d.values())))

</pallas_src>

<mosaic_0001>
#map = affine_map<(d0, d1) -> (0, 0, 0)>
#map1 = affine_map<(d0, d1) -> (0, 0)>
module attributes {stable_mosaic.version = 14 : i64} {
  func.func @deg(%arg0: i32, %arg1: i32, %arg2: memref<32x80x128xi32, #tpu.memory_space<hbm>>, %arg3: memref<632x128xf32, #tpu.memory_space<hbm>>, %arg4: memref<128x128xf32, #tpu.memory_space<hbm>>, %arg5: memref<2x10112x128xf32, #tpu.memory_space<hbm>>, %arg6: memref<10112x128xf32, #tpu.memory_space<vmem_shared>>, %arg7: memref<128xi32, #tpu.memory_space<vmem>>, %arg8: memref<128xi32, #tpu.memory_space<vmem>>, %arg9: memref<128x128xf32, #tpu.memory_space<vmem>>, %arg10: memref<!tpu.dma_semaphore, #tpu.memory_space<semaphore_mem>>, %arg11: memref<!tpu.dma_semaphore, #tpu.memory_space<semaphore_mem>>) attributes {dimension_semantics = [#tpu.dimension_semantics<core_parallel>, #tpu.dimension_semantics<subcore_parallel>], iteration_bounds = array<i64: 2, 16>, scalar_prefetch = 0 : i64, scratch_operands = 6 : i64, tpu.core_type = #tpu.core_type<sc_vector_subcore>, window_params = [{transform_indices = #map}, {transform_indices = #map1}, {transform_indices = #map1}, {transform_indices = #map}]} {
    %mul3A = arith.constant 2 : i32
    %mul3A_0 = arith.muli %arg1, %mul3A : i32
    %add3A = arith.addi %mul3A_0, %arg0 : i32
    %mul3A_1 = arith.constant 632 : i32
    %mul3A_2 = arith.muli %arg1, %mul3A_1 : i32
    "tpu.region"() ({
      %run_scoped3A = tpu.sem_alloc : memref<!tpu.dma_semaphore, #tpu.memory_space<semaphore_mem>>
      %dma_start3A_15 = arith.constant 0 : i32
      %dma_start3A_16 = tpu.memref_slice %arg6[%mul3A_2, %dma_start3A_15] : memref<10112x128xf32, #tpu.memory_space<vmem_shared>> -> memref<632x128xf32, #tpu.memory_space<vmem_shared>>
      tpu.enqueue_dma source(%arg3 : memref<632x128xf32, #tpu.memory_space<hbm>>) target(%dma_start3A_16 : memref<632x128xf32, #tpu.memory_space<vmem_shared>>) target_semaphore(%run_scoped3A : memref<!tpu.dma_semaphore, #tpu.memory_space<semaphore_mem>>)
      %dma_wait3A = arith.constant 0 : i32
      %dma_wait3A_17 = tpu.memref_slice %arg6[%mul3A_2, %dma_wait3A] : memref<10112x128xf32, #tpu.memory_space<vmem_shared>> -> memref<632x128xf32, #tpu.memory_space<vmem_shared>>
      tpu.wait_dma2 semaphore(%run_scoped3A : memref<!tpu.dma_semaphore, #tpu.memory_space<semaphore_mem>>) src(%arg3 : memref<632x128xf32, #tpu.memory_space<hbm>>) dst(%dma_wait3A_17 : memref<632x128xf32, #tpu.memory_space<vmem_shared>>)
      tpu.yield
    }) : () -> ()
    "tpu.region"() ({
      %run_scoped3A = tpu.sem_alloc : memref<!tpu.dma_semaphore, #tpu.memory_space<semaphore_mem>>
      tpu.enqueue_dma source(%arg4 : memref<128x128xf32, #tpu.memory_space<hbm>>) target(%arg9 : memref<128x128xf32, #tpu.memory_space<vmem>>) target_semaphore(%run_scoped3A : memref<!tpu.dma_semaphore, #tpu.memory_space<semaphore_mem>>)
      tpu.wait_dma2 semaphore(%run_scoped3A : memref<!tpu.dma_semaphore, #tpu.memory_space<semaphore_mem>>) src(%arg4 : memref<128x128xf32, #tpu.memory_space<hbm>>) dst(%arg9 : memref<128x128xf32, #tpu.memory_space<vmem>>)
      tpu.yield
    }) : () -> ()
    %barrier3A = arith.constant 0 : index
    tpu.barrier barrier_id(%barrier3A)
    %dma_start3A = arith.constant 0 : i32
    %dma_start3A_3 = arith.constant 0 : i32
    %dma_start3A_4 = tpu.memref_slice %arg2[%add3A, %dma_start3A, %dma_start3A_3] : memref<32x80x128xi32, #tpu.memory_space<hbm>> -> memref<1x1x128xi32, #tpu.memory_space<hbm>>
    %dma_start3A_5 = tpu.memref_squeeze %dma_start3A_4 : memref<1x1x128xi32, #tpu.memory_space<hbm>> -> memref<128xi32, #tpu.memory_space<hbm>>
    %dma_start3A_6 = arith.constant 0 : i32
    %dma_start3A_7 = tpu.memref_slice %arg2[%add3A, %dma_start3A, %dma_start3A_6] : memref<32x80x128xi32, #tpu.memory_space<hbm>> -> memref<1x1x128xi32, #tpu.memory_space<hbm>>
    %dma_start3A_8 = tpu.memref_squeeze %dma_start3A_7 : memref<1x1x128xi32, #tpu.memory_space<hbm>> -> memref<128xi32, #tpu.memory_space<hbm>>
    tpu.enqueue_dma source(%dma_start3A_8 : memref<128xi32, #tpu.memory_space<hbm>>) target(%arg7 : memref<128xi32, #tpu.memory_space<vmem>>) target_semaphore(%arg10 : memref<!tpu.dma_semaphore, #tpu.memory_space<semaphore_mem>>)
    %scan3A = arith.constant 0 : i32
    %scan3A_9 = arith.constant 0 : i32
    %scan3A_10 = arith.constant 40 : i32
    %scan3A_11 = arith.addi %scan3A_9, %scan3A_10 : i32
    %scan3A_12 = arith.constant 1 : i32
    scf.for %scan3A_15 = %scan3A_9 to %scan3A_11 step %scan3A_12  : i32 {
      %mul3A_16 = arith.constant 2 : i32
      %mul3A_17 = arith.muli %scan3A_15, %mul3A_16 : i32
      %add3A_18 = arith.constant 0 : i32
      %add3A_19 = arith.addi %mul3A_17, %add3A_18 : i32
      %add3A_20 = arith.constant 1 : i32
      %add3A_21 = arith.addi %add3A_19, %add3A_20 : i32
      %lt3A = arith.constant 80 : i32
      %lt3A_22 = arith.cmpi slt, %add3A_21, %lt3A : i32
      %convert_element_type3A = arith.extui %lt3A_22 : i1 to i32
      %cond3A = arith.constant 0 : i32
      %cond3A_23 = arith.cmpi ne, %convert_element_type3A, %cond3A : i32
      scf.if %cond3A_23 {
        %add3A_46 = arith.constant 1 : i32
        %add3A_47 = arith.addi %add3A_19, %add3A_46 : i32
        %dma_start3A_48 = arith.constant 0 : i32
        %dma_start3A_49 = tpu.memref_slice %arg2[%add3A, %add3A_47, %dma_start3A_48] : memref<32x80x128xi32, #tpu.memory_space<hbm>> -> memref<1x1x128xi32, #tpu.memory_space<hbm>>
        %dma_start3A_50 = tpu.memref_squeeze %dma_start3A_49 : memref<1x1x128xi32, #tpu.memory_space<hbm>> -> memref<128xi32, #tpu.memory_space<hbm>>
        %dma_start3A_51 = arith.constant 0 : i32
        %dma_start3A_52 = tpu.memref_slice %arg2[%add3A, %add3A_47, %dma_start3A_51] : memref<32x80x128xi32, #tpu.memory_space<hbm>> -> memref<1x1x128xi32, #tpu.memory_space<hbm>>
        %dma_start3A_53 = tpu.memref_squeeze %dma_start3A_52 : memref<1x1x128xi32, #tpu.memory_space<hbm>> -> memref<128xi32, #tpu.memory_space<hbm>>
        tpu.enqueue_dma source(%dma_start3A_53 : memref<128xi32, #tpu.memory_space<hbm>>) target(%arg8 : memref<128xi32, #tpu.memory_space<vmem>>) target_semaphore(%arg11 : memref<!tpu.dma_semaphore, #tpu.memory_space<semaphore_mem>>)
      } else {
      }
      %dma_wait3A = arith.constant 0 : i32
      %dma_wait3A_24 = tpu.memref_slice %arg2[%add3A, %add3A_19, %dma_wait3A] : memref<32x80x128xi32, #tpu.memory_space<hbm>> -> memref<1x1x128xi32, #tpu.memory_space<hbm>>
      %dma_wait3A_25 = tpu.memref_squeeze %dma_wait3A_24 : memref<1x1x128xi32, #tpu.memory_space<hbm>> -> memref<128xi32, #tpu.memory_space<hbm>>
      %dma_wait3A_26 = arith.constant 0 : i32
      %dma_wait3A_27 = tpu.memref_slice %arg2[%add3A, %add3A_19, %dma_wait3A_26] : memref<32x80x128xi32, #tpu.memory_space<hbm>> -> memref<1x1x128xi32, #tpu.memory_space<hbm>>
      %dma_wait3A_28 = tpu.memref_squeeze %dma_wait3A_27 : memref<1x1x128xi32, #tpu.memory_space<hbm>> -> memref<128xi32, #tpu.memory_space<hbm>>
      tpu.wait_dma2 semaphore(%arg10 : memref<!tpu.dma_semaphore, #tpu.memory_space<semaphore_mem>>) src(%dma_wait3A_28 : memref<128xi32, #tpu.memory_space<hbm>>) dst(%arg7 : memref<128xi32, #tpu.memory_space<vmem>>)
      "tpu.region"() ({
        %run_scoped3A = tpu.sem_alloc : memref<!tpu.dma_semaphore, #tpu.memory_space<semaphore_mem>>
        %dma_start3A_46 = arith.constant 0 : i32
        %dma_start3A_47 = arith.constant 0 : i32
        %dma_start3A_48 = tpu.memref_slice %arg6[%dma_start3A_46, %dma_start3A_47] : memref<10112x128xf32, #tpu.memory_space<vmem_shared>> -> memref<10112x128xf32, #tpu.memory_space<vmem_shared>>
        tpu.enqueue_indirect_dma source(%arg9 : memref<128x128xf32, #tpu.memory_space<vmem>>) target(%dma_start3A_48 : memref<10112x128xf32, #tpu.memory_space<vmem_shared>>) offsets(%arg7 : memref<128xi32, #tpu.memory_space<vmem>>) semaphore(%run_scoped3A : memref<!tpu.dma_semaphore, #tpu.memory_space<semaphore_mem>>) {add = true}
        %dma_wait3A_49 = arith.constant 0 : i32
        %dma_wait3A_50 = arith.constant 0 : i32
        %dma_wait3A_51 = tpu.memref_slice %arg6[%dma_wait3A_49, %dma_wait3A_50] : memref<10112x128xf32, #tpu.memory_space<vmem_shared>> -> memref<10112x128xf32, #tpu.memory_space<vmem_shared>>
        tpu.wait_indirect_dma semaphore(%run_scoped3A : memref<!tpu.dma_semaphore, #tpu.memory_space<semaphore_mem>>) src(%arg9 : memref<128x128xf32, #tpu.memory_space<vmem>>) dst(%dma_wait3A_51 : memref<10112x128xf32, #tpu.memory_space<vmem_shared>>)
        tpu.yield
      }) : () -> ()
      %mul3A_29 = arith.constant 2 : i32
      %mul3A_30 = arith.muli %scan3A_15, %mul3A_29 : i32
      %add3A_31 = arith.constant 1 : i32
      %add3A_32 = arith.addi %mul3A_30, %add3A_31 : i32
      %add3A_33 = arith.constant 1 : i32
      %add3A_34 = arith.addi %add3A_32, %add3A_33 : i32
      %lt3A_35 = arith.constant 80 : i32
      %lt3A_36 = arith.cmpi slt, %add3A_34, %lt3A_35 : i32
      %convert_element_type3A_37 = arith.extui %lt3A_36 : i1 to i32
      %cond3A_38 = arith.constant 0 : i32
      %cond3A_39 = arith.cmpi ne, %convert_element_type3A_37, %cond3A_38 : i32
      scf.if %cond3A_39 {
        %add3A_46 = arith.constant 1 : i32
        %add3A_47 = arith.addi %add3A_32, %add3A_46 : i32
        %dma_start3A_48 = arith.constant 0 : i32
        %dma_start3A_49 = tpu.memref_slice %arg2[%add3A, %add3A_47, %dma_start3A_48] : memref<32x80x128xi32, #tpu.memory_space<hbm>> -> memref<1x1x128xi32, #tpu.memory_space<hbm>>
        %dma_start3A_50 = tpu.memref_squeeze %dma_start3A_49 : memref<1x1x128xi32, #tpu.memory_space<hbm>> -> memref<128xi32, #tpu.memory_space<hbm>>
        %dma_start3A_51 = arith.constant 0 : i32
        %dma_start3A_52 = tpu.memref_slice %arg2[%add3A, %add3A_47, %dma_start3A_51] : memref<32x80x128xi32, #tpu.memory_space<hbm>> -> memref<1x1x128xi32, #tpu.memory_space<hbm>>
        %dma_start3A_53 = tpu.memref_squeeze %dma_start3A_52 : memref<1x1x128xi32, #tpu.memory_space<hbm>> -> memref<128xi32, #tpu.memory_space<hbm>>
        tpu.enqueue_dma source(%dma_start3A_53 : memref<128xi32, #tpu.memory_space<hbm>>) target(%arg7 : memref<128xi32, #tpu.memory_space<vmem>>) target_semaphore(%arg10 : memref<!tpu.dma_semaphore, #tpu.memory_space<semaphore_mem>>)
      } else {
      }
      %dma_wait3A_40 = arith.constant 0 : i32
      %dma_wait3A_41 = tpu.memref_slice %arg2[%add3A, %add3A_32, %dma_wait3A_40] : memref<32x80x128xi32, #tpu.memory_space<hbm>> -> memref<1x1x128xi32, #tpu.memory_space<hbm>>
      %dma_wait3A_42 = tpu.memref_squeeze %dma_wait3A_41 : memref<1x1x128xi32, #tpu.memory_space<hbm>> -> memref<128xi32, #tpu.memory_space<hbm>>
      %dma_wait3A_43 = arith.constant 0 : i32
      %dma_wait3A_44 = tpu.memref_slice %arg2[%add3A, %add3A_32, %dma_wait3A_43] : memref<32x80x128xi32, #tpu.memory_space<hbm>> -> memref<1x1x128xi32, #tpu.memory_space<hbm>>
      %dma_wait3A_45 = tpu.memref_squeeze %dma_wait3A_44 : memref<1x1x128xi32, #tpu.memory_space<hbm>> -> memref<128xi32, #tpu.memory_space<hbm>>
      tpu.wait_dma2 semaphore(%arg11 : memref<!tpu.dma_semaphore, #tpu.memory_space<semaphore_mem>>) src(%dma_wait3A_45 : memref<128xi32, #tpu.memory_space<hbm>>) dst(%arg8 : memref<128xi32, #tpu.memory_space<vmem>>)
      "tpu.region"() ({
        %run_scoped3A = tpu.sem_alloc : memref<!tpu.dma_semaphore, #tpu.memory_space<semaphore_mem>>
        %dma_start3A_46 = arith.constant 0 : i32
        %dma_start3A_47 = arith.constant 0 : i32
        %dma_start3A_48 = tpu.memref_slice %arg6[%dma_start3A_46, %dma_start3A_47] : memref<10112x128xf32, #tpu.memory_space<vmem_shared>> -> memref<10112x128xf32, #tpu.memory_space<vmem_shared>>
        tpu.enqueue_indirect_dma source(%arg9 : memref<128x128xf32, #tpu.memory_space<vmem>>) target(%dma_start3A_48 : memref<10112x128xf32, #tpu.memory_space<vmem_shared>>) offsets(%arg8 : memref<128xi32, #tpu.memory_space<vmem>>) semaphore(%run_scoped3A : memref<!tpu.dma_semaphore, #tpu.memory_space<semaphore_mem>>) {add = true}
        %dma_wait3A_49 = arith.constant 0 : i32
        %dma_wait3A_50 = arith.constant 0 : i32
        %dma_wait3A_51 = tpu.memref_slice %arg6[%dma_wait3A_49, %dma_wait3A_50] : memref<10112x128xf32, #tpu.memory_space<vmem_shared>> -> memref<10112x128xf32, #tpu.memory_space<vmem_shared>>
        tpu.wait_indirect_dma semaphore(%run_scoped3A : memref<!tpu.dma_semaphore, #tpu.memory_space<semaphore_mem>>) src(%arg9 : memref<128x128xf32, #tpu.memory_space<vmem>>) dst(%dma_wait3A_51 : memref<10112x128xf32, #tpu.memory_space<vmem_shared>>)
        tpu.yield
      }) : () -> ()
    }
    %scan3A_13 = arith.constant 40 : i32
    %barrier3A_14 = arith.constant 0 : index
    tpu.barrier barrier_id(%barrier3A_14)
    "tpu.region"() ({
      %run_scoped3A = tpu.sem_alloc : memref<!tpu.dma_semaphore, #tpu.memory_space<semaphore_mem>>
      %dma_start3A_15 = arith.constant 0 : i32
      %dma_start3A_16 = tpu.memref_slice %arg5[%arg0, %mul3A_2, %dma_start3A_15] : memref<2x10112x128xf32, #tpu.memory_space<hbm>> -> memref<1x632x128xf32, #tpu.memory_space<hbm>>
      %dma_start3A_17 = tpu.memref_squeeze %dma_start3A_16 : memref<1x632x128xf32, #tpu.memory_space<hbm>> -> memref<632x128xf32, #tpu.memory_space<hbm>>
      %dma_start3A_18 = arith.constant 0 : i32
      %dma_start3A_19 = tpu.memref_slice %arg6[%mul3A_2, %dma_start3A_18] : memref<10112x128xf32, #tpu.memory_space<vmem_shared>> -> memref<632x128xf32, #tpu.memory_space<vmem_shared>>
      tpu.enqueue_dma source(%dma_start3A_19 : memref<632x128xf32, #tpu.memory_space<vmem_shared>>) target(%dma_start3A_17 : memref<632x128xf32, #tpu.memory_space<hbm>>) target_semaphore(%run_scoped3A : memref<!tpu.dma_semaphore, #tpu.memory_space<semaphore_mem>>)
      %dma_wait3A = arith.constant 0 : i32
      %dma_wait3A_20 = tpu.memref_slice %arg5[%arg0, %mul3A_2, %dma_wait3A] : memref<2x10112x128xf32, #tpu.memory_space<hbm>> -> memref<1x632x128xf32, #tpu.memory_space<hbm>>
      %dma_wait3A_21 = tpu.memref_squeeze %dma_wait3A_20 : memref<1x632x128xf32, #tpu.memory_space<hbm>> -> memref<632x128xf32, #tpu.memory_space<hbm>>
      %dma_wait3A_22 = arith.constant 0 : i32
      %dma_wait3A_23 = tpu.memref_slice %arg6[%mul3A_2, %dma_wait3A_22] : memref<10112x128xf32, #tpu.memory_space<vmem_shared>> -> memref<632x128xf32, #tpu.memory_space<vmem_shared>>
      tpu.wait_dma2 semaphore(%run_scoped3A : memref<!tpu.dma_semaphore, #tpu.memory_space<semaphore_mem>>) src(%dma_wait3A_23 : memref<632x128xf32, #tpu.memory_space<vmem_shared>>) dst(%dma_wait3A_21 : memref<632x128xf32, #tpu.memory_space<hbm>>)
      tpu.yield
    }) : () -> ()
    return
  }
}

#map = affine_map<(d0, d1) -> (0, 0)>
#map1 = affine_map<(d0, d1) -> (0, 0, 0)>
module attributes {stable_mosaic.version = 14 : i64} {
  func.func @seg(%arg0: i32, %arg1: i32, %arg2: memref<10112x128xf32, #tpu.memory_space<hbm>>, %arg3: memref<16x118x128xi32, #tpu.memory_space<hbm>>, %arg4: memref<16x118x128xi32, #tpu.memory_space<hbm>>, %arg5: memref<16x40x128xi32, #tpu.memory_space<hbm>>, %arg6: memref<16x40x128xi32, #tpu.memory_space<hbm>>, %arg7: memref<632x128xf32, #tpu.memory_space<hbm>>, %arg8: memref<2x10112x128xf32, #tpu.memory_space<hbm>>, %arg9: memref<10112x128xf32, #tpu.memory_space<vmem_shared>>, %arg10: memref<128xi32, #tpu.memory_space<vmem>>, %arg11: memref<128xi32, #tpu.memory_space<vmem>>, %arg12: memref<128xi32, #tpu.memory_space<vmem>>, %arg13: memref<128xi32, #tpu.memory_space<vmem>>, %arg14: memref<128x128xf32, #tpu.memory_space<vmem>>, %arg15: memref<128x128xf32, #tpu.memory_space<vmem>>, %arg16: memref<!tpu.dma_semaphore, #tpu.memory_space<semaphore_mem>>, %arg17: memref<!tpu.dma_semaphore, #tpu.memory_space<semaphore_mem>>) attributes {dimension_semantics = [#tpu.dimension_semantics<core_parallel>, #tpu.dimension_semantics<subcore_parallel>], iteration_bounds = array<i64: 2, 16>, scalar_prefetch = 0 : i64, scratch_operands = 9 : i64, tpu.core_type = #tpu.core_type<sc_vector_subcore>, window_params = [{transform_indices = #map}, {transform_indices = #map1}, {transform_indices = #map1}, {transform_indices = #map1}, {transform_indices = #map1}, {transform_indices = #map}, {transform_indices = #map1}]} {
    %mul3A = arith.constant 632 : i32
    %mul3A_0 = arith.muli %arg1, %mul3A : i32
    "tpu.region"() ({
      %run_scoped3A = tpu.sem_alloc : memref<!tpu.dma_semaphore, #tpu.memory_space<semaphore_mem>>
      %dma_start3A = arith.constant 0 : i32
      %dma_start3A_9 = tpu.memref_slice %arg9[%mul3A_0, %dma_start3A] : memref<10112x128xf32, #tpu.memory_space<vmem_shared>> -> memref<632x128xf32, #tpu.memory_space<vmem_shared>>
      tpu.enqueue_dma source(%arg7 : memref<632x128xf32, #tpu.memory_space<hbm>>) target(%dma_start3A_9 : memref<632x128xf32, #tpu.memory_space<vmem_shared>>) target_semaphore(%run_scoped3A : memref<!tpu.dma_semaphore, #tpu.memory_space<semaphore_mem>>)
      %dma_wait3A = arith.constant 0 : i32
      %dma_wait3A_10 = tpu.memref_slice %arg9[%mul3A_0, %dma_wait3A] : memref<10112x128xf32, #tpu.memory_space<vmem_shared>> -> memref<632x128xf32, #tpu.memory_space<vmem_shared>>
      tpu.wait_dma2 semaphore(%run_scoped3A : memref<!tpu.dma_semaphore, #tpu.memory_space<semaphore_mem>>) src(%arg7 : memref<632x128xf32, #tpu.memory_space<hbm>>) dst(%dma_wait3A_10 : memref<632x128xf32, #tpu.memory_space<vmem_shared>>)
      tpu.yield
    }) : () -> ()
    %barrier3A = arith.constant 0 : index
    tpu.barrier barrier_id(%barrier3A)
    %eq3A = arith.constant 0 : i32
    %eq3A_1 = arith.cmpi eq, %arg0, %eq3A : i32
    %convert_element_type3A = arith.extui %eq3A_1 : i1 to i32
    %cond3A = arith.constant 0 : i32
    %cond3A_2 = arith.cmpi ne, %convert_element_type3A, %cond3A : i32
    scf.if %cond3A_2 {
      %run_scoped3A = arith.constant 0 : i32
      "tpu.region"() ({
        %run_scoped3A_17 = tpu.sem_alloc : memref<!tpu.dma_semaphore, #tpu.memory_space<semaphore_mem>>
        %dma_start3A_18 = arith.constant 0 : i32
        %dma_start3A_19 = tpu.memref_slice %arg3[%arg1, %run_scoped3A, %dma_start3A_18] : memref<16x118x128xi32, #tpu.memory_space<hbm>> -> memref<1x1x128xi32, #tpu.memory_space<hbm>>
        %dma_start3A_20 = tpu.memref_squeeze %dma_start3A_19 : memref<1x1x128xi32, #tpu.memory_space<hbm>> -> memref<128xi32, #tpu.memory_space<hbm>>
        %dma_start3A_21 = arith.constant 0 : i32
        %dma_start3A_22 = tpu.memref_slice %arg3[%arg1, %run_scoped3A, %dma_start3A_21] : memref<16x118x128xi32, #tpu.memory_space<hbm>> -> memref<1x1x128xi32, #tpu.memory_space<hbm>>
        %dma_start3A_23 = tpu.memref_squeeze %dma_start3A_22 : memref<1x1x128xi32, #tpu.memory_space<hbm>> -> memref<128xi32, #tpu.memory_space<hbm>>
        tpu.enqueue_dma source(%dma_start3A_23 : memref<128xi32, #tpu.memory_space<hbm>>) target(%arg10 : memref<128xi32, #tpu.memory_space<vmem>>) target_semaphore(%run_scoped3A_17 : memref<!tpu.dma_semaphore, #tpu.memory_space<semaphore_mem>>)
        %dma_wait3A = arith.constant 0 : i32
        %dma_wait3A_24 = tpu.memref_slice %arg3[%arg1, %run_scoped3A, %dma_wait3A] : memref<16x118x128xi32, #tpu.memory_space<hbm>> -> memref<1x1x128xi32, #tpu.memory_space<hbm>>
        %dma_wait3A_25 = tpu.memref_squeeze %dma_wait3A_24 : memref<1x1x128xi32, #tpu.memory_space<hbm>> -> memref<128xi32, #tpu.memory_space<hbm>>
        %dma_wait3A_26 = arith.constant 0 : i32
        %dma_wait3A_27 = tpu.memref_slice %arg3[%arg1, %run_scoped3A, %dma_wait3A_26] : memref<16x118x128xi32, #tpu.memory_space<hbm>> -> memref<1x1x128xi32, #tpu.memory_space<hbm>>
        %dma_wait3A_28 = tpu.memref_squeeze %dma_wait3A_27 : memref<1x1x128xi32, #tpu.memory_space<hbm>> -> memref<128xi32, #tpu.memory_space<hbm>>
        tpu.wait_dma2 semaphore(%run_scoped3A_17 : memref<!tpu.dma_semaphore, #tpu.memory_space<semaphore_mem>>) src(%dma_wait3A_28 : memref<128xi32, #tpu.memory_space<hbm>>) dst(%arg10 : memref<128xi32, #tpu.memory_space<vmem>>)
        tpu.yield
      }) : () -> ()
      %run_scoped3A_9 = arith.constant 0 : i32
      "tpu.region"() ({
        %run_scoped3A_17 = tpu.sem_alloc : memref<!tpu.dma_semaphore, #tpu.memory_space<semaphore_mem>>
        %dma_start3A_18 = arith.constant 0 : i32
        %dma_start3A_19 = tpu.memref_slice %arg4[%arg1, %run_scoped3A_9, %dma_start3A_18] : memref<16x118x128xi32, #tpu.memory_space<hbm>> -> memref<1x1x128xi32, #tpu.memory_space<hbm>>
        %dma_start3A_20 = tpu.memref_squeeze %dma_start3A_19 : memref<1x1x128xi32, #tpu.memory_space<hbm>> -> memref<128xi32, #tpu.memory_space<hbm>>
        %dma_start3A_21 = arith.constant 0 : i32
        %dma_start3A_22 = tpu.memref_slice %arg4[%arg1, %run_scoped3A_9, %dma_start3A_21] : memref<16x118x128xi32, #tpu.memory_space<hbm>> -> memref<1x1x128xi32, #tpu.memory_space<hbm>>
        %dma_start3A_23 = tpu.memref_squeeze %dma_start3A_22 : memref<1x1x128xi32, #tpu.memory_space<hbm>> -> memref<128xi32, #tpu.memory_space<hbm>>
        tpu.enqueue_dma source(%dma_start3A_23 : memref<128xi32, #tpu.memory_space<hbm>>) target(%arg12 : memref<128xi32, #tpu.memory_space<vmem>>) target_semaphore(%run_scoped3A_17 : memref<!tpu.dma_semaphore, #tpu.memory_space<semaphore_mem>>)
        %dma_wait3A = arith.constant 0 : i32
        %dma_wait3A_24 = tpu.memref_slice %arg4[%arg1, %run_scoped3A_9, %dma_wait3A] : memref<16x118x128xi32, #tpu.memory_space<hbm>> -> memref<1x1x128xi32, #tpu.memory_space<hbm>>
        %dma_wait3A_25 = tpu.memref_squeeze %dma_wait3A_24 : memref<1x1x128xi32, #tpu.memory_space<hbm>> -> memref<128xi32, #tpu.memory_space<hbm>>
        %dma_wait3A_26 = arith.constant 0 : i32
        %dma_wait3A_27 = tpu.memref_slice %arg4[%arg1, %run_scoped3A_9, %dma_wait3A_26] : memref<16x118x128xi32, #tpu.memory_space<hbm>> -> memref<1x1x128xi32, #tpu.memory_space<hbm>>
        %dma_wait3A_28 = tpu.memref_squeeze %dma_wait3A_27 : memref<1x1x128xi32, #tpu.memory_space<hbm>> -> memref<128xi32, #tpu.memory_space<hbm>>
        tpu.wait_dma2 semaphore(%run_scoped3A_17 : memref<!tpu.dma_semaphore, #tpu.memory_space<semaphore_mem>>) src(%dma_wait3A_28 : memref<128xi32, #tpu.memory_space<hbm>>) dst(%arg12 : memref<128xi32, #tpu.memory_space<vmem>>)
        tpu.yield
      }) : () -> ()
      %dma_start3A = arith.constant 0 : i32
      %dma_start3A_10 = arith.constant 0 : i32
      %dma_start3A_11 = tpu.memref_slice %arg2[%dma_start3A, %dma_start3A_10] : memref<10112x128xf32, #tpu.memory_space<hbm>> -> memref<10112x128xf32, #tpu.memory_space<hbm>>
      tpu.enqueue_indirect_dma source(%dma_start3A_11 : memref<10112x128xf32, #tpu.memory_space<hbm>>) target(%arg14 : memref<128x128xf32, #tpu.memory_space<vmem>>) offsets(%arg10 : memref<128xi32, #tpu.memory_space<vmem>>) semaphore(%arg16 : memref<!tpu.dma_semaphore, #tpu.memory_space<semaphore_mem>>)
      %scan3A = arith.constant 0 : i32
      %scan3A_12 = arith.constant 0 : i32
      %scan3A_13 = arith.constant 59 : i32
      %scan3A_14 = arith.addi %scan3A_12, %scan3A_13 : i32
      %scan3A_15 = arith.constant 1 : i32
      scf.for %scan3A_17 = %scan3A_12 to %scan3A_14 step %scan3A_15  : i32 {
        %mul3A_18 = arith.constant 2 : i32
        %mul3A_19 = arith.muli %scan3A_17, %mul3A_18 : i32
        %add3A = arith.constant 0 : i32
        %add3A_20 = arith.addi %mul3A_19, %add3A : i32
        %add3A_21 = arith.constant 1 : i32
        %add3A_22 = arith.addi %add3A_20, %add3A_21 : i32
        %lt3A = arith.constant 118 : i32
        %lt3A_23 = arith.cmpi slt, %add3A_22, %lt3A : i32
        %convert_element_type3A_24 = arith.extui %lt3A_23 : i1 to i32
        %cond3A_25 = arith.constant 0 : i32
        %cond3A_26 = arith.cmpi ne, %convert_element_type3A_24, %cond3A_25 : i32
        scf.if %cond3A_26 {
          %add3A_43 = arith.constant 1 : i32
          %add3A_44 = arith.addi %add3A_20, %add3A_43 : i32
          "tpu.region"() ({
            %run_scoped3A_50 = tpu.sem_alloc : memref<!tpu.dma_semaphore, #tpu.memory_space<semaphore_mem>>
            %dma_start3A_51 = arith.constant 0 : i32
            %dma_start3A_52 = tpu.memref_slice %arg3[%arg1, %add3A_44, %dma_start3A_51] : memref<16x118x128xi32, #tpu.memory_space<hbm>> -> memref<1x1x128xi32, #tpu.memory_space<hbm>>
            %dma_start3A_53 = tpu.memref_squeeze %dma_start3A_52 : memref<1x1x128xi32, #tpu.memory_space<hbm>> -> memref<128xi32, #tpu.memory_space<hbm>>
            %dma_start3A_54 = arith.constant 0 : i32
            %dma_start3A_55 = tpu.memref_slice %arg3[%arg1, %add3A_44, %dma_start3A_54] : memref<16x118x128xi32, #tpu.memory_space<hbm>> -> memref<1x1x128xi32, #tpu.memory_space<hbm>>
            %dma_start3A_56 = tpu.memref_squeeze %dma_start3A_55 : memref<1x1x128xi32, #tpu.memory_space<hbm>> -> memref<128xi32, #tpu.memory_space<hbm>>
            tpu.enqueue_dma source(%dma_start3A_56 : memref<128xi32, #tpu.memory_space<hbm>>) target(%arg11 : memref<128xi32, #tpu.memory_space<vmem>>) target_semaphore(%run_scoped3A_50 : memref<!tpu.dma_semaphore, #tpu.memory_space<semaphore_mem>>)
            %dma_wait3A_57 = arith.constant 0 : i32
            %dma_wait3A_58 = tpu.memref_slice %arg3[%arg1, %add3A_44, %dma_wait3A_57] : memref<16x118x128xi32, #tpu.memory_space<hbm>> -> memref<1x1x128xi32, #tpu.memory_space<hbm>>
            %dma_wait3A_59 = tpu.memref_squeeze %dma_wait3A_58 : memref<1x1x128xi32, #tpu.memory_space<hbm>> -> memref<128xi32, #tpu.memory_space<hbm>>
            %dma_wait3A_60 = arith.constant 0 : i32
            %dma_wait3A_61 = tpu.memref_slice %arg3[%arg1, %add3A_44, %dma_wait3A_60] : memref<16x118x128xi32, #tpu.memory_space<hbm>> -> memref<1x1x128xi32, #tpu.memory_space<hbm>>
            %dma_wait3A_62 = tpu.memref_squeeze %dma_wait3A_61 : memref<1x1x128xi32, #tpu.memory_space<hbm>> -> memref<128xi32, #tpu.memory_space<hbm>>
            tpu.wait_dma2 semaphore(%run_scoped3A_50 : memref<!tpu.dma_semaphore, #tpu.memory_space<semaphore_mem>>) src(%dma_wait3A_62 : memref<128xi32, #tpu.memory_space<hbm>>) dst(%arg11 : memref<128xi32, #tpu.memory_space<vmem>>)
            tpu.yield
          }) : () -> ()
          %add3A_45 = arith.constant 1 : i32
          %add3A_46 = arith.addi %add3A_20, %add3A_45 : i32
          "tpu.region"() ({
            %run_scoped3A_50 = tpu.sem_alloc : memref<!tpu.dma_semaphore, #tpu.memory_space<semaphore_mem>>
            %dma_start3A_51 = arith.constant 0 : i32
            %dma_start3A_52 = tpu.memref_slice %arg4[%arg1, %add3A_46, %dma_start3A_51] : memref<16x118x128xi32, #tpu.memory_space<hbm>> -> memref<1x1x128xi32, #tpu.memory_space<hbm>>
            %dma_start3A_53 = tpu.memref_squeeze %dma_start3A_52 : memref<1x1x128xi32, #tpu.memory_space<hbm>> -> memref<128xi32, #tpu.memory_space<hbm>>
            %dma_start3A_54 = arith.constant 0 : i32
            %dma_start3A_55 = tpu.memref_slice %arg4[%arg1, %add3A_46, %dma_start3A_54] : memref<16x118x128xi32, #tpu.memory_space<hbm>> -> memref<1x1x128xi32, #tpu.memory_space<hbm>>
            %dma_start3A_56 = tpu.memref_squeeze %dma_start3A_55 : memref<1x1x128xi32, #tpu.memory_space<hbm>> -> memref<128xi32, #tpu.memory_space<hbm>>
            tpu.enqueue_dma source(%dma_start3A_56 : memref<128xi32, #tpu.memory_space<hbm>>) target(%arg13 : memref<128xi32, #tpu.memory_space<vmem>>) target_semaphore(%run_scoped3A_50 : memref<!tpu.dma_semaphore, #tpu.memory_space<semaphore_mem>>)
            %dma_wait3A_57 = arith.constant 0 : i32
            %dma_wait3A_58 = tpu.memref_slice %arg4[%arg1, %add3A_46, %dma_wait3A_57] : memref<16x118x128xi32, #tpu.memory_space<hbm>> -> memref<1x1x128xi32, #tpu.memory_space<hbm>>
            %dma_wait3A_59 = tpu.memref_squeeze %dma_wait3A_58 : memref<1x1x128xi32, #tpu.memory_space<hbm>> -> memref<128xi32, #tpu.memory_space<hbm>>
            %dma_wait3A_60 = arith.constant 0 : i32
            %dma_wait3A_61 = tpu.memref_slice %arg4[%arg1, %add3A_46, %dma_wait3A_60] : memref<16x118x128xi32, #tpu.memory_space<hbm>> -> memref<1x1x128xi32, #tpu.memory_space<hbm>>
            %dma_wait3A_62 = tpu.memref_squeeze %dma_wait3A_61 : memref<1x1x128xi32, #tpu.memory_space<hbm>> -> memref<128xi32, #tpu.memory_space<hbm>>
            tpu.wait_dma2 semaphore(%run_scoped3A_50 : memref<!tpu.dma_semaphore, #tpu.memory_space<semaphore_mem>>) src(%dma_wait3A_62 : memref<128xi32, #tpu.memory_space<hbm>>) dst(%arg13 : memref<128xi32, #tpu.memory_space<vmem>>)
            tpu.yield
          }) : () -> ()
          %dma_start3A_47 = arith.constant 0 : i32
          %dma_start3A_48 = arith.constant 0 : i32
          %dma_start3A_49 = tpu.memref_slice %arg2[%dma_start3A_47, %dma_start3A_48] : memref<10112x128xf32, #tpu.memory_space<hbm>> -> memref<10112x128xf32, #tpu.memory_space<hbm>>
          tpu.enqueue_indirect_dma source(%dma_start3A_49 : memref<10112x128xf32, #tpu.memory_space<hbm>>) target(%arg15 : memref<128x128xf32, #tpu.memory_space<vmem>>) offsets(%arg11 : memref<128xi32, #tpu.memory_space<vmem>>) semaphore(%arg17 : memref<!tpu.dma_semaphore, #tpu.memory_space<semaphore_mem>>)
        } else {
        }
        %dma_wait3A = arith.constant 0 : i32
        %dma_wait3A_27 = arith.constant 0 : i32
        %dma_wait3A_28 = tpu.memref_slice %arg2[%dma_wait3A, %dma_wait3A_27] : memref<10112x128xf32, #tpu.memory_space<hbm>> -> memref<10112x128xf32, #tpu.memory_space<hbm>>
        tpu.wait_indirect_dma semaphore(%arg16 : memref<!tpu.dma_semaphore, #tpu.memory_space<semaphore_mem>>) src(%dma_wait3A_28 : memref<10112x128xf32, #tpu.memory_space<hbm>>) dst(%arg14 : memref<128x128xf32, #tpu.memory_space<vmem>>)
        "tpu.region"() ({
          %run_scoped3A_43 = tpu.sem_alloc : memref<!tpu.dma_semaphore, #tpu.memory_space<semaphore_mem>>
          %dma_start3A_44 = arith.constant 0 : i32
          %dma_start3A_45 = arith.constant 0 : i32
          %dma_start3A_46 = tpu.memref_slice %arg9[%dma_start3A_44, %dma_start3A_45] : memref<10112x128xf32, #tpu.memory_space<vmem_shared>> -> memref<10112x128xf32, #tpu.memory_space<vmem_shared>>
          tpu.enqueue_indirect_dma source(%arg14 : memref<128x128xf32, #tpu.memory_space<vmem>>) target(%dma_start3A_46 : memref<10112x128xf32, #tpu.memory_space<vmem_shared>>) offsets(%arg12 : memref<128xi32, #tpu.memory_space<vmem>>) semaphore(%run_scoped3A_43 : memref<!tpu.dma_semaphore, #tpu.memory_space<semaphore_mem>>) {add = true}
          %dma_wait3A_47 = arith.constant 0 : i32
          %dma_wait3A_48 = arith.constant 0 : i32
          %dma_wait3A_49 = tpu.memref_slice %arg9[%dma_wait3A_47, %dma_wait3A_48] : memref<10112x128xf32, #tpu.memory_space<vmem_shared>> -> memref<10112x128xf32, #tpu.memory_space<vmem_shared>>
          tpu.wait_indirect_dma semaphore(%run_scoped3A_43 : memref<!tpu.dma_semaphore, #tpu.memory_space<semaphore_mem>>) src(%arg14 : memref<128x128xf32, #tpu.memory_space<vmem>>) dst(%dma_wait3A_49 : memref<10112x128xf32, #tpu.memory_space<vmem_shared>>)
          tpu.yield
        }) : () -> ()
        %mul3A_29 = arith.constant 2 : i32
        %mul3A_30 = arith.muli %scan3A_17, %mul3A_29 : i32
        %add3A_31 = arith.constant 1 : i32
        %add3A_32 = arith.addi %mul3A_30, %add3A_31 : i32
        %add3A_33 = arith.constant 1 : i32
        %add3A_34 = arith.addi %add3A_32, %add3A_33 : i32
        %lt3A_35 = arith.constant 118 : i32
        %lt3A_36 = arith.cmpi slt, %add3A_34, %lt3A_35 : i32
        %convert_element_type3A_37 = arith.extui %lt3A_36 : i1 to i32
        %cond3A_38 = arith.constant 0 : i32
        %cond3A_39 = arith.cmpi ne, %convert_element_type3A_37, %cond3A_38 : i32
        scf.if %cond3A_39 {
          %add3A_43 = arith.constant 1 : i32
          %add3A_44 = arith.addi %add3A_32, %add3A_43 : i32
          "tpu.region"() ({
            %run_scoped3A_50 = tpu.sem_alloc : memref<!tpu.dma_semaphore, #tpu.memory_space<semaphore_mem>>
            %dma_start3A_51 = arith.constant 0 : i32
            %dma_start3A_52 = tpu.memref_slice %arg3[%arg1, %add3A_44, %dma_start3A_51] : memref<16x118x128xi32, #tpu.memory_space<hbm>> -> memref<1x1x128xi32, #tpu.memory_space<hbm>>
            %dma_start3A_53 = tpu.memref_squeeze %dma_start3A_52 : memref<1x1x128xi32, #tpu.memory_space<hbm>> -> memref<128xi32, #tpu.memory_space<hbm>>
            %dma_start3A_54 = arith.constant 0 : i32
            %dma_start3A_55 = tpu.memref_slice %arg3[%arg1, %add3A_44, %dma_start3A_54] : memref<16x118x128xi32, #tpu.memory_space<hbm>> -> memref<1x1x128xi32, #tpu.memory_space<hbm>>
            %dma_start3A_56 = tpu.memref_squeeze %dma_start3A_55 : memref<1x1x128xi32, #tpu.memory_space<hbm>> -> memref<128xi32, #tpu.memory_space<hbm>>
            tpu.enqueue_dma source(%dma_start3A_56 : memref<128xi32, #tpu.memory_space<hbm>>) target(%arg10 : memref<128xi32, #tpu.memory_space<vmem>>) target_semaphore(%run_scoped3A_50 : memref<!tpu.dma_semaphore, #tpu.memory_space<semaphore_mem>>)
            %dma_wait3A_57 = arith.constant 0 : i32
            %dma_wait3A_58 = tpu.memref_slice %arg3[%arg1, %add3A_44, %dma_wait3A_57] : memref<16x118x128xi32, #tpu.memory_space<hbm>> -> memref<1x1x128xi32, #tpu.memory_space<hbm>>
            %dma_wait3A_59 = tpu.memref_squeeze %dma_wait3A_58 : memref<1x1x128xi32, #tpu.memory_space<hbm>> -> memref<128xi32, #tpu.memory_space<hbm>>
            %dma_wait3A_60 = arith.constant 0 : i32
            %dma_wait3A_61 = tpu.memref_slice %arg3[%arg1, %add3A_44, %dma_wait3A_60] : memref<16x118x128xi32, #tpu.memory_space<hbm>> -> memref<1x1x128xi32, #tpu.memory_space<hbm>>
            %dma_wait3A_62 = tpu.memref_squeeze %dma_wait3A_61 : memref<1x1x128xi32, #tpu.memory_space<hbm>> -> memref<128xi32, #tpu.memory_space<hbm>>
            tpu.wait_dma2 semaphore(%run_scoped3A_50 : memref<!tpu.dma_semaphore, #tpu.memory_space<semaphore_mem>>) src(%dma_wait3A_62 : memref<128xi32, #tpu.memory_space<hbm>>) dst(%arg10 : memref<128xi32, #tpu.memory_space<vmem>>)
            tpu.yield
          }) : () -> ()
          %add3A_45 = arith.constant 1 : i32
          %add3A_46 = arith.addi %add3A_32, %add3A_45 : i32
          "tpu.region"() ({
            %run_scoped3A_50 = tpu.sem_alloc : memref<!tpu.dma_semaphore, #tpu.memory_space<semaphore_mem>>
            %dma_start3A_51 = arith.constant 0 : i32
            %dma_start3A_52 = tpu.memref_slice %arg4[%arg1, %add3A_46, %dma_start3A_51] : memref<16x118x128xi32, #tpu.memory_space<hbm>> -> memref<1x1x128xi32, #tpu.memory_space<hbm>>
            %dma_start3A_53 = tpu.memref_squeeze %dma_start3A_52 : memref<1x1x128xi32, #tpu.memory_space<hbm>> -> memref<128xi32, #tpu.memory_space<hbm>>
            %dma_start3A_54 = arith.constant 0 : i32
            %dma_start3A_55 = tpu.memref_slice %arg4[%arg1, %add3A_46, %dma_start3A_54] : memref<16x118x128xi32, #tpu.memory_space<hbm>> -> memref<1x1x128xi32, #tpu.memory_space<hbm>>
            %dma_start3A_56 = tpu.memref_squeeze %dma_start3A_55 : memref<1x1x128xi32, #tpu.memory_space<hbm>> -> memref<128xi32, #tpu.memory_space<hbm>>
            tpu.enqueue_dma source(%dma_start3A_56 : memref<128xi32, #tpu.memory_space<hbm>>) target(%arg12 : memref<128xi32, #tpu.memory_space<vmem>>) target_semaphore(%run_scoped3A_50 : memref<!tpu.dma_semaphore, #tpu.memory_space<semaphore_mem>>)
            %dma_wait3A_57 = arith.constant 0 : i32
            %dma_wait3A_58 = tpu.memref_slice %arg4[%arg1, %add3A_46, %dma_wait3A_57] : memref<16x118x128xi32, #tpu.memory_space<hbm>> -> memref<1x1x128xi32, #tpu.memory_space<hbm>>
            %dma_wait3A_59 = tpu.memref_squeeze %dma_wait3A_58 : memref<1x1x128xi32, #tpu.memory_space<hbm>> -> memref<128xi32, #tpu.memory_space<hbm>>
            %dma_wait3A_60 = arith.constant 0 : i32
            %dma_wait3A_61 = tpu.memref_slice %arg4[%arg1, %add3A_46, %dma_wait3A_60] : memref<16x118x128xi32, #tpu.memory_space<hbm>> -> memref<1x1x128xi32, #tpu.memory_space<hbm>>
            %dma_wait3A_62 = tpu.memref_squeeze %dma_wait3A_61 : memref<1x1x128xi32, #tpu.memory_space<hbm>> -> memref<128xi32, #tpu.memory_space<hbm>>
            tpu.wait_dma2 semaphore(%run_scoped3A_50 : memref<!tpu.dma_semaphore, #tpu.memory_space<semaphore_mem>>) src(%dma_wait3A_62 : memref<128xi32, #tpu.memory_space<hbm>>) dst(%arg12 : memref<128xi32, #tpu.memory_space<vmem>>)
            tpu.yield
          }) : () -> ()
          %dma_start3A_47 = arith.constant 0 : i32
          %dma_start3A_48 = arith.constant 0 : i32
          %dma_start3A_49 = tpu.memref_slice %arg2[%dma_start3A_47, %dma_start3A_48] : memref<10112x128xf32, #tpu.memory_space<hbm>> -> memref<10112x128xf32, #tpu.memory_space<hbm>>
          tpu.enqueue_indirect_dma source(%dma_start3A_49 : memref<10112x128xf32, #tpu.memory_space<hbm>>) target(%arg14 : memref<128x128xf32, #tpu.memory_space<vmem>>) offsets(%arg10 : memref<128xi32, #tpu.memory_space<vmem>>) semaphore(%arg16 : memref<!tpu.dma_semaphore, #tpu.memory_space<semaphore_mem>>)
        } else {
        }
        %dma_wait3A_40 = arith.constant 0 : i32
        %dma_wait3A_41 = arith.constant 0 : i32
        %dma_wait3A_42 = tpu.memref_slice %arg2[%dma_wait3A_40, %dma_wait3A_41] : memref<10112x128xf32, #tpu.memory_space<hbm>> -> memref<10112x128xf32, #tpu.memory_space<hbm>>
        tpu.wait_indirect_dma semaphore(%arg17 : memref<!tpu.dma_semaphore, #tpu.memory_space<semaphore_mem>>) src(%dma_wait3A_42 : memref<10112x128xf32, #tpu.memory_space<hbm>>) dst(%arg15 : memref<128x128xf32, #tpu.memory_space<vmem>>)
        "tpu.region"() ({
          %run_scoped3A_43 = tpu.sem_alloc : memref<!tpu.dma_semaphore, #tpu.memory_space<semaphore_mem>>
          %dma_start3A_44 = arith.constant 0 : i32
          %dma_start3A_45 = arith.constant 0 : i32
          %dma_start3A_46 = tpu.memref_slice %arg9[%dma_start3A_44, %dma_start3A_45] : memref<10112x128xf32, #tpu.memory_space<vmem_shared>> -> memref<10112x128xf32, #tpu.memory_space<vmem_shared>>
          tpu.enqueue_indirect_dma source(%arg15 : memref<128x128xf32, #tpu.memory_space<vmem>>) target(%dma_start3A_46 : memref<10112x128xf32, #tpu.memory_space<vmem_shared>>) offsets(%arg13 : memref<128xi32, #tpu.memory_space<vmem>>) semaphore(%run_scoped3A_43 : memref<!tpu.dma_semaphore, #tpu.memory_space<semaphore_mem>>) {add = true}
          %dma_wait3A_47 = arith.constant 0 : i32
          %dma_wait3A_48 = arith.constant 0 : i32
          %dma_wait3A_49 = tpu.memref_slice %arg9[%dma_wait3A_47, %dma_wait3A_48] : memref<10112x128xf32, #tpu.memory_space<vmem_shared>> -> memref<10112x128xf32, #tpu.memory_space<vmem_shared>>
          tpu.wait_indirect_dma semaphore(%run_scoped3A_43 : memref<!tpu.dma_semaphore, #tpu.memory_space<semaphore_mem>>) src(%arg15 : memref<128x128xf32, #tpu.memory_space<vmem>>) dst(%dma_wait3A_49 : memref<10112x128xf32, #tpu.memory_space<vmem_shared>>)
          tpu.yield
        }) : () -> ()
      }
      %scan3A_16 = arith.constant 59 : i32
    } else {
    }
    %eq3A_3 = arith.constant 1 : i32
    %eq3A_4 = arith.cmpi eq, %arg0, %eq3A_3 : i32
    %convert_element_type3A_5 = arith.extui %eq3A_4 : i1 to i32
    %cond3A_6 = arith.constant 0 : i32
    %cond3A_7 = arith.cmpi ne, %convert_element_type3A_5, %cond3A_6 : i32
    scf.if %cond3A_7 {
      %run_scoped3A = arith.constant 0 : i32
      "tpu.region"() ({
        %run_scoped3A_17 = tpu.sem_alloc : memref<!tpu.dma_semaphore, #tpu.memory_space<semaphore_mem>>
        %dma_start3A_18 = arith.constant 0 : i32
        %dma_start3A_19 = tpu.memref_slice %arg5[%arg1, %run_scoped3A, %dma_start3A_18] : memref<16x40x128xi32, #tpu.memory_space<hbm>> -> memref<1x1x128xi32, #tpu.memory_space<hbm>>
        %dma_start3A_20 = tpu.memref_squeeze %dma_start3A_19 : memref<1x1x128xi32, #tpu.memory_space<hbm>> -> memref<128xi32, #tpu.memory_space<hbm>>
        %dma_start3A_21 = arith.constant 0 : i32
        %dma_start3A_22 = tpu.memref_slice %arg5[%arg1, %run_scoped3A, %dma_start3A_21] : memref<16x40x128xi32, #tpu.memory_space<hbm>> -> memref<1x1x128xi32, #tpu.memory_space<hbm>>
        %dma_start3A_23 = tpu.memref_squeeze %dma_start3A_22 : memref<1x1x128xi32, #tpu.memory_space<hbm>> -> memref<128xi32, #tpu.memory_space<hbm>>
        tpu.enqueue_dma source(%dma_start3A_23 : memref<128xi32, #tpu.memory_space<hbm>>) target(%arg10 : memref<128xi32, #tpu.memory_space<vmem>>) target_semaphore(%run_scoped3A_17 : memref<!tpu.dma_semaphore, #tpu.memory_space<semaphore_mem>>)
        %dma_wait3A = arith.constant 0 : i32
        %dma_wait3A_24 = tpu.memref_slice %arg5[%arg1, %run_scoped3A, %dma_wait3A] : memref<16x40x128xi32, #tpu.memory_space<hbm>> -> memref<1x1x128xi32, #tpu.memory_space<hbm>>
        %dma_wait3A_25 = tpu.memref_squeeze %dma_wait3A_24 : memref<1x1x128xi32, #tpu.memory_space<hbm>> -> memref<128xi32, #tpu.memory_space<hbm>>
        %dma_wait3A_26 = arith.constant 0 : i32
        %dma_wait3A_27 = tpu.memref_slice %arg5[%arg1, %run_scoped3A, %dma_wait3A_26] : memref<16x40x128xi32, #tpu.memory_space<hbm>> -> memref<1x1x128xi32, #tpu.memory_space<hbm>>
        %dma_wait3A_28 = tpu.memref_squeeze %dma_wait3A_27 : memref<1x1x128xi32, #tpu.memory_space<hbm>> -> memref<128xi32, #tpu.memory_space<hbm>>
        tpu.wait_dma2 semaphore(%run_scoped3A_17 : memref<!tpu.dma_semaphore, #tpu.memory_space<semaphore_mem>>) src(%dma_wait3A_28 : memref<128xi32, #tpu.memory_space<hbm>>) dst(%arg10 : memref<128xi32, #tpu.memory_space<vmem>>)
        tpu.yield
      }) : () -> ()
      %run_scoped3A_9 = arith.constant 0 : i32
      "tpu.region"() ({
        %run_scoped3A_17 = tpu.sem_alloc : memref<!tpu.dma_semaphore, #tpu.memory_space<semaphore_mem>>
        %dma_start3A_18 = arith.constant 0 : i32
        %dma_start3A_19 = tpu.memref_slice %arg6[%arg1, %run_scoped3A_9, %dma_start3A_18] : memref<16x40x128xi32, #tpu.memory_space<hbm>> -> memref<1x1x128xi32, #tpu.memory_space<hbm>>
        %dma_start3A_20 = tpu.memref_squeeze %dma_start3A_19 : memref<1x1x128xi32, #tpu.memory_space<hbm>> -> memref<128xi32, #tpu.memory_space<hbm>>
        %dma_start3A_21 = arith.constant 0 : i32
        %dma_start3A_22 = tpu.memref_slice %arg6[%arg1, %run_scoped3A_9, %dma_start3A_21] : memref<16x40x128xi32, #tpu.memory_space<hbm>> -> memref<1x1x128xi32, #tpu.memory_space<hbm>>
        %dma_start3A_23 = tpu.memref_squeeze %dma_start3A_22 : memref<1x1x128xi32, #tpu.memory_space<hbm>> -> memref<128xi32, #tpu.memory_space<hbm>>
        tpu.enqueue_dma source(%dma_start3A_23 : memref<128xi32, #tpu.memory_space<hbm>>) target(%arg12 : memref<128xi32, #tpu.memory_space<vmem>>) target_semaphore(%run_scoped3A_17 : memref<!tpu.dma_semaphore, #tpu.memory_space<semaphore_mem>>)
        %dma_wait3A = arith.constant 0 : i32
        %dma_wait3A_24 = tpu.memref_slice %arg6[%arg1, %run_scoped3A_9, %dma_wait3A] : memref<16x40x128xi32, #tpu.memory_space<hbm>> -> memref<1x1x128xi32, #tpu.memory_space<hbm>>
        %dma_wait3A_25 = tpu.memref_squeeze %dma_wait3A_24 : memref<1x1x128xi32, #tpu.memory_space<hbm>> -> memref<128xi32, #tpu.memory_space<hbm>>
        %dma_wait3A_26 = arith.constant 0 : i32
        %dma_wait3A_27 = tpu.memref_slice %arg6[%arg1, %run_scoped3A_9, %dma_wait3A_26] : memref<16x40x128xi32, #tpu.memory_space<hbm>> -> memref<1x1x128xi32, #tpu.memory_space<hbm>>
        %dma_wait3A_28 = tpu.memref_squeeze %dma_wait3A_27 : memref<1x1x128xi32, #tpu.memory_space<hbm>> -> memref<128xi32, #tpu.memory_space<hbm>>
        tpu.wait_dma2 semaphore(%run_scoped3A_17 : memref<!tpu.dma_semaphore, #tpu.memory_space<semaphore_mem>>) src(%dma_wait3A_28 : memref<128xi32, #tpu.memory_space<hbm>>) dst(%arg12 : memref<128xi32, #tpu.memory_space<vmem>>)
        tpu.yield
      }) : () -> ()
      %dma_start3A = arith.constant 0 : i32
      %dma_start3A_10 = arith.constant 0 : i32
      %dma_start3A_11 = tpu.memref_slice %arg2[%dma_start3A, %dma_start3A_10] : memref<10112x128xf32, #tpu.memory_space<hbm>> -> memref<10112x128xf32, #tpu.memory_space<hbm>>
      tpu.enqueue_indirect_dma source(%dma_start3A_11 : memref<10112x128xf32, #tpu.memory_space<hbm>>) target(%arg14 : memref<128x128xf32, #tpu.memory_space<vmem>>) offsets(%arg10 : memref<128xi32, #tpu.memory_space<vmem>>) semaphore(%arg16 : memref<!tpu.dma_semaphore, #tpu.memory_space<semaphore_mem>>)
      %scan3A = arith.constant 0 : i32
      %scan3A_12 = arith.constant 0 : i32
      %scan3A_13 = arith.constant 20 : i32
      %scan3A_14 = arith.addi %scan3A_12, %scan3A_13 : i32
      %scan3A_15 = arith.constant 1 : i32
      scf.for %scan3A_17 = %scan3A_12 to %scan3A_14 step %scan3A_15  : i32 {
        %mul3A_18 = arith.constant 2 : i32
        %mul3A_19 = arith.muli %scan3A_17, %mul3A_18 : i32
        %add3A = arith.constant 0 : i32
        %add3A_20 = arith.addi %mul3A_19, %add3A : i32
        %add3A_21 = arith.constant 1 : i32
        %add3A_22 = arith.addi %add3A_20, %add3A_21 : i32
        %lt3A = arith.constant 40 : i32
        %lt3A_23 = arith.cmpi slt, %add3A_22, %lt3A : i32
        %convert_element_type3A_24 = arith.extui %lt3A_23 : i1 to i32
        %cond3A_25 = arith.constant 0 : i32
        %cond3A_26 = arith.cmpi ne, %convert_element_type3A_24, %cond3A_25 : i32
        scf.if %cond3A_26 {
          %add3A_43 = arith.constant 1 : i32
          %add3A_44 = arith.addi %add3A_20, %add3A_43 : i32
          "tpu.region"() ({
            %run_scoped3A_50 = tpu.sem_alloc : memref<!tpu.dma_semaphore, #tpu.memory_space<semaphore_mem>>
            %dma_start3A_51 = arith.constant 0 : i32
            %dma_start3A_52 = tpu.memref_slice %arg5[%arg1, %add3A_44, %dma_start3A_51] : memref<16x40x128xi32, #tpu.memory_space<hbm>> -> memref<1x1x128xi32, #tpu.memory_space<hbm>>
            %dma_start3A_53 = tpu.memref_squeeze %dma_start3A_52 : memref<1x1x128xi32, #tpu.memory_space<hbm>> -> memref<128xi32, #tpu.memory_space<hbm>>
            %dma_start3A_54 = arith.constant 0 : i32
            %dma_start3A_55 = tpu.memref_slice %arg5[%arg1, %add3A_44, %dma_start3A_54] : memref<16x40x128xi32, #tpu.memory_space<hbm>> -> memref<1x1x128xi32, #tpu.memory_space<hbm>>
            %dma_start3A_56 = tpu.memref_squeeze %dma_start3A_55 : memref<1x1x128xi32, #tpu.memory_space<hbm>> -> memref<128xi32, #tpu.memory_space<hbm>>
            tpu.enqueue_dma source(%dma_start3A_56 : memref<128xi32, #tpu.memory_space<hbm>>) target(%arg11 : memref<128xi32, #tpu.memory_space<vmem>>) target_semaphore(%run_scoped3A_50 : memref<!tpu.dma_semaphore, #tpu.memory_space<semaphore_mem>>)
            %dma_wait3A_57 = arith.constant 0 : i32
            %dma_wait3A_58 = tpu.memref_slice %arg5[%arg1, %add3A_44, %dma_wait3A_57] : memref<16x40x128xi32, #tpu.memory_space<hbm>> -> memref<1x1x128xi32, #tpu.memory_space<hbm>>
            %dma_wait3A_59 = tpu.memref_squeeze %dma_wait3A_58 : memref<1x1x128xi32, #tpu.memory_space<hbm>> -> memref<128xi32, #tpu.memory_space<hbm>>
            %dma_wait3A_60 = arith.constant 0 : i32
            %dma_wait3A_61 = tpu.memref_slice %arg5[%arg1, %add3A_44, %dma_wait3A_60] : memref<16x40x128xi32, #tpu.memory_space<hbm>> -> memref<1x1x128xi32, #tpu.memory_space<hbm>>
            %dma_wait3A_62 = tpu.memref_squeeze %dma_wait3A_61 : memref<1x1x128xi32, #tpu.memory_space<hbm>> -> memref<128xi32, #tpu.memory_space<hbm>>
            tpu.wait_dma2 semaphore(%run_scoped3A_50 : memref<!tpu.dma_semaphore, #tpu.memory_space<semaphore_mem>>) src(%dma_wait3A_62 : memref<128xi32, #tpu.memory_space<hbm>>) dst(%arg11 : memref<128xi32, #tpu.memory_space<vmem>>)
            tpu.yield
          }) : () -> ()
          %add3A_45 = arith.constant 1 : i32
          %add3A_46 = arith.addi %add3A_20, %add3A_45 : i32
          "tpu.region"() ({
            %run_scoped3A_50 = tpu.sem_alloc : memref<!tpu.dma_semaphore, #tpu.memory_space<semaphore_mem>>
            %dma_start3A_51 = arith.constant 0 : i32
            %dma_start3A_52 = tpu.memref_slice %arg6[%arg1, %add3A_46, %dma_start3A_51] : memref<16x40x128xi32, #tpu.memory_space<hbm>> -> memref<1x1x128xi32, #tpu.memory_space<hbm>>
            %dma_start3A_53 = tpu.memref_squeeze %dma_start3A_52 : memref<1x1x128xi32, #tpu.memory_space<hbm>> -> memref<128xi32, #tpu.memory_space<hbm>>
            %dma_start3A_54 = arith.constant 0 : i32
            %dma_start3A_55 = tpu.memref_slice %arg6[%arg1, %add3A_46, %dma_start3A_54] : memref<16x40x128xi32, #tpu.memory_space<hbm>> -> memref<1x1x128xi32, #tpu.memory_space<hbm>>
            %dma_start3A_56 = tpu.memref_squeeze %dma_start3A_55 : memref<1x1x128xi32, #tpu.memory_space<hbm>> -> memref<128xi32, #tpu.memory_space<hbm>>
            tpu.enqueue_dma source(%dma_start3A_56 : memref<128xi32, #tpu.memory_space<hbm>>) target(%arg13 : memref<128xi32, #tpu.memory_space<vmem>>) target_semaphore(%run_scoped3A_50 : memref<!tpu.dma_semaphore, #tpu.memory_space<semaphore_mem>>)
            %dma_wait3A_57 = arith.constant 0 : i32
            %dma_wait3A_58 = tpu.memref_slice %arg6[%arg1, %add3A_46, %dma_wait3A_57] : memref<16x40x128xi32, #tpu.memory_space<hbm>> -> memref<1x1x128xi32, #tpu.memory_space<hbm>>
            %dma_wait3A_59 = tpu.memref_squeeze %dma_wait3A_58 : memref<1x1x128xi32, #tpu.memory_space<hbm>> -> memref<128xi32, #tpu.memory_space<hbm>>
            %dma_wait3A_60 = arith.constant 0 : i32
            %dma_wait3A_61 = tpu.memref_slice %arg6[%arg1, %add3A_46, %dma_wait3A_60] : memref<16x40x128xi32, #tpu.memory_space<hbm>> -> memref<1x1x128xi32, #tpu.memory_space<hbm>>
            %dma_wait3A_62 = tpu.memref_squeeze %dma_wait3A_61 : memref<1x1x128xi32, #tpu.memory_space<hbm>> -> memref<128xi32, #tpu.memory_space<hbm>>
            tpu.wait_dma2 semaphore(%run_scoped3A_50 : memref<!tpu.dma_semaphore, #tpu.memory_space<semaphore_mem>>) src(%dma_wait3A_62 : memref<128xi32, #tpu.memory_space<hbm>>) dst(%arg13 : memref<128xi32, #tpu.memory_space<vmem>>)
            tpu.yield
          }) : () -> ()
          %dma_start3A_47 = arith.constant 0 : i32
          %dma_start3A_48 = arith.constant 0 : i32
          %dma_start3A_49 = tpu.memref_slice %arg2[%dma_start3A_47, %dma_start3A_48] : memref<10112x128xf32, #tpu.memory_space<hbm>> -> memref<10112x128xf32, #tpu.memory_space<hbm>>
          tpu.enqueue_indirect_dma source(%dma_start3A_49 : memref<10112x128xf32, #tpu.memory_space<hbm>>) target(%arg15 : memref<128x128xf32, #tpu.memory_space<vmem>>) offsets(%arg11 : memref<128xi32, #tpu.memory_space<vmem>>) semaphore(%arg17 : memref<!tpu.dma_semaphore, #tpu.memory_space<semaphore_mem>>)
        } else {
        }
        %dma_wait3A = arith.constant 0 : i32
        %dma_wait3A_27 = arith.constant 0 : i32
        %dma_wait3A_28 = tpu.memref_slice %arg2[%dma_wait3A, %dma_wait3A_27] : memref<10112x128xf32, #tpu.memory_space<hbm>> -> memref<10112x128xf32, #tpu.memory_space<hbm>>
        tpu.wait_indirect_dma semaphore(%arg16 : memref<!tpu.dma_semaphore, #tpu.memory_space<semaphore_mem>>) src(%dma_wait3A_28 : memref<10112x128xf32, #tpu.memory_space<hbm>>) dst(%arg14 : memref<128x128xf32, #tpu.memory_space<vmem>>)
        "tpu.region"() ({
          %run_scoped3A_43 = tpu.sem_alloc : memref<!tpu.dma_semaphore, #tpu.memory_space<semaphore_mem>>
          %dma_start3A_44 = arith.constant 0 : i32
          %dma_start3A_45 = arith.constant 0 : i32
          %dma_start3A_46 = tpu.memref_slice %arg9[%dma_start3A_44, %dma_start3A_45] : memref<10112x128xf32, #tpu.memory_space<vmem_shared>> -> memref<10112x128xf32, #tpu.memory_space<vmem_shared>>
          tpu.enqueue_indirect_dma source(%arg14 : memref<128x128xf32, #tpu.memory_space<vmem>>) target(%dma_start3A_46 : memref<10112x128xf32, #tpu.memory_space<vmem_shared>>) offsets(%arg12 : memref<128xi32, #tpu.memory_space<vmem>>) semaphore(%run_scoped3A_43 : memref<!tpu.dma_semaphore, #tpu.memory_space<semaphore_mem>>) {add = true}
          %dma_wait3A_47 = arith.constant 0 : i32
          %dma_wait3A_48 = arith.constant 0 : i32
          %dma_wait3A_49 = tpu.memref_slice %arg9[%dma_wait3A_47, %dma_wait3A_48] : memref<10112x128xf32, #tpu.memory_space<vmem_shared>> -> memref<10112x128xf32, #tpu.memory_space<vmem_shared>>
          tpu.wait_indirect_dma semaphore(%run_scoped3A_43 : memref<!tpu.dma_semaphore, #tpu.memory_space<semaphore_mem>>) src(%arg14 : memref<128x128xf32, #tpu.memory_space<vmem>>) dst(%dma_wait3A_49 : memref<10112x128xf32, #tpu.memory_space<vmem_shared>>)
          tpu.yield
        }) : () -> ()
        %mul3A_29 = arith.constant 2 : i32
        %mul3A_30 = arith.muli %scan3A_17, %mul3A_29 : i32
        %add3A_31 = arith.constant 1 : i32
        %add3A_32 = arith.addi %mul3A_30, %add3A_31 : i32
        %add3A_33 = arith.constant 1 : i32
        %add3A_34 = arith.addi %add3A_32, %add3A_33 : i32
        %lt3A_35 = arith.constant 40 : i32
        %lt3A_36 = arith.cmpi slt, %add3A_34, %lt3A_35 : i32
        %convert_element_type3A_37 = arith.extui %lt3A_36 : i1 to i32
        %cond3A_38 = arith.constant 0 : i32
        %cond3A_39 = arith.cmpi ne, %convert_element_type3A_37, %cond3A_38 : i32
        scf.if %cond3A_39 {
          %add3A_43 = arith.constant 1 : i32
          %add3A_44 = arith.addi %add3A_32, %add3A_43 : i32
          "tpu.region"() ({
            %run_scoped3A_50 = tpu.sem_alloc : memref<!tpu.dma_semaphore, #tpu.memory_space<semaphore_mem>>
            %dma_start3A_51 = arith.constant 0 : i32
            %dma_start3A_52 = tpu.memref_slice %arg5[%arg1, %add3A_44, %dma_start3A_51] : memref<16x40x128xi32, #tpu.memory_space<hbm>> -> memref<1x1x128xi32, #tpu.memory_space<hbm>>
            %dma_start3A_53 = tpu.memref_squeeze %dma_start3A_52 : memref<1x1x128xi32, #tpu.memory_space<hbm>> -> memref<128xi32, #tpu.memory_space<hbm>>
            %dma_start3A_54 = arith.constant 0 : i32
            %dma_start3A_55 = tpu.memref_slice %arg5[%arg1, %add3A_44, %dma_start3A_54] : memref<16x40x128xi32, #tpu.memory_space<hbm>> -> memref<1x1x128xi32, #tpu.memory_space<hbm>>
            %dma_start3A_56 = tpu.memref_squeeze %dma_start3A_55 : memref<1x1x128xi32, #tpu.memory_space<hbm>> -> memref<128xi32, #tpu.memory_space<hbm>>
            tpu.enqueue_dma source(%dma_start3A_56 : memref<128xi32, #tpu.memory_space<hbm>>) target(%arg10 : memref<128xi32, #tpu.memory_space<vmem>>) target_semaphore(%run_scoped3A_50 : memref<!tpu.dma_semaphore, #tpu.memory_space<semaphore_mem>>)
            %dma_wait3A_57 = arith.constant 0 : i32
            %dma_wait3A_58 = tpu.memref_slice %arg5[%arg1, %add3A_44, %dma_wait3A_57] : memref<16x40x128xi32, #tpu.memory_space<hbm>> -> memref<1x1x128xi32, #tpu.memory_space<hbm>>
            %dma_wait3A_59 = tpu.memref_squeeze %dma_wait3A_58 : memref<1x1x128xi32, #tpu.memory_space<hbm>> -> memref<128xi32, #tpu.memory_space<hbm>>
            %dma_wait3A_60 = arith.constant 0 : i32
            %dma_wait3A_61 = tpu.memref_slice %arg5[%arg1, %add3A_44, %dma_wait3A_60] : memref<16x40x128xi32, #tpu.memory_space<hbm>> -> memref<1x1x128xi32, #tpu.memory_space<hbm>>
            %dma_wait3A_62 = tpu.memref_squeeze %dma_wait3A_61 : memref<1x1x128xi32, #tpu.memory_space<hbm>> -> memref<128xi32, #tpu.memory_space<hbm>>
            tpu.wait_dma2 semaphore(%run_scoped3A_50 : memref<!tpu.dma_semaphore, #tpu.memory_space<semaphore_mem>>) src(%dma_wait3A_62 : memref<128xi32, #tpu.memory_space<hbm>>) dst(%arg10 : memref<128xi32, #tpu.memory_space<vmem>>)
            tpu.yield
          }) : () -> ()
          %add3A_45 = arith.constant 1 : i32
          %add3A_46 = arith.addi %add3A_32, %add3A_45 : i32
          "tpu.region"() ({
            %run_scoped3A_50 = tpu.sem_alloc : memref<!tpu.dma_semaphore, #tpu.memory_space<semaphore_mem>>
            %dma_start3A_51 = arith.constant 0 : i32
            %dma_start3A_52 = tpu.memref_slice %arg6[%arg1, %add3A_46, %dma_start3A_51] : memref<16x40x128xi32, #tpu.memory_space<hbm>> -> memref<1x1x128xi32, #tpu.memory_space<hbm>>
            %dma_start3A_53 = tpu.memref_squeeze %dma_start3A_52 : memref<1x1x128xi32, #tpu.memory_space<hbm>> -> memref<128xi32, #tpu.memory_space<hbm>>
            %dma_start3A_54 = arith.constant 0 : i32
            %dma_start3A_55 = tpu.memref_slice %arg6[%arg1, %add3A_46, %dma_start3A_54] : memref<16x40x128xi32, #tpu.memory_space<hbm>> -> memref<1x1x128xi32, #tpu.memory_space<hbm>>
            %dma_start3A_56 = tpu.memref_squeeze %dma_start3A_55 : memref<1x1x128xi32, #tpu.memory_space<hbm>> -> memref<128xi32, #tpu.memory_space<hbm>>
            tpu.enqueue_dma source(%dma_start3A_56 : memref<128xi32, #tpu.memory_space<hbm>>) target(%arg12 : memref<128xi32, #tpu.memory_space<vmem>>) target_semaphore(%run_scoped3A_50 : memref<!tpu.dma_semaphore, #tpu.memory_space<semaphore_mem>>)
            %dma_wait3A_57 = arith.constant 0 : i32
            %dma_wait3A_58 = tpu.memref_slice %arg6[%arg1, %add3A_46, %dma_wait3A_57] : memref<16x40x128xi32, #tpu.memory_space<hbm>> -> memref<1x1x128xi32, #tpu.memory_space<hbm>>
            %dma_wait3A_59 = tpu.memref_squeeze %dma_wait3A_58 : memref<1x1x128xi32, #tpu.memory_space<hbm>> -> memref<128xi32, #tpu.memory_space<hbm>>
            %dma_wait3A_60 = arith.constant 0 : i32
            %dma_wait3A_61 = tpu.memref_slice %arg6[%arg1, %add3A_46, %dma_wait3A_60] : memref<16x40x128xi32, #tpu.memory_space<hbm>> -> memref<1x1x128xi32, #tpu.memory_space<hbm>>
            %dma_wait3A_62 = tpu.memref_squeeze %dma_wait3A_61 : memref<1x1x128xi32, #tpu.memory_space<hbm>> -> memref<128xi32, #tpu.memory_space<hbm>>
            tpu.wait_dma2 semaphore(%run_scoped3A_50 : memref<!tpu.dma_semaphore, #tpu.memory_space<semaphore_mem>>) src(%dma_wait3A_62 : memref<128xi32, #tpu.memory_space<hbm>>) dst(%arg12 : memref<128xi32, #tpu.memory_space<vmem>>)
            tpu.yield
          }) : () -> ()
          %dma_start3A_47 = arith.constant 0 : i32
          %dma_start3A_48 = arith.constant 0 : i32
          %dma_start3A_49 = tpu.memref_slice %arg2[%dma_start3A_47, %dma_start3A_48] : memref<10112x128xf32, #tpu.memory_space<hbm>> -> memref<10112x128xf32, #tpu.memory_space<hbm>>
          tpu.enqueue_indirect_dma source(%dma_start3A_49 : memref<10112x128xf32, #tpu.memory_space<hbm>>) target(%arg14 : memref<128x128xf32, #tpu.memory_space<vmem>>) offsets(%arg10 : memref<128xi32, #tpu.memory_space<vmem>>) semaphore(%arg16 : memref<!tpu.dma_semaphore, #tpu.memory_space<semaphore_mem>>)
        } else {
        }
        %dma_wait3A_40 = arith.constant 0 : i32
        %dma_wait3A_41 = arith.constant 0 : i32
        %dma_wait3A_42 = tpu.memref_slice %arg2[%dma_wait3A_40, %dma_wait3A_41] : memref<10112x128xf32, #tpu.memory_space<hbm>> -> memref<10112x128xf32, #tpu.memory_space<hbm>>
        tpu.wait_indirect_dma semaphore(%arg17 : memref<!tpu.dma_semaphore, #tpu.memory_space<semaphore_mem>>) src(%dma_wait3A_42 : memref<10112x128xf32, #tpu.memory_space<hbm>>) dst(%arg15 : memref<128x128xf32, #tpu.memory_space<vmem>>)
        "tpu.region"() ({
          %run_scoped3A_43 = tpu.sem_alloc : memref<!tpu.dma_semaphore, #tpu.memory_space<semaphore_mem>>
          %dma_start3A_44 = arith.constant 0 : i32
          %dma_start3A_45 = arith.constant 0 : i32
          %dma_start3A_46 = tpu.memref_slice %arg9[%dma_start3A_44, %dma_start3A_45] : memref<10112x128xf32, #tpu.memory_space<vmem_shared>> -> memref<10112x128xf32, #tpu.memory_space<vmem_shared>>
          tpu.enqueue_indirect_dma source(%arg15 : memref<128x128xf32, #tpu.memory_space<vmem>>) target(%dma_start3A_46 : memref<10112x128xf32, #tpu.memory_space<vmem_shared>>) offsets(%arg13 : memref<128xi32, #tpu.memory_space<vmem>>) semaphore(%run_scoped3A_43 : memref<!tpu.dma_semaphore, #tpu.memory_space<semaphore_mem>>) {add = true}
          %dma_wait3A_47 = arith.constant 0 : i32
          %dma_wait3A_48 = arith.constant 0 : i32
          %dma_wait3A_49 = tpu.memref_slice %arg9[%dma_wait3A_47, %dma_wait3A_48] : memref<10112x128xf32, #tpu.memory_space<vmem_shared>> -> memref<10112x128xf32, #tpu.memory_space<vmem_shared>>
          tpu.wait_indirect_dma semaphore(%run_scoped3A_43 : memref<!tpu.dma_semaphore, #tpu.memory_space<semaphore_mem>>) src(%arg15 : memref<128x128xf32, #tpu.memory_space<vmem>>) dst(%dma_wait3A_49 : memref<10112x128xf32, #tpu.memory_space<vmem_shared>>)
          tpu.yield
        }) : () -> ()
      }
      %scan3A_16 = arith.constant 20 : i32
    } else {
    }
    %barrier3A_8 = arith.constant 0 : index
    tpu.barrier barrier_id(%barrier3A_8)
    "tpu.region"() ({
      %run_scoped3A = tpu.sem_alloc : memref<!tpu.dma_semaphore, #tpu.memory_space<semaphore_mem>>
      %dma_start3A = arith.constant 0 : i32
      %dma_start3A_9 = tpu.memref_slice %arg8[%arg0, %mul3A_0, %dma_start3A] : memref<2x10112x128xf32, #tpu.memory_space<hbm>> -> memref<1x632x128xf32, #tpu.memory_space<hbm>>
      %dma_start3A_10 = tpu.memref_squeeze %dma_start3A_9 : memref<1x632x128xf32, #tpu.memory_space<hbm>> -> memref<632x128xf32, #tpu.memory_space<hbm>>
      %dma_start3A_11 = arith.constant 0 : i32
      %dma_start3A_12 = tpu.memref_slice %arg9[%mul3A_0, %dma_start3A_11] : memref<10112x128xf32, #tpu.memory_space<vmem_shared>> -> memref<632x128xf32, #tpu.memory_space<vmem_shared>>
      tpu.enqueue_dma source(%dma_start3A_12 : memref<632x128xf32, #tpu.memory_space<vmem_shared>>) target(%dma_start3A_10 : memref<632x128xf32, #tpu.memory_space<hbm>>) target_semaphore(%run_scoped3A : memref<!tpu.dma_semaphore, #tpu.memory_space<semaphore_mem>>)
      %dma_wait3A = arith.constant 0 : i32
      %dma_wait3A_13 = tpu.memref_slice %arg8[%arg0, %mul3A_0, %dma_wait3A] : memref<2x10112x128xf32, #tpu.memory_space<hbm>> -> memref<1x632x128xf32, #tpu.memory_space<hbm>>
      %dma_wait3A_14 = tpu.memref_squeeze %dma_wait3A_13 : memref<1x632x128xf32, #tpu.memory_space<hbm>> -> memref<632x128xf32, #tpu.memory_space<hbm>>
      %dma_wait3A_15 = arith.constant 0 : i32
      %dma_wait3A_16 = tpu.memref_slice %arg9[%mul3A_0, %dma_wait3A_15] : memref<10112x128xf32, #tpu.memory_space<vmem_shared>> -> memref<632x128xf32, #tpu.memory_space<vmem_shared>>
      tpu.wait_dma2 semaphore(%run_scoped3A : memref<!tpu.dma_semaphore, #tpu.memory_space<semaphore_mem>>) src(%dma_wait3A_16 : memref<632x128xf32, #tpu.memory_space<vmem_shared>>) dst(%dma_wait3A_14 : memref<632x128xf32, #tpu.memory_space<hbm>>)
      tpu.yield
    }) : () -> ()
    return
  }
}

#map = affine_map<(d0, d1) -> (0, 0)>
#map1 = affine_map<(d0, d1) -> (0, 0, 0)>
module attributes {stable_mosaic.version = 14 : i64} {
  func.func @seg(%arg0: i32, %arg1: i32, %arg2: memref<10112x128xf32, #tpu.memory_space<hbm>>, %arg3: memref<16x118x128xi32, #tpu.memory_space<hbm>>, %arg4: memref<16x118x128xi32, #tpu.memory_space<hbm>>, %arg5: memref<16x40x128xi32, #tpu.memory_space<hbm>>, %arg6: memref<16x40x128xi32, #tpu.memory_space<hbm>>, %arg7: memref<632x128xf32, #tpu.memory_space<hbm>>, %arg8: memref<2x10112x128xf32, #tpu.memory_space<hbm>>, %arg9: memref<10112x128xf32, #tpu.memory_space<vmem_shared>>, %arg10: memref<128xi32, #tpu.memory_space<vmem>>, %arg11: memref<128xi32, #tpu.memory_space<vmem>>, %arg12: memref<128xi32, #tpu.memory_space<vmem>>, %arg13: memref<128xi32, #tpu.memory_space<vmem>>, %arg14: memref<128x128xf32, #tpu.memory_space<vmem>>, %arg15: memref<128x128xf32, #tpu.memory_space<vmem>>, %arg16: memref<!tpu.dma_semaphore, #tpu.memory_space<semaphore_mem>>, %arg17: memref<!tpu.dma_semaphore, #tpu.memory_space<semaphore_mem>>) attributes {dimension_semantics = [#tpu.dimension_semantics<core_parallel>, #tpu.dimension_semantics<subcore_parallel>], iteration_bounds = array<i64: 2, 16>, scalar_prefetch = 0 : i64, scratch_operands = 9 : i64, tpu.core_type = #tpu.core_type<sc_vector_subcore>, window_params = [{transform_indices = #map}, {transform_indices = #map1}, {transform_indices = #map1}, {transform_indices = #map1}, {transform_indices = #map1}, {transform_indices = #map}, {transform_indices = #map1}]} {
    %mul3A = arith.constant 632 : i32
    %mul3A_0 = arith.muli %arg1, %mul3A : i32
    "tpu.region"() ({
      %run_scoped3A = tpu.sem_alloc : memref<!tpu.dma_semaphore, #tpu.memory_space<semaphore_mem>>
      %dma_start3A = arith.constant 0 : i32
      %dma_start3A_9 = tpu.memref_slice %arg9[%mul3A_0, %dma_start3A] : memref<10112x128xf32, #tpu.memory_space<vmem_shared>> -> memref<632x128xf32, #tpu.memory_space<vmem_shared>>
      tpu.enqueue_dma source(%arg7 : memref<632x128xf32, #tpu.memory_space<hbm>>) target(%dma_start3A_9 : memref<632x128xf32, #tpu.memory_space<vmem_shared>>) target_semaphore(%run_scoped3A : memref<!tpu.dma_semaphore, #tpu.memory_space<semaphore_mem>>)
      %dma_wait3A = arith.constant 0 : i32
      %dma_wait3A_10 = tpu.memref_slice %arg9[%mul3A_0, %dma_wait3A] : memref<10112x128xf32, #tpu.memory_space<vmem_shared>> -> memref<632x128xf32, #tpu.memory_space<vmem_shared>>
      tpu.wait_dma2 semaphore(%run_scoped3A : memref<!tpu.dma_semaphore, #tpu.memory_space<semaphore_mem>>) src(%arg7 : memref<632x128xf32, #tpu.memory_space<hbm>>) dst(%dma_wait3A_10 : memref<632x128xf32, #tpu.memory_space<vmem_shared>>)
      tpu.yield
    }) : () -> ()
    %barrier3A = arith.constant 0 : index
    tpu.barrier barrier_id(%barrier3A)
    %eq3A = arith.constant 0 : i32
    %eq3A_1 = arith.cmpi eq, %arg0, %eq3A : i32
    %convert_element_type3A = arith.extui %eq3A_1 : i1 to i32
    %cond3A = arith.constant 0 : i32
    %cond3A_2 = arith.cmpi ne, %convert_element_type3A, %cond3A : i32
    scf.if %cond3A_2 {
      %run_scoped3A = arith.constant 0 : i32
      "tpu.region"() ({
        %run_scoped3A_17 = tpu.sem_alloc : memref<!tpu.dma_semaphore, #tpu.memory_space<semaphore_mem>>
        %dma_start3A_18 = arith.constant 0 : i32
        %dma_start3A_19 = tpu.memref_slice %arg3[%arg1, %run_scoped3A, %dma_start3A_18] : memref<16x118x128xi32, #tpu.memory_space<hbm>> -> memref<1x1x128xi32, #tpu.memory_space<hbm>>
        %dma_start3A_20 = tpu.memref_squeeze %dma_start3A_19 : memref<1x1x128xi32, #tpu.memory_space<hbm>> -> memref<128xi32, #tpu.memory_space<hbm>>
        %dma_start3A_21 = arith.constant 0 : i32
        %dma_start3A_22 = tpu.memref_slice %arg3[%arg1, %run_scoped3A, %dma_start3A_21] : memref<16x118x128xi32, #tpu.memory_space<hbm>> -> memref<1x1x128xi32, #tpu.memory_space<hbm>>
        %dma_start3A_23 = tpu.memref_squeeze %dma_start3A_22 : memref<1x1x128xi32, #tpu.memory_space<hbm>> -> memref<128xi32, #tpu.memory_space<hbm>>
        tpu.enqueue_dma source(%dma_start3A_23 : memref<128xi32, #tpu.memory_space<hbm>>) target(%arg10 : memref<128xi32, #tpu.memory_space<vmem>>) target_semaphore(%run_scoped3A_17 : memref<!tpu.dma_semaphore, #tpu.memory_space<semaphore_mem>>)
        %dma_wait3A = arith.constant 0 : i32
        %dma_wait3A_24 = tpu.memref_slice %arg3[%arg1, %run_scoped3A, %dma_wait3A] : memref<16x118x128xi32, #tpu.memory_space<hbm>> -> memref<1x1x128xi32, #tpu.memory_space<hbm>>
        %dma_wait3A_25 = tpu.memref_squeeze %dma_wait3A_24 : memref<1x1x128xi32, #tpu.memory_space<hbm>> -> memref<128xi32, #tpu.memory_space<hbm>>
        %dma_wait3A_26 = arith.constant 0 : i32
        %dma_wait3A_27 = tpu.memref_slice %arg3[%arg1, %run_scoped3A, %dma_wait3A_26] : memref<16x118x128xi32, #tpu.memory_space<hbm>> -> memref<1x1x128xi32, #tpu.memory_space<hbm>>
        %dma_wait3A_28 = tpu.memref_squeeze %dma_wait3A_27 : memref<1x1x128xi32, #tpu.memory_space<hbm>> -> memref<128xi32, #tpu.memory_space<hbm>>
        tpu.wait_dma2 semaphore(%run_scoped3A_17 : memref<!tpu.dma_semaphore, #tpu.memory_space<semaphore_mem>>) src(%dma_wait3A_28 : memref<128xi32, #tpu.memory_space<hbm>>) dst(%arg10 : memref<128xi32, #tpu.memory_space<vmem>>)
        tpu.yield
      }) : () -> ()
      %run_scoped3A_9 = arith.constant 0 : i32
      "tpu.region"() ({
        %run_scoped3A_17 = tpu.sem_alloc : memref<!tpu.dma_semaphore, #tpu.memory_space<semaphore_mem>>
        %dma_start3A_18 = arith.constant 0 : i32
        %dma_start3A_19 = tpu.memref_slice %arg4[%arg1, %run_scoped3A_9, %dma_start3A_18] : memref<16x118x128xi32, #tpu.memory_space<hbm>> -> memref<1x1x128xi32, #tpu.memory_space<hbm>>
        %dma_start3A_20 = tpu.memref_squeeze %dma_start3A_19 : memref<1x1x128xi32, #tpu.memory_space<hbm>> -> memref<128xi32, #tpu.memory_space<hbm>>
        %dma_start3A_21 = arith.constant 0 : i32
        %dma_start3A_22 = tpu.memref_slice %arg4[%arg1, %run_scoped3A_9, %dma_start3A_21] : memref<16x118x128xi32, #tpu.memory_space<hbm>> -> memref<1x1x128xi32, #tpu.memory_space<hbm>>
        %dma_start3A_23 = tpu.memref_squeeze %dma_start3A_22 : memref<1x1x128xi32, #tpu.memory_space<hbm>> -> memref<128xi32, #tpu.memory_space<hbm>>
        tpu.enqueue_dma source(%dma_start3A_23 : memref<128xi32, #tpu.memory_space<hbm>>) target(%arg12 : memref<128xi32, #tpu.memory_space<vmem>>) target_semaphore(%run_scoped3A_17 : memref<!tpu.dma_semaphore, #tpu.memory_space<semaphore_mem>>)
        %dma_wait3A = arith.constant 0 : i32
        %dma_wait3A_24 = tpu.memref_slice %arg4[%arg1, %run_scoped3A_9, %dma_wait3A] : memref<16x118x128xi32, #tpu.memory_space<hbm>> -> memref<1x1x128xi32, #tpu.memory_space<hbm>>
        %dma_wait3A_25 = tpu.memref_squeeze %dma_wait3A_24 : memref<1x1x128xi32, #tpu.memory_space<hbm>> -> memref<128xi32, #tpu.memory_space<hbm>>
        %dma_wait3A_26 = arith.constant 0 : i32
        %dma_wait3A_27 = tpu.memref_slice %arg4[%arg1, %run_scoped3A_9, %dma_wait3A_26] : memref<16x118x128xi32, #tpu.memory_space<hbm>> -> memref<1x1x128xi32, #tpu.memory_space<hbm>>
        %dma_wait3A_28 = tpu.memref_squeeze %dma_wait3A_27 : memref<1x1x128xi32, #tpu.memory_space<hbm>> -> memref<128xi32, #tpu.memory_space<hbm>>
        tpu.wait_dma2 semaphore(%run_scoped3A_17 : memref<!tpu.dma_semaphore, #tpu.memory_space<semaphore_mem>>) src(%dma_wait3A_28 : memref<128xi32, #tpu.memory_space<hbm>>) dst(%arg12 : memref<128xi32, #tpu.memory_space<vmem>>)
        tpu.yield
      }) : () -> ()
      %dma_start3A = arith.constant 0 : i32
      %dma_start3A_10 = arith.constant 0 : i32
      %dma_start3A_11 = tpu.memref_slice %arg2[%dma_start3A, %dma_start3A_10] : memref<10112x128xf32, #tpu.memory_space<hbm>> -> memref<10112x128xf32, #tpu.memory_space<hbm>>
      tpu.enqueue_indirect_dma source(%dma_start3A_11 : memref<10112x128xf32, #tpu.memory_space<hbm>>) target(%arg14 : memref<128x128xf32, #tpu.memory_space<vmem>>) offsets(%arg10 : memref<128xi32, #tpu.memory_space<vmem>>) semaphore(%arg16 : memref<!tpu.dma_semaphore, #tpu.memory_space<semaphore_mem>>)
      %scan3A = arith.constant 0 : i32
      %scan3A_12 = arith.constant 0 : i32
      %scan3A_13 = arith.constant 59 : i32
      %scan3A_14 = arith.addi %scan3A_12, %scan3A_13 : i32
      %scan3A_15 = arith.constant 1 : i32
      scf.for %scan3A_17 = %scan3A_12 to %scan3A_14 step %scan3A_15  : i32 {
        %mul3A_18 = arith.constant 2 : i32
        %mul3A_19 = arith.muli %scan3A_17, %mul3A_18 : i32
        %add3A = arith.constant 0 : i32
        %add3A_20 = arith.addi %mul3A_19, %add3A : i32
        %add3A_21 = arith.constant 1 : i32
        %add3A_22 = arith.addi %add3A_20, %add3A_21 : i32
        %lt3A = arith.constant 118 : i32
        %lt3A_23 = arith.cmpi slt, %add3A_22, %lt3A : i32
        %convert_element_type3A_24 = arith.extui %lt3A_23 : i1 to i32
        %cond3A_25 = arith.constant 0 : i32
        %cond3A_26 = arith.cmpi ne, %convert_element_type3A_24, %cond3A_25 : i32
        scf.if %cond3A_26 {
          %add3A_43 = arith.constant 1 : i32
          %add3A_44 = arith.addi %add3A_20, %add3A_43 : i32
          "tpu.region"() ({
            %run_scoped3A_50 = tpu.sem_alloc : memref<!tpu.dma_semaphore, #tpu.memory_space<semaphore_mem>>
            %dma_start3A_51 = arith.constant 0 : i32
            %dma_start3A_52 = tpu.memref_slice %arg3[%arg1, %add3A_44, %dma_start3A_51] : memref<16x118x128xi32, #tpu.memory_space<hbm>> -> memref<1x1x128xi32, #tpu.memory_space<hbm>>
            %dma_start3A_53 = tpu.memref_squeeze %dma_start3A_52 : memref<1x1x128xi32, #tpu.memory_space<hbm>> -> memref<128xi32, #tpu.memory_space<hbm>>
            %dma_start3A_54 = arith.constant 0 : i32
            %dma_start3A_55 = tpu.memref_slice %arg3[%arg1, %add3A_44, %dma_start3A_54] : memref<16x118x128xi32, #tpu.memory_space<hbm>> -> memref<1x1x128xi32, #tpu.memory_space<hbm>>
            %dma_start3A_56 = tpu.memref_squeeze %dma_start3A_55 : memref<1x1x128xi32, #tpu.memory_space<hbm>> -> memref<128xi32, #tpu.memory_space<hbm>>
            tpu.enqueue_dma source(%dma_start3A_56 : memref<128xi32, #tpu.memory_space<hbm>>) target(%arg11 : memref<128xi32, #tpu.memory_space<vmem>>) target_semaphore(%run_scoped3A_50 : memref<!tpu.dma_semaphore, #tpu.memory_space<semaphore_mem>>)
            %dma_wait3A_57 = arith.constant 0 : i32
            %dma_wait3A_58 = tpu.memref_slice %arg3[%arg1, %add3A_44, %dma_wait3A_57] : memref<16x118x128xi32, #tpu.memory_space<hbm>> -> memref<1x1x128xi32, #tpu.memory_space<hbm>>
            %dma_wait3A_59 = tpu.memref_squeeze %dma_wait3A_58 : memref<1x1x128xi32, #tpu.memory_space<hbm>> -> memref<128xi32, #tpu.memory_space<hbm>>
            %dma_wait3A_60 = arith.constant 0 : i32
            %dma_wait3A_61 = tpu.memref_slice %arg3[%arg1, %add3A_44, %dma_wait3A_60] : memref<16x118x128xi32, #tpu.memory_space<hbm>> -> memref<1x1x128xi32, #tpu.memory_space<hbm>>
            %dma_wait3A_62 = tpu.memref_squeeze %dma_wait3A_61 : memref<1x1x128xi32, #tpu.memory_space<hbm>> -> memref<128xi32, #tpu.memory_space<hbm>>
            tpu.wait_dma2 semaphore(%run_scoped3A_50 : memref<!tpu.dma_semaphore, #tpu.memory_space<semaphore_mem>>) src(%dma_wait3A_62 : memref<128xi32, #tpu.memory_space<hbm>>) dst(%arg11 : memref<128xi32, #tpu.memory_space<vmem>>)
            tpu.yield
          }) : () -> ()
          %add3A_45 = arith.constant 1 : i32
          %add3A_46 = arith.addi %add3A_20, %add3A_45 : i32
          "tpu.region"() ({
            %run_scoped3A_50 = tpu.sem_alloc : memref<!tpu.dma_semaphore, #tpu.memory_space<semaphore_mem>>
            %dma_start3A_51 = arith.constant 0 : i32
            %dma_start3A_52 = tpu.memref_slice %arg4[%arg1, %add3A_46, %dma_start3A_51] : memref<16x118x128xi32, #tpu.memory_space<hbm>> -> memref<1x1x128xi32, #tpu.memory_space<hbm>>
            %dma_start3A_53 = tpu.memref_squeeze %dma_start3A_52 : memref<1x1x128xi32, #tpu.memory_space<hbm>> -> memref<128xi32, #tpu.memory_space<hbm>>
            %dma_start3A_54 = arith.constant 0 : i32
            %dma_start3A_55 = tpu.memref_slice %arg4[%arg1, %add3A_46, %dma_start3A_54] : memref<16x118x128xi32, #tpu.memory_space<hbm>> -> memref<1x1x128xi32, #tpu.memory_space<hbm>>
            %dma_start3A_56 = tpu.memref_squeeze %dma_start3A_55 : memref<1x1x128xi32, #tpu.memory_space<hbm>> -> memref<128xi32, #tpu.memory_space<hbm>>
            tpu.enqueue_dma source(%dma_start3A_56 : memref<128xi32, #tpu.memory_space<hbm>>) target(%arg13 : memref<128xi32, #tpu.memory_space<vmem>>) target_semaphore(%run_scoped3A_50 : memref<!tpu.dma_semaphore, #tpu.memory_space<semaphore_mem>>)
            %dma_wait3A_57 = arith.constant 0 : i32
            %dma_wait3A_58 = tpu.memref_slice %arg4[%arg1, %add3A_46, %dma_wait3A_57] : memref<16x118x128xi32, #tpu.memory_space<hbm>> -> memref<1x1x128xi32, #tpu.memory_space<hbm>>
            %dma_wait3A_59 = tpu.memref_squeeze %dma_wait3A_58 : memref<1x1x128xi32, #tpu.memory_space<hbm>> -> memref<128xi32, #tpu.memory_space<hbm>>
            %dma_wait3A_60 = arith.constant 0 : i32
            %dma_wait3A_61 = tpu.memref_slice %arg4[%arg1, %add3A_46, %dma_wait3A_60] : memref<16x118x128xi32, #tpu.memory_space<hbm>> -> memref<1x1x128xi32, #tpu.memory_space<hbm>>
            %dma_wait3A_62 = tpu.memref_squeeze %dma_wait3A_61 : memref<1x1x128xi32, #tpu.memory_space<hbm>> -> memref<128xi32, #tpu.memory_space<hbm>>
            tpu.wait_dma2 semaphore(%run_scoped3A_50 : memref<!tpu.dma_semaphore, #tpu.memory_space<semaphore_mem>>) src(%dma_wait3A_62 : memref<128xi32, #tpu.memory_space<hbm>>) dst(%arg13 : memref<128xi32, #tpu.memory_space<vmem>>)
            tpu.yield
          }) : () -> ()
          %dma_start3A_47 = arith.constant 0 : i32
          %dma_start3A_48 = arith.constant 0 : i32
          %dma_start3A_49 = tpu.memref_slice %arg2[%dma_start3A_47, %dma_start3A_48] : memref<10112x128xf32, #tpu.memory_space<hbm>> -> memref<10112x128xf32, #tpu.memory_space<hbm>>
          tpu.enqueue_indirect_dma source(%dma_start3A_49 : memref<10112x128xf32, #tpu.memory_space<hbm>>) target(%arg15 : memref<128x128xf32, #tpu.memory_space<vmem>>) offsets(%arg11 : memref<128xi32, #tpu.memory_space<vmem>>) semaphore(%arg17 : memref<!tpu.dma_semaphore, #tpu.memory_space<semaphore_mem>>)
        } else {
        }
        %dma_wait3A = arith.constant 0 : i32
        %dma_wait3A_27 = arith.constant 0 : i32
        %dma_wait3A_28 = tpu.memref_slice %arg2[%dma_wait3A, %dma_wait3A_27] : memref<10112x128xf32, #tpu.memory_space<hbm>> -> memref<10112x128xf32, #tpu.memory_space<hbm>>
        tpu.wait_indirect_dma semaphore(%arg16 : memref<!tpu.dma_semaphore, #tpu.memory_space<semaphore_mem>>) src(%dma_wait3A_28 : memref<10112x128xf32, #tpu.memory_space<hbm>>) dst(%arg14 : memref<128x128xf32, #tpu.memory_space<vmem>>)
        "tpu.region"() ({
          %run_scoped3A_43 = tpu.sem_alloc : memref<!tpu.dma_semaphore, #tpu.memory_space<semaphore_mem>>
          %dma_start3A_44 = arith.constant 0 : i32
          %dma_start3A_45 = arith.constant 0 : i32
          %dma_start3A_46 = tpu.memref_slice %arg9[%dma_start3A_44, %dma_start3A_45] : memref<10112x128xf32, #tpu.memory_space<vmem_shared>> -> memref<10112x128xf32, #tpu.memory_space<vmem_shared>>
          tpu.enqueue_indirect_dma source(%arg14 : memref<128x128xf32, #tpu.memory_space<vmem>>) target(%dma_start3A_46 : memref<10112x128xf32, #tpu.memory_space<vmem_shared>>) offsets(%arg12 : memref<128xi32, #tpu.memory_space<vmem>>) semaphore(%run_scoped3A_43 : memref<!tpu.dma_semaphore, #tpu.memory_space<semaphore_mem>>) {add = true}
          %dma_wait3A_47 = arith.constant 0 : i32
          %dma_wait3A_48 = arith.constant 0 : i32
          %dma_wait3A_49 = tpu.memref_slice %arg9[%dma_wait3A_47, %dma_wait3A_48] : memref<10112x128xf32, #tpu.memory_space<vmem_shared>> -> memref<10112x128xf32, #tpu.memory_space<vmem_shared>>
          tpu.wait_indirect_dma semaphore(%run_scoped3A_43 : memref<!tpu.dma_semaphore, #tpu.memory_space<semaphore_mem>>) src(%arg14 : memref<128x128xf32, #tpu.memory_space<vmem>>) dst(%dma_wait3A_49 : memref<10112x128xf32, #tpu.memory_space<vmem_shared>>)
          tpu.yield
        }) : () -> ()
        %mul3A_29 = arith.constant 2 : i32
        %mul3A_30 = arith.muli %scan3A_17, %mul3A_29 : i32
        %add3A_31 = arith.constant 1 : i32
        %add3A_32 = arith.addi %mul3A_30, %add3A_31 : i32
        %add3A_33 = arith.constant 1 : i32
        %add3A_34 = arith.addi %add3A_32, %add3A_33 : i32
        %lt3A_35 = arith.constant 118 : i32
        %lt3A_36 = arith.cmpi slt, %add3A_34, %lt3A_35 : i32
        %convert_element_type3A_37 = arith.extui %lt3A_36 : i1 to i32
        %cond3A_38 = arith.constant 0 : i32
        %cond3A_39 = arith.cmpi ne, %convert_element_type3A_37, %cond3A_38 : i32
        scf.if %cond3A_39 {
          %add3A_43 = arith.constant 1 : i32
          %add3A_44 = arith.addi %add3A_32, %add3A_43 : i32
          "tpu.region"() ({
            %run_scoped3A_50 = tpu.sem_alloc : memref<!tpu.dma_semaphore, #tpu.memory_space<semaphore_mem>>
            %dma_start3A_51 = arith.constant 0 : i32
            %dma_start3A_52 = tpu.memref_slice %arg3[%arg1, %add3A_44, %dma_start3A_51] : memref<16x118x128xi32, #tpu.memory_space<hbm>> -> memref<1x1x128xi32, #tpu.memory_space<hbm>>
            %dma_start3A_53 = tpu.memref_squeeze %dma_start3A_52 : memref<1x1x128xi32, #tpu.memory_space<hbm>> -> memref<128xi32, #tpu.memory_space<hbm>>
            %dma_start3A_54 = arith.constant 0 : i32
            %dma_start3A_55 = tpu.memref_slice %arg3[%arg1, %add3A_44, %dma_start3A_54] : memref<16x118x128xi32, #tpu.memory_space<hbm>> -> memref<1x1x128xi32, #tpu.memory_space<hbm>>
            %dma_start3A_56 = tpu.memref_squeeze %dma_start3A_55 : memref<1x1x128xi32, #tpu.memory_space<hbm>> -> memref<128xi32, #tpu.memory_space<hbm>>
            tpu.enqueue_dma source(%dma_start3A_56 : memref<128xi32, #tpu.memory_space<hbm>>) target(%arg10 : memref<128xi32, #tpu.memory_space<vmem>>) target_semaphore(%run_scoped3A_50 : memref<!tpu.dma_semaphore, #tpu.memory_space<semaphore_mem>>)
            %dma_wait3A_57 = arith.constant 0 : i32
            %dma_wait3A_58 = tpu.memref_slice %arg3[%arg1, %add3A_44, %dma_wait3A_57] : memref<16x118x128xi32, #tpu.memory_space<hbm>> -> memref<1x1x128xi32, #tpu.memory_space<hbm>>
            %dma_wait3A_59 = tpu.memref_squeeze %dma_wait3A_58 : memref<1x1x128xi32, #tpu.memory_space<hbm>> -> memref<128xi32, #tpu.memory_space<hbm>>
            %dma_wait3A_60 = arith.constant 0 : i32
            %dma_wait3A_61 = tpu.memref_slice %arg3[%arg1, %add3A_44, %dma_wait3A_60] : memref<16x118x128xi32, #tpu.memory_space<hbm>> -> memref<1x1x128xi32, #tpu.memory_space<hbm>>
            %dma_wait3A_62 = tpu.memref_squeeze %dma_wait3A_61 : memref<1x1x128xi32, #tpu.memory_space<hbm>> -> memref<128xi32, #tpu.memory_space<hbm>>
            tpu.wait_dma2 semaphore(%run_scoped3A_50 : memref<!tpu.dma_semaphore, #tpu.memory_space<semaphore_mem>>) src(%dma_wait3A_62 : memref<128xi32, #tpu.memory_space<hbm>>) dst(%arg10 : memref<128xi32, #tpu.memory_space<vmem>>)
            tpu.yield
          }) : () -> ()
          %add3A_45 = arith.constant 1 : i32
          %add3A_46 = arith.addi %add3A_32, %add3A_45 : i32
          "tpu.region"() ({
            %run_scoped3A_50 = tpu.sem_alloc : memref<!tpu.dma_semaphore, #tpu.memory_space<semaphore_mem>>
            %dma_start3A_51 = arith.constant 0 : i32
            %dma_start3A_52 = tpu.memref_slice %arg4[%arg1, %add3A_46, %dma_start3A_51] : memref<16x118x128xi32, #tpu.memory_space<hbm>> -> memref<1x1x128xi32, #tpu.memory_space<hbm>>
            %dma_start3A_53 = tpu.memref_squeeze %dma_start3A_52 : memref<1x1x128xi32, #tpu.memory_space<hbm>> -> memref<128xi32, #tpu.memory_space<hbm>>
            %dma_start3A_54 = arith.constant 0 : i32
            %dma_start3A_55 = tpu.memref_slice %arg4[%arg1, %add3A_46, %dma_start3A_54] : memref<16x118x128xi32, #tpu.memory_space<hbm>> -> memref<1x1x128xi32, #tpu.memory_space<hbm>>
            %dma_start3A_56 = tpu.memref_squeeze %dma_start3A_55 : memref<1x1x128xi32, #tpu.memory_space<hbm>> -> memref<128xi32, #tpu.memory_space<hbm>>
            tpu.enqueue_dma source(%dma_start3A_56 : memref<128xi32, #tpu.memory_space<hbm>>) target(%arg12 : memref<128xi32, #tpu.memory_space<vmem>>) target_semaphore(%run_scoped3A_50 : memref<!tpu.dma_semaphore, #tpu.memory_space<semaphore_mem>>)
            %dma_wait3A_57 = arith.constant 0 : i32
            %dma_wait3A_58 = tpu.memref_slice %arg4[%arg1, %add3A_46, %dma_wait3A_57] : memref<16x118x128xi32, #tpu.memory_space<hbm>> -> memref<1x1x128xi32, #tpu.memory_space<hbm>>
            %dma_wait3A_59 = tpu.memref_squeeze %dma_wait3A_58 : memref<1x1x128xi32, #tpu.memory_space<hbm>> -> memref<128xi32, #tpu.memory_space<hbm>>
            %dma_wait3A_60 = arith.constant 0 : i32
            %dma_wait3A_61 = tpu.memref_slice %arg4[%arg1, %add3A_46, %dma_wait3A_60] : memref<16x118x128xi32, #tpu.memory_space<hbm>> -> memref<1x1x128xi32, #tpu.memory_space<hbm>>
            %dma_wait3A_62 = tpu.memref_squeeze %dma_wait3A_61 : memref<1x1x128xi32, #tpu.memory_space<hbm>> -> memref<128xi32, #tpu.memory_space<hbm>>
            tpu.wait_dma2 semaphore(%run_scoped3A_50 : memref<!tpu.dma_semaphore, #tpu.memory_space<semaphore_mem>>) src(%dma_wait3A_62 : memref<128xi32, #tpu.memory_space<hbm>>) dst(%arg12 : memref<128xi32, #tpu.memory_space<vmem>>)
            tpu.yield
          }) : () -> ()
          %dma_start3A_47 = arith.constant 0 : i32
          %dma_start3A_48 = arith.constant 0 : i32
          %dma_start3A_49 = tpu.memref_slice %arg2[%dma_start3A_47, %dma_start3A_48] : memref<10112x128xf32, #tpu.memory_space<hbm>> -> memref<10112x128xf32, #tpu.memory_space<hbm>>
          tpu.enqueue_indirect_dma source(%dma_start3A_49 : memref<10112x128xf32, #tpu.memory_space<hbm>>) target(%arg14 : memref<128x128xf32, #tpu.memory_space<vmem>>) offsets(%arg10 : memref<128xi32, #tpu.memory_space<vmem>>) semaphore(%arg16 : memref<!tpu.dma_semaphore, #tpu.memory_space<semaphore_mem>>)
        } else {
        }
        %dma_wait3A_40 = arith.constant 0 : i32
        %dma_wait3A_41 = arith.constant 0 : i32
        %dma_wait3A_42 = tpu.memref_slice %arg2[%dma_wait3A_40, %dma_wait3A_41] : memref<10112x128xf32, #tpu.memory_space<hbm>> -> memref<10112x128xf32, #tpu.memory_space<hbm>>
        tpu.wait_indirect_dma semaphore(%arg17 : memref<!tpu.dma_semaphore, #tpu.memory_space<semaphore_mem>>) src(%dma_wait3A_42 : memref<10112x128xf32, #tpu.memory_space<hbm>>) dst(%arg15 : memref<128x128xf32, #tpu.memory_space<vmem>>)
        "tpu.region"() ({
          %run_scoped3A_43 = tpu.sem_alloc : memref<!tpu.dma_semaphore, #tpu.memory_space<semaphore_mem>>
          %dma_start3A_44 = arith.constant 0 : i32
          %dma_start3A_45 = arith.constant 0 : i32
          %dma_start3A_46 = tpu.memref_slice %arg9[%dma_start3A_44, %dma_start3A_45] : memref<10112x128xf32, #tpu.memory_space<vmem_shared>> -> memref<10112x128xf32, #tpu.memory_space<vmem_shared>>
          tpu.enqueue_indirect_dma source(%arg15 : memref<128x128xf32, #tpu.memory_space<vmem>>) target(%dma_start3A_46 : memref<10112x128xf32, #tpu.memory_space<vmem_shared>>) offsets(%arg13 : memref<128xi32, #tpu.memory_space<vmem>>) semaphore(%run_scoped3A_43 : memref<!tpu.dma_semaphore, #tpu.memory_space<semaphore_mem>>) {add = true}
          %dma_wait3A_47 = arith.constant 0 : i32
          %dma_wait3A_48 = arith.constant 0 : i32
          %dma_wait3A_49 = tpu.memref_slice %arg9[%dma_wait3A_47, %dma_wait3A_48] : memref<10112x128xf32, #tpu.memory_space<vmem_shared>> -> memref<10112x128xf32, #tpu.memory_space<vmem_shared>>
          tpu.wait_indirect_dma semaphore(%run_scoped3A_43 : memref<!tpu.dma_semaphore, #tpu.memory_space<semaphore_mem>>) src(%arg15 : memref<128x128xf32, #tpu.memory_space<vmem>>) dst(%dma_wait3A_49 : memref<10112x128xf32, #tpu.memory_space<vmem_shared>>)
          tpu.yield
        }) : () -> ()
      }
      %scan3A_16 = arith.constant 59 : i32
    } else {
    }
    %eq3A_3 = arith.constant 1 : i32
    %eq3A_4 = arith.cmpi eq, %arg0, %eq3A_3 : i32
    %convert_element_type3A_5 = arith.extui %eq3A_4 : i1 to i32
    %cond3A_6 = arith.constant 0 : i32
    %cond3A_7 = arith.cmpi ne, %convert_element_type3A_5, %cond3A_6 : i32
    scf.if %cond3A_7 {
      %run_scoped3A = arith.constant 0 : i32
      "tpu.region"() ({
        %run_scoped3A_17 = tpu.sem_alloc : memref<!tpu.dma_semaphore, #tpu.memory_space<semaphore_mem>>
        %dma_start3A_18 = arith.constant 0 : i32
        %dma_start3A_19 = tpu.memref_slice %arg5[%arg1, %run_scoped3A, %dma_start3A_18] : memref<16x40x128xi32, #tpu.memory_space<hbm>> -> memref<1x1x128xi32, #tpu.memory_space<hbm>>
        %dma_start3A_20 = tpu.memref_squeeze %dma_start3A_19 : memref<1x1x128xi32, #tpu.memory_space<hbm>> -> memref<128xi32, #tpu.memory_space<hbm>>
        %dma_start3A_21 = arith.constant 0 : i32
        %dma_start3A_22 = tpu.memref_slice %arg5[%arg1, %run_scoped3A, %dma_start3A_21] : memref<16x40x128xi32, #tpu.memory_space<hbm>> -> memref<1x1x128xi32, #tpu.memory_space<hbm>>
        %dma_start3A_23 = tpu.memref_squeeze %dma_start3A_22 : memref<1x1x128xi32, #tpu.memory_space<hbm>> -> memref<128xi32, #tpu.memory_space<hbm>>
        tpu.enqueue_dma source(%dma_start3A_23 : memref<128xi32, #tpu.memory_space<hbm>>) target(%arg10 : memref<128xi32, #tpu.memory_space<vmem>>) target_semaphore(%run_scoped3A_17 : memref<!tpu.dma_semaphore, #tpu.memory_space<semaphore_mem>>)
        %dma_wait3A = arith.constant 0 : i32
        %dma_wait3A_24 = tpu.memref_slice %arg5[%arg1, %run_scoped3A, %dma_wait3A] : memref<16x40x128xi32, #tpu.memory_space<hbm>> -> memref<1x1x128xi32, #tpu.memory_space<hbm>>
        %dma_wait3A_25 = tpu.memref_squeeze %dma_wait3A_24 : memref<1x1x128xi32, #tpu.memory_space<hbm>> -> memref<128xi32, #tpu.memory_space<hbm>>
        %dma_wait3A_26 = arith.constant 0 : i32
        %dma_wait3A_27 = tpu.memref_slice %arg5[%arg1, %run_scoped3A, %dma_wait3A_26] : memref<16x40x128xi32, #tpu.memory_space<hbm>> -> memref<1x1x128xi32, #tpu.memory_space<hbm>>
        %dma_wait3A_28 = tpu.memref_squeeze %dma_wait3A_27 : memref<1x1x128xi32, #tpu.memory_space<hbm>> -> memref<128xi32, #tpu.memory_space<hbm>>
        tpu.wait_dma2 semaphore(%run_scoped3A_17 : memref<!tpu.dma_semaphore, #tpu.memory_space<semaphore_mem>>) src(%dma_wait3A_28 : memref<128xi32, #tpu.memory_space<hbm>>) dst(%arg10 : memref<128xi32, #tpu.memory_space<vmem>>)
        tpu.yield
      }) : () -> ()
      %run_scoped3A_9 = arith.constant 0 : i32
      "tpu.region"() ({
        %run_scoped3A_17 = tpu.sem_alloc : memref<!tpu.dma_semaphore, #tpu.memory_space<semaphore_mem>>
        %dma_start3A_18 = arith.constant 0 : i32
        %dma_start3A_19 = tpu.memref_slice %arg6[%arg1, %run_scoped3A_9, %dma_start3A_18] : memref<16x40x128xi32, #tpu.memory_space<hbm>> -> memref<1x1x128xi32, #tpu.memory_space<hbm>>
        %dma_start3A_20 = tpu.memref_squeeze %dma_start3A_19 : memref<1x1x128xi32, #tpu.memory_space<hbm>> -> memref<128xi32, #tpu.memory_space<hbm>>
        %dma_start3A_21 = arith.constant 0 : i32
        %dma_start3A_22 = tpu.memref_slice %arg6[%arg1, %run_scoped3A_9, %dma_start3A_21] : memref<16x40x128xi32, #tpu.memory_space<hbm>> -> memref<1x1x128xi32, #tpu.memory_space<hbm>>
        %dma_start3A_23 = tpu.memref_squeeze %dma_start3A_22 : memref<1x1x128xi32, #tpu.memory_space<hbm>> -> memref<128xi32, #tpu.memory_space<hbm>>
        tpu.enqueue_dma source(%dma_start3A_23 : memref<128xi32, #tpu.memory_space<hbm>>) target(%arg12 : memref<128xi32, #tpu.memory_space<vmem>>) target_semaphore(%run_scoped3A_17 : memref<!tpu.dma_semaphore, #tpu.memory_space<semaphore_mem>>)
        %dma_wait3A = arith.constant 0 : i32
        %dma_wait3A_24 = tpu.memref_slice %arg6[%arg1, %run_scoped3A_9, %dma_wait3A] : memref<16x40x128xi32, #tpu.memory_space<hbm>> -> memref<1x1x128xi32, #tpu.memory_space<hbm>>
        %dma_wait3A_25 = tpu.memref_squeeze %dma_wait3A_24 : memref<1x1x128xi32, #tpu.memory_space<hbm>> -> memref<128xi32, #tpu.memory_space<hbm>>
        %dma_wait3A_26 = arith.constant 0 : i32
        %dma_wait3A_27 = tpu.memref_slice %arg6[%arg1, %run_scoped3A_9, %dma_wait3A_26] : memref<16x40x128xi32, #tpu.memory_space<hbm>> -> memref<1x1x128xi32, #tpu.memory_space<hbm>>
        %dma_wait3A_28 = tpu.memref_squeeze %dma_wait3A_27 : memref<1x1x128xi32, #tpu.memory_space<hbm>> -> memref<128xi32, #tpu.memory_space<hbm>>
        tpu.wait_dma2 semaphore(%run_scoped3A_17 : memref<!tpu.dma_semaphore, #tpu.memory_space<semaphore_mem>>) src(%dma_wait3A_28 : memref<128xi32, #tpu.memory_space<hbm>>) dst(%arg12 : memref<128xi32, #tpu.memory_space<vmem>>)
        tpu.yield
      }) : () -> ()
      %dma_start3A = arith.constant 0 : i32
      %dma_start3A_10 = arith.constant 0 : i32
      %dma_start3A_11 = tpu.memref_slice %arg2[%dma_start3A, %dma_start3A_10] : memref<10112x128xf32, #tpu.memory_space<hbm>> -> memref<10112x128xf32, #tpu.memory_space<hbm>>
      tpu.enqueue_indirect_dma source(%dma_start3A_11 : memref<10112x128xf32, #tpu.memory_space<hbm>>) target(%arg14 : memref<128x128xf32, #tpu.memory_space<vmem>>) offsets(%arg10 : memref<128xi32, #tpu.memory_space<vmem>>) semaphore(%arg16 : memref<!tpu.dma_semaphore, #tpu.memory_space<semaphore_mem>>)
      %scan3A = arith.constant 0 : i32
      %scan3A_12 = arith.constant 0 : i32
      %scan3A_13 = arith.constant 20 : i32
      %scan3A_14 = arith.addi %scan3A_12, %scan3A_13 : i32
      %scan3A_15 = arith.constant 1 : i32
      scf.for %scan3A_17 = %scan3A_12 to %scan3A_14 step %scan3A_15  : i32 {
        %mul3A_18 = arith.constant 2 : i32
        %mul3A_19 = arith.muli %scan3A_17, %mul3A_18 : i32
        %add3A = arith.constant 0 : i32
        %add3A_20 = arith.addi %mul3A_19, %add3A : i32
        %add3A_21 = arith.constant 1 : i32
        %add3A_22 = arith.addi %add3A_20, %add3A_21 : i32
        %lt3A = arith.constant 40 : i32
        %lt3A_23 = arith.cmpi slt, %add3A_22, %lt3A : i32
        %convert_element_type3A_24 = arith.extui %lt3A_23 : i1 to i32
        %cond3A_25 = arith.constant 0 : i32
        %cond3A_26 = arith.cmpi ne, %convert_element_type3A_24, %cond3A_25 : i32
        scf.if %cond3A_26 {
          %add3A_43 = arith.constant 1 : i32
          %add3A_44 = arith.addi %add3A_20, %add3A_43 : i32
          "tpu.region"() ({
            %run_scoped3A_50 = tpu.sem_alloc : memref<!tpu.dma_semaphore, #tpu.memory_space<semaphore_mem>>
            %dma_start3A_51 = arith.constant 0 : i32
            %dma_start3A_52 = tpu.memref_slice %arg5[%arg1, %add3A_44, %dma_start3A_51] : memref<16x40x128xi32, #tpu.memory_space<hbm>> -> memref<1x1x128xi32, #tpu.memory_space<hbm>>
            %dma_start3A_53 = tpu.memref_squeeze %dma_start3A_52 : memref<1x1x128xi32, #tpu.memory_space<hbm>> -> memref<128xi32, #tpu.memory_space<hbm>>
            %dma_start3A_54 = arith.constant 0 : i32
            %dma_start3A_55 = tpu.memref_slice %arg5[%arg1, %add3A_44, %dma_start3A_54] : memref<16x40x128xi32, #tpu.memory_space<hbm>> -> memref<1x1x128xi32, #tpu.memory_space<hbm>>
            %dma_start3A_56 = tpu.memref_squeeze %dma_start3A_55 : memref<1x1x128xi32, #tpu.memory_space<hbm>> -> memref<128xi32, #tpu.memory_space<hbm>>
            tpu.enqueue_dma source(%dma_start3A_56 : memref<128xi32, #tpu.memory_space<hbm>>) target(%arg11 : memref<128xi32, #tpu.memory_space<vmem>>) target_semaphore(%run_scoped3A_50 : memref<!tpu.dma_semaphore, #tpu.memory_space<semaphore_mem>>)
            %dma_wait3A_57 = arith.constant 0 : i32
            %dma_wait3A_58 = tpu.memref_slice %arg5[%arg1, %add3A_44, %dma_wait3A_57] : memref<16x40x128xi32, #tpu.memory_space<hbm>> -> memref<1x1x128xi32, #tpu.memory_space<hbm>>
            %dma_wait3A_59 = tpu.memref_squeeze %dma_wait3A_58 : memref<1x1x128xi32, #tpu.memory_space<hbm>> -> memref<128xi32, #tpu.memory_space<hbm>>
            %dma_wait3A_60 = arith.constant 0 : i32
            %dma_wait3A_61 = tpu.memref_slice %arg5[%arg1, %add3A_44, %dma_wait3A_60] : memref<16x40x128xi32, #tpu.memory_space<hbm>> -> memref<1x1x128xi32, #tpu.memory_space<hbm>>
            %dma_wait3A_62 = tpu.memref_squeeze %dma_wait3A_61 : memref<1x1x128xi32, #tpu.memory_space<hbm>> -> memref<128xi32, #tpu.memory_space<hbm>>
            tpu.wait_dma2 semaphore(%run_scoped3A_50 : memref<!tpu.dma_semaphore, #tpu.memory_space<semaphore_mem>>) src(%dma_wait3A_62 : memref<128xi32, #tpu.memory_space<hbm>>) dst(%arg11 : memref<128xi32, #tpu.memory_space<vmem>>)
            tpu.yield
          }) : () -> ()
          %add3A_45 = arith.constant 1 : i32
          %add3A_46 = arith.addi %add3A_20, %add3A_45 : i32
          "tpu.region"() ({
            %run_scoped3A_50 = tpu.sem_alloc : memref<!tpu.dma_semaphore, #tpu.memory_space<semaphore_mem>>
            %dma_start3A_51 = arith.constant 0 : i32
            %dma_start3A_52 = tpu.memref_slice %arg6[%arg1, %add3A_46, %dma_start3A_51] : memref<16x40x128xi32, #tpu.memory_space<hbm>> -> memref<1x1x128xi32, #tpu.memory_space<hbm>>
            %dma_start3A_53 = tpu.memref_squeeze %dma_start3A_52 : memref<1x1x128xi32, #tpu.memory_space<hbm>> -> memref<128xi32, #tpu.memory_space<hbm>>
            %dma_start3A_54 = arith.constant 0 : i32
            %dma_start3A_55 = tpu.memref_slice %arg6[%arg1, %add3A_46, %dma_start3A_54] : memref<16x40x128xi32, #tpu.memory_space<hbm>> -> memref<1x1x128xi32, #tpu.memory_space<hbm>>
            %dma_start3A_56 = tpu.memref_squeeze %dma_start3A_55 : memref<1x1x128xi32, #tpu.memory_space<hbm>> -> memref<128xi32, #tpu.memory_space<hbm>>
            tpu.enqueue_dma source(%dma_start3A_56 : memref<128xi32, #tpu.memory_space<hbm>>) target(%arg13 : memref<128xi32, #tpu.memory_space<vmem>>) target_semaphore(%run_scoped3A_50 : memref<!tpu.dma_semaphore, #tpu.memory_space<semaphore_mem>>)
            %dma_wait3A_57 = arith.constant 0 : i32
            %dma_wait3A_58 = tpu.memref_slice %arg6[%arg1, %add3A_46, %dma_wait3A_57] : memref<16x40x128xi32, #tpu.memory_space<hbm>> -> memref<1x1x128xi32, #tpu.memory_space<hbm>>
            %dma_wait3A_59 = tpu.memref_squeeze %dma_wait3A_58 : memref<1x1x128xi32, #tpu.memory_space<hbm>> -> memref<128xi32, #tpu.memory_space<hbm>>
            %dma_wait3A_60 = arith.constant 0 : i32
            %dma_wait3A_61 = tpu.memref_slice %arg6[%arg1, %add3A_46, %dma_wait3A_60] : memref<16x40x128xi32, #tpu.memory_space<hbm>> -> memref<1x1x128xi32, #tpu.memory_space<hbm>>
            %dma_wait3A_62 = tpu.memref_squeeze %dma_wait3A_61 : memref<1x1x128xi32, #tpu.memory_space<hbm>> -> memref<128xi32, #tpu.memory_space<hbm>>
            tpu.wait_dma2 semaphore(%run_scoped3A_50 : memref<!tpu.dma_semaphore, #tpu.memory_space<semaphore_mem>>) src(%dma_wait3A_62 : memref<128xi32, #tpu.memory_space<hbm>>) dst(%arg13 : memref<128xi32, #tpu.memory_space<vmem>>)
            tpu.yield
          }) : () -> ()
          %dma_start3A_47 = arith.constant 0 : i32
          %dma_start3A_48 = arith.constant 0 : i32
          %dma_start3A_49 = tpu.memref_slice %arg2[%dma_start3A_47, %dma_start3A_48] : memref<10112x128xf32, #tpu.memory_space<hbm>> -> memref<10112x128xf32, #tpu.memory_space<hbm>>
          tpu.enqueue_indirect_dma source(%dma_start3A_49 : memref<10112x128xf32, #tpu.memory_space<hbm>>) target(%arg15 : memref<128x128xf32, #tpu.memory_space<vmem>>) offsets(%arg11 : memref<128xi32, #tpu.memory_space<vmem>>) semaphore(%arg17 : memref<!tpu.dma_semaphore, #tpu.memory_space<semaphore_mem>>)
        } else {
        }
        %dma_wait3A = arith.constant 0 : i32
        %dma_wait3A_27 = arith.constant 0 : i32
        %dma_wait3A_28 = tpu.memref_slice %arg2[%dma_wait3A, %dma_wait3A_27] : memref<10112x128xf32, #tpu.memory_space<hbm>> -> memref<10112x128xf32, #tpu.memory_space<hbm>>
        tpu.wait_indirect_dma semaphore(%arg16 : memref<!tpu.dma_semaphore, #tpu.memory_space<semaphore_mem>>) src(%dma_wait3A_28 : memref<10112x128xf32, #tpu.memory_space<hbm>>) dst(%arg14 : memref<128x128xf32, #tpu.memory_space<vmem>>)
        "tpu.region"() ({
          %run_scoped3A_43 = tpu.sem_alloc : memref<!tpu.dma_semaphore, #tpu.memory_space<semaphore_mem>>
          %dma_start3A_44 = arith.constant 0 : i32
          %dma_start3A_45 = arith.constant 0 : i32
          %dma_start3A_46 = tpu.memref_slice %arg9[%dma_start3A_44, %dma_start3A_45] : memref<10112x128xf32, #tpu.memory_space<vmem_shared>> -> memref<10112x128xf32, #tpu.memory_space<vmem_shared>>
          tpu.enqueue_indirect_dma source(%arg14 : memref<128x128xf32, #tpu.memory_space<vmem>>) target(%dma_start3A_46 : memref<10112x128xf32, #tpu.memory_space<vmem_shared>>) offsets(%arg12 : memref<128xi32, #tpu.memory_space<vmem>>) semaphore(%run_scoped3A_43 : memref<!tpu.dma_semaphore, #tpu.memory_space<semaphore_mem>>) {add = true}
          %dma_wait3A_47 = arith.constant 0 : i32
          %dma_wait3A_48 = arith.constant 0 : i32
          %dma_wait3A_49 = tpu.memref_slice %arg9[%dma_wait3A_47, %dma_wait3A_48] : memref<10112x128xf32, #tpu.memory_space<vmem_shared>> -> memref<10112x128xf32, #tpu.memory_space<vmem_shared>>
          tpu.wait_indirect_dma semaphore(%run_scoped3A_43 : memref<!tpu.dma_semaphore, #tpu.memory_space<semaphore_mem>>) src(%arg14 : memref<128x128xf32, #tpu.memory_space<vmem>>) dst(%dma_wait3A_49 : memref<10112x128xf32, #tpu.memory_space<vmem_shared>>)
          tpu.yield
        }) : () -> ()
        %mul3A_29 = arith.constant 2 : i32
        %mul3A_30 = arith.muli %scan3A_17, %mul3A_29 : i32
        %add3A_31 = arith.constant 1 : i32
        %add3A_32 = arith.addi %mul3A_30, %add3A_31 : i32
        %add3A_33 = arith.constant 1 : i32
        %add3A_34 = arith.addi %add3A_32, %add3A_33 : i32
        %lt3A_35 = arith.constant 40 : i32
        %lt3A_36 = arith.cmpi slt, %add3A_34, %lt3A_35 : i32
        %convert_element_type3A_37 = arith.extui %lt3A_36 : i1 to i32
        %cond3A_38 = arith.constant 0 : i32
        %cond3A_39 = arith.cmpi ne, %convert_element_type3A_37, %cond3A_38 : i32
        scf.if %cond3A_39 {
          %add3A_43 = arith.constant 1 : i32
          %add3A_44 = arith.addi %add3A_32, %add3A_43 : i32
          "tpu.region"() ({
            %run_scoped3A_50 = tpu.sem_alloc : memref<!tpu.dma_semaphore, #tpu.memory_space<semaphore_mem>>
            %dma_start3A_51 = arith.constant 0 : i32
            %dma_start3A_52 = tpu.memref_slice %arg5[%arg1, %add3A_44, %dma_start3A_51] : memref<16x40x128xi32, #tpu.memory_space<hbm>> -> memref<1x1x128xi32, #tpu.memory_space<hbm>>
            %dma_start3A_53 = tpu.memref_squeeze %dma_start3A_52 : memref<1x1x128xi32, #tpu.memory_space<hbm>> -> memref<128xi32, #tpu.memory_space<hbm>>
            %dma_start3A_54 = arith.constant 0 : i32
            %dma_start3A_55 = tpu.memref_slice %arg5[%arg1, %add3A_44, %dma_start3A_54] : memref<16x40x128xi32, #tpu.memory_space<hbm>> -> memref<1x1x128xi32, #tpu.memory_space<hbm>>
            %dma_start3A_56 = tpu.memref_squeeze %dma_start3A_55 : memref<1x1x128xi32, #tpu.memory_space<hbm>> -> memref<128xi32, #tpu.memory_space<hbm>>
            tpu.enqueue_dma source(%dma_start3A_56 : memref<128xi32, #tpu.memory_space<hbm>>) target(%arg10 : memref<128xi32, #tpu.memory_space<vmem>>) target_semaphore(%run_scoped3A_50 : memref<!tpu.dma_semaphore, #tpu.memory_space<semaphore_mem>>)
            %dma_wait3A_57 = arith.constant 0 : i32
            %dma_wait3A_58 = tpu.memref_slice %arg5[%arg1, %add3A_44, %dma_wait3A_57] : memref<16x40x128xi32, #tpu.memory_space<hbm>> -> memref<1x1x128xi32, #tpu.memory_space<hbm>>
            %dma_wait3A_59 = tpu.memref_squeeze %dma_wait3A_58 : memref<1x1x128xi32, #tpu.memory_space<hbm>> -> memref<128xi32, #tpu.memory_space<hbm>>
            %dma_wait3A_60 = arith.constant 0 : i32
            %dma_wait3A_61 = tpu.memref_slice %arg5[%arg1, %add3A_44, %dma_wait3A_60] : memref<16x40x128xi32, #tpu.memory_space<hbm>> -> memref<1x1x128xi32, #tpu.memory_space<hbm>>
            %dma_wait3A_62 = tpu.memref_squeeze %dma_wait3A_61 : memref<1x1x128xi32, #tpu.memory_space<hbm>> -> memref<128xi32, #tpu.memory_space<hbm>>
            tpu.wait_dma2 semaphore(%run_scoped3A_50 : memref<!tpu.dma_semaphore, #tpu.memory_space<semaphore_mem>>) src(%dma_wait3A_62 : memref<128xi32, #tpu.memory_space<hbm>>) dst(%arg10 : memref<128xi32, #tpu.memory_space<vmem>>)
            tpu.yield
          }) : () -> ()
          %add3A_45 = arith.constant 1 : i32
          %add3A_46 = arith.addi %add3A_32, %add3A_45 : i32
          "tpu.region"() ({
            %run_scoped3A_50 = tpu.sem_alloc : memref<!tpu.dma_semaphore, #tpu.memory_space<semaphore_mem>>
            %dma_start3A_51 = arith.constant 0 : i32
            %dma_start3A_52 = tpu.memref_slice %arg6[%arg1, %add3A_46, %dma_start3A_51] : memref<16x40x128xi32, #tpu.memory_space<hbm>> -> memref<1x1x128xi32, #tpu.memory_space<hbm>>
            %dma_start3A_53 = tpu.memref_squeeze %dma_start3A_52 : memref<1x1x128xi32, #tpu.memory_space<hbm>> -> memref<128xi32, #tpu.memory_space<hbm>>
            %dma_start3A_54 = arith.constant 0 : i32
            %dma_start3A_55 = tpu.memref_slice %arg6[%arg1, %add3A_46, %dma_start3A_54] : memref<16x40x128xi32, #tpu.memory_space<hbm>> -> memref<1x1x128xi32, #tpu.memory_space<hbm>>
            %dma_start3A_56 = tpu.memref_squeeze %dma_start3A_55 : memref<1x1x128xi32, #tpu.memory_space<hbm>> -> memref<128xi32, #tpu.memory_space<hbm>>
            tpu.enqueue_dma source(%dma_start3A_56 : memref<128xi32, #tpu.memory_space<hbm>>) target(%arg12 : memref<128xi32, #tpu.memory_space<vmem>>) target_semaphore(%run_scoped3A_50 : memref<!tpu.dma_semaphore, #tpu.memory_space<semaphore_mem>>)
            %dma_wait3A_57 = arith.constant 0 : i32
            %dma_wait3A_58 = tpu.memref_slice %arg6[%arg1, %add3A_46, %dma_wait3A_57] : memref<16x40x128xi32, #tpu.memory_space<hbm>> -> memref<1x1x128xi32, #tpu.memory_space<hbm>>
            %dma_wait3A_59 = tpu.memref_squeeze %dma_wait3A_58 : memref<1x1x128xi32, #tpu.memory_space<hbm>> -> memref<128xi32, #tpu.memory_space<hbm>>
            %dma_wait3A_60 = arith.constant 0 : i32
            %dma_wait3A_61 = tpu.memref_slice %arg6[%arg1, %add3A_46, %dma_wait3A_60] : memref<16x40x128xi32, #tpu.memory_space<hbm>> -> memref<1x1x128xi32, #tpu.memory_space<hbm>>
            %dma_wait3A_62 = tpu.memref_squeeze %dma_wait3A_61 : memref<1x1x128xi32, #tpu.memory_space<hbm>> -> memref<128xi32, #tpu.memory_space<hbm>>
            tpu.wait_dma2 semaphore(%run_scoped3A_50 : memref<!tpu.dma_semaphore, #tpu.memory_space<semaphore_mem>>) src(%dma_wait3A_62 : memref<128xi32, #tpu.memory_space<hbm>>) dst(%arg12 : memref<128xi32, #tpu.memory_space<vmem>>)
            tpu.yield
          }) : () -> ()
          %dma_start3A_47 = arith.constant 0 : i32
          %dma_start3A_48 = arith.constant 0 : i32
          %dma_start3A_49 = tpu.memref_slice %arg2[%dma_start3A_47, %dma_start3A_48] : memref<10112x128xf32, #tpu.memory_space<hbm>> -> memref<10112x128xf32, #tpu.memory_space<hbm>>
          tpu.enqueue_indirect_dma source(%dma_start3A_49 : memref<10112x128xf32, #tpu.memory_space<hbm>>) target(%arg14 : memref<128x128xf32, #tpu.memory_space<vmem>>) offsets(%arg10 : memref<128xi32, #tpu.memory_space<vmem>>) semaphore(%arg16 : memref<!tpu.dma_semaphore, #tpu.memory_space<semaphore_mem>>)
        } else {
        }
        %dma_wait3A_40 = arith.constant 0 : i32
        %dma_wait3A_41 = arith.constant 0 : i32
        %dma_wait3A_42 = tpu.memref_slice %arg2[%dma_wait3A_40, %dma_wait3A_41] : memref<10112x128xf32, #tpu.memory_space<hbm>> -> memref<10112x128xf32, #tpu.memory_space<hbm>>
        tpu.wait_indirect_dma semaphore(%arg17 : memref<!tpu.dma_semaphore, #tpu.memory_space<semaphore_mem>>) src(%dma_wait3A_42 : memref<10112x128xf32, #tpu.memory_space<hbm>>) dst(%arg15 : memref<128x128xf32, #tpu.memory_space<vmem>>)
        "tpu.region"() ({
          %run_scoped3A_43 = tpu.sem_alloc : memref<!tpu.dma_semaphore, #tpu.memory_space<semaphore_mem>>
          %dma_start3A_44 = arith.constant 0 : i32
          %dma_start3A_45 = arith.constant 0 : i32
          %dma_start3A_46 = tpu.memref_slice %arg9[%dma_start3A_44, %dma_start3A_45] : memref<10112x128xf32, #tpu.memory_space<vmem_shared>> -> memref<10112x128xf32, #tpu.memory_space<vmem_shared>>
          tpu.enqueue_indirect_dma source(%arg15 : memref<128x128xf32, #tpu.memory_space<vmem>>) target(%dma_start3A_46 : memref<10112x128xf32, #tpu.memory_space<vmem_shared>>) offsets(%arg13 : memref<128xi32, #tpu.memory_space<vmem>>) semaphore(%run_scoped3A_43 : memref<!tpu.dma_semaphore, #tpu.memory_space<semaphore_mem>>) {add = true}
          %dma_wait3A_47 = arith.constant 0 : i32
          %dma_wait3A_48 = arith.constant 0 : i32
          %dma_wait3A_49 = tpu.memref_slice %arg9[%dma_wait3A_47, %dma_wait3A_48] : memref<10112x128xf32, #tpu.memory_space<vmem_shared>> -> memref<10112x128xf32, #tpu.memory_space<vmem_shared>>
          tpu.wait_indirect_dma semaphore(%run_scoped3A_43 : memref<!tpu.dma_semaphore, #tpu.memory_space<semaphore_mem>>) src(%arg15 : memref<128x128xf32, #tpu.memory_space<vmem>>) dst(%dma_wait3A_49 : memref<10112x128xf32, #tpu.memory_space<vmem_shared>>)
          tpu.yield
        }) : () -> ()
      }
      %scan3A_16 = arith.constant 20 : i32
    } else {
    }
    %barrier3A_8 = arith.constant 0 : index
    tpu.barrier barrier_id(%barrier3A_8)
    "tpu.region"() ({
      %run_scoped3A = tpu.sem_alloc : memref<!tpu.dma_semaphore, #tpu.memory_space<semaphore_mem>>
      %dma_start3A = arith.constant 0 : i32
      %dma_start3A_9 = tpu.memref_slice %arg8[%arg0, %mul3A_0, %dma_start3A] : memref<2x10112x128xf32, #tpu.memory_space<hbm>> -> memref<1x632x128xf32, #tpu.memory_space<hbm>>
      %dma_start3A_10 = tpu.memref_squeeze %dma_start3A_9 : memref<1x632x128xf32, #tpu.memory_space<hbm>> -> memref<632x128xf32, #tpu.memory_space<hbm>>
      %dma_start3A_11 = arith.constant 0 : i32
      %dma_start3A_12 = tpu.memref_slice %arg9[%mul3A_0, %dma_start3A_11] : memref<10112x128xf32, #tpu.memory_space<vmem_shared>> -> memref<632x128xf32, #tpu.memory_space<vmem_shared>>
      tpu.enqueue_dma source(%dma_start3A_12 : memref<632x128xf32, #tpu.memory_space<vmem_shared>>) target(%dma_start3A_10 : memref<632x128xf32, #tpu.memory_space<hbm>>) target_semaphore(%run_scoped3A : memref<!tpu.dma_semaphore, #tpu.memory_space<semaphore_mem>>)
      %dma_wait3A = arith.constant 0 : i32
      %dma_wait3A_13 = tpu.memref_slice %arg8[%arg0, %mul3A_0, %dma_wait3A] : memref<2x10112x128xf32, #tpu.memory_space<hbm>> -> memref<1x632x128xf32, #tpu.memory_space<hbm>>
      %dma_wait3A_14 = tpu.memref_squeeze %dma_wait3A_13 : memref<1x632x128xf32, #tpu.memory_space<hbm>> -> memref<632x128xf32, #tpu.memory_space<hbm>>
      %dma_wait3A_15 = arith.constant 0 : i32
      %dma_wait3A_16 = tpu.memref_slice %arg9[%mul3A_0, %dma_wait3A_15] : memref<10112x128xf32, #tpu.memory_space<vmem_shared>> -> memref<632x128xf32, #tpu.memory_space<vmem_shared>>
      tpu.wait_dma2 semaphore(%run_scoped3A : memref<!tpu.dma_semaphore, #tpu.memory_space<semaphore_mem>>) src(%dma_wait3A_16 : memref<632x128xf32, #tpu.memory_space<vmem_shared>>) dst(%dma_wait3A_14 : memref<632x128xf32, #tpu.memory_space<hbm>>)
      tpu.yield
    }) : () -> ()
    return
  }
}

module attributes {stable_mosaic.version = 14 : i64} {
  func.func @_pre_body(%arg0: i32, %arg1: memref<1x1xf32, #tpu.memory_space<smem>>, %arg2: memref<1264x128xf32, #tpu.memory_space<vmem>>, %arg3: memref<128x128xf32, #tpu.memory_space<vmem>>, %arg4: memref<128xf32, #tpu.memory_space<vmem>>, %arg5: memref<128x128xf32, #tpu.memory_space<vmem>>, %arg6: memref<128xf32, #tpu.memory_space<vmem>>, %arg7: memref<128x128xf32, #tpu.memory_space<vmem>>, %arg8: memref<128xf32, #tpu.memory_space<vmem>>, %arg9: memref<1264x128xf32, #tpu.memory_space<vmem>>, %arg10: memref<1264x128xf32, #tpu.memory_space<vmem>>) attributes {dimension_semantics = [#tpu.dimension_semantics<arbitrary>], iteration_bounds = array<i64: 8>, scalar_prefetch = 0 : i64, scratch_operands = 0 : i64, tpu.core_type = #tpu.core_type<tc>, window_params = [{transform_indices = @transform_0, window_bounds = array<i64: 1, 1>}, {transform_indices = @transform_1, window_bounds = array<i64: 1264, 128>}, {pipeline_mode = #tpu.pipeline_mode<synchronous>, transform_indices = @transform_2, window_bounds = array<i64: 128, 128>}, {pipeline_mode = #tpu.pipeline_mode<synchronous>, transform_indices = @transform_3, window_bounds = array<i64: 128>}, {pipeline_mode = #tpu.pipeline_mode<synchronous>, transform_indices = @transform_4, window_bounds = array<i64: 128, 128>}, {pipeline_mode = #tpu.pipeline_mode<synchronous>, transform_indices = @transform_5, window_bounds = array<i64: 128>}, {pipeline_mode = #tpu.pipeline_mode<synchronous>, transform_indices = @transform_6, window_bounds = array<i64: 128, 128>}, {pipeline_mode = #tpu.pipeline_mode<synchronous>, transform_indices = @transform_7, window_bounds = array<i64: 128>}, {transform_indices = @transform_8, window_bounds = array<i64: 1264, 128>}, {transform_indices = @transform_9, window_bounds = array<i64: 1264, 128>}]} {
    %get3A = arith.constant 0 : index
    %get3A_0 = arith.constant 0 : index
    %get3A_1 = memref.load %arg1[%get3A, %get3A_0] : memref<1x1xf32, #tpu.memory_space<smem>>
    %sqrt3A = math.sqrt %get3A_1 : f32
    %get3A_2 = arith.constant 0 : index
    %get3A_3 = arith.constant 0 : index
    %get3A_4 = vector.load %arg2[%get3A_2, %get3A_3] : memref<1264x128xf32, #tpu.memory_space<vmem>>, vector<1264x128xf32>
    %mul3A = arith.mulf %get3A_4, %get3A_4 : vector<1264x128xf32>
    %reduce_sum3A = arith.constant dense<0.000000e+00> : vector<1264xf32>
    %reduce_sum3A_5 = vector.multi_reduction <add>, %mul3A, %reduce_sum3A [1] : vector<1264x128xf32> to vector<1264xf32>
    %broadcast_in_dim3A = vector.shape_cast %reduce_sum3A_5 : vector<1264xf32> to vector<1264x1xf32>
    %sqrt3A_6 = math.sqrt %broadcast_in_dim3A : vector<1264x1xf32>
    %add3A = arith.constant 9.99999993E-9 : f32
    %add3A_7 = vector.broadcast %add3A : f32 to vector<1264x1xf32>
    %add3A_8 = arith.addf %sqrt3A_6, %add3A_7 : vector<1264x1xf32>
    %div3A = vector.broadcast %add3A_8 : vector<1264x1xf32> to vector<1264x128xf32>
    %div3A_9 = arith.divf %get3A_4, %div3A : vector<1264x128xf32>
    %div3A_10 = arith.constant 1.000010e+00 : f32
    %div3A_11 = vector.broadcast %div3A_10 : f32 to vector<1264x128xf32>
    %div3A_12 = arith.divf %div3A_9, %div3A_11 : vector<1264x128xf32>
    %mul3A_13 = arith.mulf %div3A_12, %div3A_12 : vector<1264x128xf32>
    %reduce_sum3A_14 = arith.constant dense<0.000000e+00> : vector<1264xf32>
    %reduce_sum3A_15 = vector.multi_reduction <add>, %mul3A_13, %reduce_sum3A_14 [1] : vector<1264x128xf32> to vector<1264xf32>
    %broadcast_in_dim3A_16 = vector.shape_cast %reduce_sum3A_15 : vector<1264xf32> to vector<1264x1xf32>
    %sqrt3A_17 = math.sqrt %broadcast_in_dim3A_16 : vector<1264x1xf32>
    %max3A = arith.constant 9.99999974E-6 : f32
    %max3A_18 = vector.broadcast %max3A : f32 to vector<1264x1xf32>
    %max3A_19 = arith.maximumf %sqrt3A_17, %max3A_18 : vector<1264x1xf32>
    %mul3A_20 = vector.broadcast %sqrt3A : f32 to vector<1264x1xf32>
    %mul3A_21 = arith.mulf %mul3A_20, %max3A_19 : vector<1264x1xf32>
    %min3A = arith.constant 0.999998986 : f32
    %min3A_22 = vector.broadcast %min3A : f32 to vector<1264x1xf32>
    %min3A_23 = arith.minimumf %mul3A_21, %min3A_22 : vector<1264x1xf32>
    %add3A_24 = arith.constant 1.000000e+00 : f32
    %add3A_25 = vector.broadcast %add3A_24 : f32 to vector<1264x1xf32>
    %add3A_26 = arith.addf %add3A_25, %min3A_23 : vector<1264x1xf32>
    %sub3A = arith.constant 1.000000e+00 : f32
    %sub3A_27 = vector.broadcast %sub3A : f32 to vector<1264x1xf32>
    %sub3A_28 = arith.subf %sub3A_27, %min3A_23 : vector<1264x1xf32>
    %div3A_29 = arith.divf %add3A_26, %sub3A_28 : vector<1264x1xf32>
    %log3A = math.log %div3A_29 : vector<1264x1xf32>
    %mul3A_30 = arith.constant 5.000000e-01 : f32
    %mul3A_31 = vector.broadcast %mul3A_30 : f32 to vector<1264x1xf32>
    %mul3A_32 = arith.mulf %mul3A_31, %log3A : vector<1264x1xf32>
    %mul3A_33 = vector.broadcast %sqrt3A : f32 to vector<1264x1xf32>
    %mul3A_34 = arith.mulf %mul3A_33, %max3A_19 : vector<1264x1xf32>
    %div3A_35 = arith.divf %mul3A_32, %mul3A_34 : vector<1264x1xf32>
    %mul3A_36 = vector.broadcast %div3A_35 : vector<1264x1xf32> to vector<1264x128xf32>
    %mul3A_37 = arith.mulf %mul3A_36, %div3A_12 : vector<1264x128xf32>
    %get3A_38 = arith.constant 0 : index
    %get3A_39 = arith.constant 0 : index
    %get3A_40 = vector.load %arg3[%get3A_38, %get3A_39] : memref<128x128xf32, #tpu.memory_space<vmem>>, vector<128x128xf32>
    %dot_general3A = arith.constant dense<0.000000e+00> : vector<1264x128xf32>
    %dot_general3A_41 = tpu.matmul %mul3A_37, %get3A_40, %dot_general3A {dimension_numbers = #tpu.dot_dimension_numbers<[1], [0], [0], [1], [0, 0, 1, 1], [], []>, transpose_lhs_hint = false} : vector<1264x128xf32>, vector<128x128xf32>, vector<1264x128xf32> -> vector<1264x128xf32>
    %get3A_42 = arith.constant 0 : index
    %get3A_43 = vector.load %arg4[%get3A_42] : memref<128xf32, #tpu.memory_space<vmem>>, vector<128xf32>
    %broadcast_in_dim3A_44 = vector.shape_cast %get3A_43 : vector<128xf32> to vector<1x128xf32>
    %add3A_45 = vector.broadcast %broadcast_in_dim3A_44 : vector<1x128xf32> to vector<1264x128xf32>
    %add3A_46 = arith.addf %dot_general3A_41, %add3A_45 : vector<1264x128xf32>
    %mul3A_47 = arith.mulf %add3A_46, %add3A_46 : vector<1264x128xf32>
    %reduce_sum3A_48 = arith.constant dense<0.000000e+00> : vector<1264xf32>
    %reduce_sum3A_49 = vector.multi_reduction <add>, %mul3A_47, %reduce_sum3A_48 [1] : vector<1264x128xf32> to vector<1264xf32>
    %broadcast_in_dim3A_50 = vector.shape_cast %reduce_sum3A_49 : vector<1264xf32> to vector<1264x1xf32>
    %sqrt3A_51 = math.sqrt %broadcast_in_dim3A_50 : vector<1264x1xf32>
    %max3A_52 = arith.constant 9.99999974E-6 : f32
    %max3A_53 = vector.broadcast %max3A_52 : f32 to vector<1264x1xf32>
    %max3A_54 = arith.maximumf %sqrt3A_51, %max3A_53 : vector<1264x1xf32>
    %mul3A_55 = vector.broadcast %sqrt3A : f32 to vector<1264x1xf32>
    %mul3A_56 = arith.mulf %mul3A_55, %max3A_54 : vector<1264x1xf32>
    %tanh3A = math.tanh %mul3A_56 : vector<1264x1xf32>
    %mul3A_57 = vector.broadcast %sqrt3A : f32 to vector<1264x1xf32>
    %mul3A_58 = arith.mulf %mul3A_57, %max3A_54 : vector<1264x1xf32>
    %div3A_59 = arith.divf %tanh3A, %mul3A_58 : vector<1264x1xf32>
    %mul3A_60 = vector.broadcast %div3A_59 : vector<1264x1xf32> to vector<1264x128xf32>
    %mul3A_61 = arith.mulf %mul3A_60, %add3A_46 : vector<1264x128xf32>
    %div3A_62 = arith.constant 1.000010e+00 : f32
    %div3A_63 = vector.broadcast %div3A_62 : f32 to vector<1264x128xf32>
    %div3A_64 = arith.divf %mul3A_61, %div3A_63 : vector<1264x128xf32>
    %div3A_65 = arith.constant 1.000010e+00 : f32
    %div3A_66 = vector.broadcast %div3A_65 : f32 to vector<1264x128xf32>
    %div3A_67 = arith.divf %div3A_64, %div3A_66 : vector<1264x128xf32>
    %mul3A_68 = arith.mulf %div3A_67, %div3A_67 : vector<1264x128xf32>
    %reduce_sum3A_69 = arith.constant dense<0.000000e+00> : vector<1264xf32>
    %reduce_sum3A_70 = vector.multi_reduction <add>, %mul3A_68, %reduce_sum3A_69 [1] : vector<1264x128xf32> to vector<1264xf32>
    %broadcast_in_dim3A_71 = vector.shape_cast %reduce_sum3A_70 : vector<1264xf32> to vector<1264x1xf32>
    %sqrt3A_72 = math.sqrt %broadcast_in_dim3A_71 : vector<1264x1xf32>
    %max3A_73 = arith.constant 9.99999974E-6 : f32
    %max3A_74 = vector.broadcast %max3A_73 : f32 to vector<1264x1xf32>
    %max3A_75 = arith.maximumf %sqrt3A_72, %max3A_74 : vector<1264x1xf32>
    %mul3A_76 = vector.broadcast %sqrt3A : f32 to vector<1264x1xf32>
    %mul3A_77 = arith.mulf %mul3A_76, %max3A_75 : vector<1264x1xf32>
    %min3A_78 = arith.constant 0.999998986 : f32
    %min3A_79 = vector.broadcast %min3A_78 : f32 to vector<1264x1xf32>
    %min3A_80 = arith.minimumf %mul3A_77, %min3A_79 : vector<1264x1xf32>
    %add3A_81 = arith.constant 1.000000e+00 : f32
    %add3A_82 = vector.broadcast %add3A_81 : f32 to vector<1264x1xf32>
    %add3A_83 = arith.addf %add3A_82, %min3A_80 : vector<1264x1xf32>
    %sub3A_84 = arith.constant 1.000000e+00 : f32
    %sub3A_85 = vector.broadcast %sub3A_84 : f32 to vector<1264x1xf32>
    %sub3A_86 = arith.subf %sub3A_85, %min3A_80 : vector<1264x1xf32>
    %div3A_87 = arith.divf %add3A_83, %sub3A_86 : vector<1264x1xf32>
    %log3A_88 = math.log %div3A_87 : vector<1264x1xf32>
    %mul3A_89 = arith.constant 5.000000e-01 : f32
    %mul3A_90 = vector.broadcast %mul3A_89 : f32 to vector<1264x1xf32>
    %mul3A_91 = arith.mulf %mul3A_90, %log3A_88 : vector<1264x1xf32>
    %mul3A_92 = vector.broadcast %sqrt3A : f32 to vector<1264x1xf32>
    %mul3A_93 = arith.mulf %mul3A_92, %max3A_75 : vector<1264x1xf32>
    %div3A_94 = arith.divf %mul3A_91, %mul3A_93 : vector<1264x1xf32>
    %mul3A_95 = vector.broadcast %div3A_94 : vector<1264x1xf32> to vector<1264x128xf32>
    %mul3A_96 = arith.mulf %mul3A_95, %div3A_67 : vector<1264x128xf32>
    %get3A_97 = arith.constant 0 : index
    %get3A_98 = arith.constant 0 : index
    %get3A_99 = vector.load %arg5[%get3A_97, %get3A_98] : memref<128x128xf32, #tpu.memory_space<vmem>>, vector<128x128xf32>
    %get3A_100 = arith.constant 0 : index
    %get3A_101 = vector.load %arg6[%get3A_100] : memref<128xf32, #tpu.memory_space<vmem>>, vector<128xf32>
    %get3A_102 = arith.constant 0 : index
    %get3A_103 = arith.constant 0 : index
    %get3A_104 = vector.load %arg7[%get3A_102, %get3A_103] : memref<128x128xf32, #tpu.memory_space<vmem>>, vector<128x128xf32>
    %get3A_105 = arith.constant 0 : index
    %get3A_106 = vector.load %arg8[%get3A_105] : memref<128xf32, #tpu.memory_space<vmem>>, vector<128xf32>
    %dot_general3A_107 = arith.constant dense<0.000000e+00> : vector<1264x128xf32>
    %dot_general3A_108 = tpu.matmul %mul3A_96, %get3A_99, %dot_general3A_107 {dimension_numbers = #tpu.dot_dimension_numbers<[1], [0], [0], [1], [0, 0, 1, 1], [], []>, transpose_lhs_hint = false} : vector<1264x128xf32>, vector<128x128xf32>, vector<1264x128xf32> -> vector<1264x128xf32>
    %broadcast_in_dim3A_109 = vector.shape_cast %get3A_101 : vector<128xf32> to vector<1x128xf32>
    %add3A_110 = vector.broadcast %broadcast_in_dim3A_109 : vector<1x128xf32> to vector<1264x128xf32>
    %add3A_111 = arith.addf %dot_general3A_108, %add3A_110 : vector<1264x128xf32>
    %mul3A_112 = arith.mulf %add3A_111, %add3A_111 : vector<1264x128xf32>
    %reduce_sum3A_113 = arith.constant dense<0.000000e+00> : vector<1264xf32>
    %reduce_sum3A_114 = vector.multi_reduction <add>, %mul3A_112, %reduce_sum3A_113 [1] : vector<1264x128xf32> to vector<1264xf32>
    %broadcast_in_dim3A_115 = vector.shape_cast %reduce_sum3A_114 : vector<1264xf32> to vector<1264x1xf32>
    %sqrt3A_116 = math.sqrt %broadcast_in_dim3A_115 : vector<1264x1xf32>
    %max3A_117 = arith.constant 9.99999974E-6 : f32
    %max3A_118 = vector.broadcast %max3A_117 : f32 to vector<1264x1xf32>
    %max3A_119 = arith.maximumf %sqrt3A_116, %max3A_118 : vector<1264x1xf32>
    %mul3A_120 = vector.broadcast %sqrt3A : f32 to vector<1264x1xf32>
    %mul3A_121 = arith.mulf %mul3A_120, %max3A_119 : vector<1264x1xf32>
    %tanh3A_122 = math.tanh %mul3A_121 : vector<1264x1xf32>
    %mul3A_123 = vector.broadcast %sqrt3A : f32 to vector<1264x1xf32>
    %mul3A_124 = arith.mulf %mul3A_123, %max3A_119 : vector<1264x1xf32>
    %div3A_125 = arith.divf %tanh3A_122, %mul3A_124 : vector<1264x1xf32>
    %mul3A_126 = vector.broadcast %div3A_125 : vector<1264x1xf32> to vector<1264x128xf32>
    %mul3A_127 = arith.mulf %mul3A_126, %add3A_111 : vector<1264x128xf32>
    %div3A_128 = arith.constant 1.000010e+00 : f32
    %div3A_129 = vector.broadcast %div3A_128 : f32 to vector<1264x128xf32>
    %div3A_130 = arith.divf %mul3A_127, %div3A_129 : vector<1264x128xf32>
    %dot_general3A_131 = arith.constant dense<0.000000e+00> : vector<1264x128xf32>
    %dot_general3A_132 = tpu.matmul %mul3A_96, %get3A_104, %dot_general3A_131 {dimension_numbers = #tpu.dot_dimension_numbers<[1], [0], [0], [1], [0, 0, 1, 1], [], []>, transpose_lhs_hint = false} : vector<1264x128xf32>, vector<128x128xf32>, vector<1264x128xf32> -> vector<1264x128xf32>
    %broadcast_in_dim3A_133 = vector.shape_cast %get3A_106 : vector<128xf32> to vector<1x128xf32>
    %add3A_134 = vector.broadcast %broadcast_in_dim3A_133 : vector<1x128xf32> to vector<1264x128xf32>
    %add3A_135 = arith.addf %dot_general3A_132, %add3A_134 : vector<1264x128xf32>
    %mul3A_136 = arith.mulf %add3A_135, %add3A_135 : vector<1264x128xf32>
    %reduce_sum3A_137 = arith.constant dense<0.000000e+00> : vector<1264xf32>
    %reduce_sum3A_138 = vector.multi_reduction <add>, %mul3A_136, %reduce_sum3A_137 [1] : vector<1264x128xf32> to vector<1264xf32>
    %broadcast_in_dim3A_139 = vector.shape_cast %reduce_sum3A_138 : vector<1264xf32> to vector<1264x1xf32>
    %sqrt3A_140 = math.sqrt %broadcast_in_dim3A_139 : vector<1264x1xf32>
    %max3A_141 = arith.constant 9.99999974E-6 : f32
    %max3A_142 = vector.broadcast %max3A_141 : f32 to vector<1264x1xf32>
    %max3A_143 = arith.maximumf %sqrt3A_140, %max3A_142 : vector<1264x1xf32>
    %mul3A_144 = vector.broadcast %sqrt3A : f32 to vector<1264x1xf32>
    %mul3A_145 = arith.mulf %mul3A_144, %max3A_143 : vector<1264x1xf32>
    %tanh3A_146 = math.tanh %mul3A_145 : vector<1264x1xf32>
    %mul3A_147 = vector.broadcast %sqrt3A : f32 to vector<1264x1xf32>
    %mul3A_148 = arith.mulf %mul3A_147, %max3A_143 : vector<1264x1xf32>
    %div3A_149 = arith.divf %tanh3A_146, %mul3A_148 : vector<1264x1xf32>
    %mul3A_150 = vector.broadcast %div3A_149 : vector<1264x1xf32> to vector<1264x128xf32>
    %mul3A_151 = arith.mulf %mul3A_150, %add3A_135 : vector<1264x128xf32>
    %div3A_152 = arith.constant 1.000010e+00 : f32
    %div3A_153 = vector.broadcast %div3A_152 : f32 to vector<1264x128xf32>
    %div3A_154 = arith.divf %mul3A_151, %div3A_153 : vector<1264x128xf32>
    %swap3A = arith.constant 0 : index
    %swap3A_155 = arith.constant 0 : index
    %swap3A_156 = vector.load %arg9[%swap3A, %swap3A_155] : memref<1264x128xf32, #tpu.memory_space<vmem>>, vector<1264x128xf32>
    tpu.vector_store %arg9[%swap3A, %swap3A_155], %div3A_130 {strides = array<i32>} : memref<1264x128xf32, #tpu.memory_space<vmem>>, vector<1264x128xf32>,
    %swap3A_157 = arith.constant 0 : index
    %swap3A_158 = arith.constant 0 : index
    %swap3A_159 = vector.load %arg10[%swap3A_157, %swap3A_158] : memref<1264x128xf32, #tpu.memory_space<vmem>>, vector<1264x128xf32>
    tpu.vector_store %arg10[%swap3A_157, %swap3A_158], %div3A_154 {strides = array<i32>} : memref<1264x128xf32, #tpu.memory_space<vmem>>, vector<1264x128xf32>,
    return
  }
  func.func @transform_0(%arg0: i32) -> (i32, i32) {
    %c0_i32 = arith.constant 0 : i32
    %c0_i32_0 = arith.constant 0 : i32
    %c0_i32_1 = arith.constant 0 : i32
    return %c0_i32, %c0_i32_0 : i32, i32
  }
  func.func @transform_1(%arg0: i32) -> (i32, i32) {
    %c0_i32 = arith.constant 0 : i32
    %c0_i32_0 = arith.constant 0 : i32
    return %arg0, %c0_i32 : i32, i32
  }
  func.func @transform_2(%arg0: i32) -> (i32, i32) {
    %c0_i32 = arith.constant 0 : i32
    %c0_i32_0 = arith.constant 0 : i32
    %c0_i32_1 = arith.constant 0 : i32
    return %c0_i32, %c0_i32_0 : i32, i32
  }
  func.func @transform_3(%arg0: i32) -> i32 {
    %c0_i32 = arith.constant 0 : i32
    %c0_i32_0 = arith.constant 0 : i32
    return %c0_i32 : i32
  }
  func.func @transform_4(%arg0: i32) -> (i32, i32) {
    %c0_i32 = arith.constant 0 : i32
    %c0_i32_0 = arith.constant 0 : i32
    %c0_i32_1 = arith.constant 0 : i32
    return %c0_i32, %c0_i32_0 : i32, i32
  }
  func.func @transform_5(%arg0: i32) -> i32 {
    %c0_i32 = arith.constant 0 : i32
    %c0_i32_0 = arith.constant 0 : i32
    return %c0_i32 : i32
  }
  func.func @transform_6(%arg0: i32) -> (i32, i32) {
    %c0_i32 = arith.constant 0 : i32
    %c0_i32_0 = arith.constant 0 : i32
    %c0_i32_1 = arith.constant 0 : i32
    return %c0_i32, %c0_i32_0 : i32, i32
  }
  func.func @transform_7(%arg0: i32) -> i32 {
    %c0_i32 = arith.constant 0 : i32
    %c0_i32_0 = arith.constant 0 : i32
    return %c0_i32 : i32
  }
  func.func @transform_8(%arg0: i32) -> (i32, i32) {
    %c0_i32 = arith.constant 0 : i32
    %c0_i32_0 = arith.constant 0 : i32
    return %arg0, %c0_i32 : i32, i32
  }
  func.func @transform_9(%arg0: i32) -> (i32, i32) {
    %c0_i32 = arith.constant 0 : i32
    %c0_i32_0 = arith.constant 0 : i32
    return %arg0, %c0_i32 : i32, i32
  }
}

module attributes {stable_mosaic.version = 14 : i64} {
  func.func @_mid_body(%arg0: i32, %arg1: memref<1x1xf32, #tpu.memory_space<smem>>, %arg2: memref<1264x128xf32, #tpu.memory_space<vmem>>, %arg3: memref<1264x128xf32, #tpu.memory_space<vmem>>, %arg4: memref<2x1264x128xf32, #tpu.memory_space<vmem>>, %arg5: memref<2x1264x128xf32, #tpu.memory_space<vmem>>, %arg6: memref<128x128xf32, #tpu.memory_space<vmem>>, %arg7: memref<128xf32, #tpu.memory_space<vmem>>, %arg8: memref<128x128xf32, #tpu.memory_space<vmem>>, %arg9: memref<128xf32, #tpu.memory_space<vmem>>, %arg10: memref<1264x128xf32, #tpu.memory_space<vmem>>, %arg11: memref<1264x128xf32, #tpu.memory_space<vmem>>) attributes {dimension_semantics = [#tpu.dimension_semantics<arbitrary>], iteration_bounds = array<i64: 8>, scalar_prefetch = 0 : i64, scratch_operands = 0 : i64, tpu.core_type = #tpu.core_type<tc>, window_params = [{transform_indices = @transform_0, window_bounds = array<i64: 1, 1>}, {transform_indices = @transform_1, window_bounds = array<i64: 1264, 128>}, {transform_indices = @transform_2, window_bounds = array<i64: 1264, 128>}, {transform_indices = @transform_3, window_bounds = array<i64: 2, 1264, 128>}, {transform_indices = @transform_4, window_bounds = array<i64: 2, 1264, 128>}, {pipeline_mode = #tpu.pipeline_mode<synchronous>, transform_indices = @transform_5, window_bounds = array<i64: 128, 128>}, {pipeline_mode = #tpu.pipeline_mode<synchronous>, transform_indices = @transform_6, window_bounds = array<i64: 128>}, {pipeline_mode = #tpu.pipeline_mode<synchronous>, transform_indices = @transform_7, window_bounds = array<i64: 128, 128>}, {pipeline_mode = #tpu.pipeline_mode<synchronous>, transform_indices = @transform_8, window_bounds = array<i64: 128>}, {transform_indices = @transform_9, window_bounds = array<i64: 1264, 128>}, {transform_indices = @transform_10, window_bounds = array<i64: 1264, 128>}]} {
    %get3A = arith.constant 0 : index
    %get3A_0 = arith.constant 0 : index
    %get3A_1 = memref.load %arg1[%get3A, %get3A_0] : memref<1x1xf32, #tpu.memory_space<smem>>
    %sqrt3A = math.sqrt %get3A_1 : f32
    %get3A_2 = arith.constant 0 : index
    %get3A_3 = arith.constant 0 : index
    %get3A_4 = vector.load %arg3[%get3A_2, %get3A_3] : memref<1264x128xf32, #tpu.memory_space<vmem>>, vector<1264x128xf32>
    %get3A_5 = arith.constant 0 : index
    %get3A_6 = arith.constant 0 : index
    %get3A_7 = arith.constant 0 : index
    %get3A_8 = vector.load %arg4[%get3A_5, %get3A_6, %get3A_7] : memref<2x1264x128xf32, #tpu.memory_space<vmem>>, vector<1x1264x128xf32>
    %get3A_9 = vector.shape_cast %get3A_8 : vector<1x1264x128xf32> to vector<1264x128xf32>
    %add3A = arith.addf %get3A_4, %get3A_9 : vector<1264x128xf32>
    %get3A_10 = arith.constant 1 : index
    %get3A_11 = arith.constant 0 : index
    %get3A_12 = arith.constant 0 : index
    %get3A_13 = vector.load %arg4[%get3A_10, %get3A_11, %get3A_12] : memref<2x1264x128xf32, #tpu.memory_space<vmem>>, vector<1x1264x128xf32>
    %get3A_14 = vector.shape_cast %get3A_13 : vector<1x1264x128xf32> to vector<1264x128xf32>
    %add3A_15 = arith.addf %add3A, %get3A_14 : vector<1264x128xf32>
    %get3A_16 = arith.constant 0 : index
    %get3A_17 = arith.constant 0 : index
    %get3A_18 = arith.constant 0 : index
    %get3A_19 = vector.load %arg5[%get3A_16, %get3A_17, %get3A_18] : memref<2x1264x128xf32, #tpu.memory_space<vmem>>, vector<1x1264x1xf32>
    %get3A_20 = vector.shape_cast %get3A_19 : vector<1x1264x1xf32> to vector<1264x1xf32>
    %get3A_21 = arith.constant 1 : index
    %get3A_22 = arith.constant 0 : index
    %get3A_23 = arith.constant 0 : index
    %get3A_24 = vector.load %arg5[%get3A_21, %get3A_22, %get3A_23] : memref<2x1264x128xf32, #tpu.memory_space<vmem>>, vector<1x1264x1xf32>
    %get3A_25 = vector.shape_cast %get3A_24 : vector<1x1264x1xf32> to vector<1264x1xf32>
    %add3A_26 = arith.addf %get3A_20, %get3A_25 : vector<1264x1xf32>
    %add3A_27 = arith.constant 1.000000e+00 : f32
    %add3A_28 = vector.broadcast %add3A_27 : f32 to vector<1264x1xf32>
    %add3A_29 = arith.addf %add3A_26, %add3A_28 : vector<1264x1xf32>
    %max3A = arith.constant 1.000000e+00 : f32
    %max3A_30 = vector.broadcast %max3A : f32 to vector<1264x1xf32>
    %max3A_31 = arith.maximumf %add3A_29, %max3A_30 : vector<1264x1xf32>
    %div3A = vector.broadcast %max3A_31 : vector<1264x1xf32> to vector<1264x128xf32>
    %div3A_32 = arith.divf %add3A_15, %div3A : vector<1264x128xf32>
    %get3A_33 = arith.constant 0 : index
    %get3A_34 = arith.constant 0 : index
    %get3A_35 = vector.load %arg2[%get3A_33, %get3A_34] : memref<1264x128xf32, #tpu.memory_space<vmem>>, vector<1264x128xf32>
    %mul3A = arith.mulf %get3A_35, %get3A_35 : vector<1264x128xf32>
    %reduce_sum3A = arith.constant dense<0.000000e+00> : vector<1264xf32>
    %reduce_sum3A_36 = vector.multi_reduction <add>, %mul3A, %reduce_sum3A [1] : vector<1264x128xf32> to vector<1264xf32>
    %broadcast_in_dim3A = vector.shape_cast %reduce_sum3A_36 : vector<1264xf32> to vector<1264x1xf32>
    %mul3A_37 = arith.mulf %div3A_32, %div3A_32 : vector<1264x128xf32>
    %reduce_sum3A_38 = arith.constant dense<0.000000e+00> : vector<1264xf32>
    %reduce_sum3A_39 = vector.multi_reduction <add>, %mul3A_37, %reduce_sum3A_38 [1] : vector<1264x128xf32> to vector<1264xf32>
    %broadcast_in_dim3A_40 = vector.shape_cast %reduce_sum3A_39 : vector<1264xf32> to vector<1264x1xf32>
    %mul3A_41 = arith.mulf %get3A_35, %div3A_32 : vector<1264x128xf32>
    %reduce_sum3A_42 = arith.constant dense<0.000000e+00> : vector<1264xf32>
    %reduce_sum3A_43 = vector.multi_reduction <add>, %mul3A_41, %reduce_sum3A_42 [1] : vector<1264x128xf32> to vector<1264xf32>
    %broadcast_in_dim3A_44 = vector.shape_cast %reduce_sum3A_43 : vector<1264xf32> to vector<1264x1xf32>
    %mul3A_45 = arith.constant 2.000000e+00 : f32
    %mul3A_46 = arith.mulf %mul3A_45, %get3A_1 : f32
    %mul3A_47 = vector.broadcast %mul3A_46 : f32 to vector<1264x1xf32>
    %mul3A_48 = arith.mulf %mul3A_47, %broadcast_in_dim3A_44 : vector<1264x1xf32>
    %add3A_49 = arith.constant 1.000000e+00 : f32
    %add3A_50 = vector.broadcast %add3A_49 : f32 to vector<1264x1xf32>
    %add3A_51 = arith.addf %add3A_50, %mul3A_48 : vector<1264x1xf32>
    %mul3A_52 = vector.broadcast %get3A_1 : f32 to vector<1264x1xf32>
    %mul3A_53 = arith.mulf %mul3A_52, %broadcast_in_dim3A_40 : vector<1264x1xf32>
    %add3A_54 = arith.addf %add3A_51, %mul3A_53 : vector<1264x1xf32>
    %mul3A_55 = vector.broadcast %add3A_54 : vector<1264x1xf32> to vector<1264x128xf32>
    %mul3A_56 = arith.mulf %mul3A_55, %get3A_35 : vector<1264x128xf32>
    %mul3A_57 = vector.broadcast %get3A_1 : f32 to vector<1264x1xf32>
    %mul3A_58 = arith.mulf %mul3A_57, %broadcast_in_dim3A : vector<1264x1xf32>
    %sub3A = arith.constant 1.000000e+00 : f32
    %sub3A_59 = vector.broadcast %sub3A : f32 to vector<1264x1xf32>
    %sub3A_60 = arith.subf %sub3A_59, %mul3A_58 : vector<1264x1xf32>
    %mul3A_61 = vector.broadcast %sub3A_60 : vector<1264x1xf32> to vector<1264x128xf32>
    %mul3A_62 = arith.mulf %mul3A_61, %div3A_32 : vector<1264x128xf32>
    %add3A_63 = arith.addf %mul3A_56, %mul3A_62 : vector<1264x128xf32>
    %mul3A_64 = arith.constant 2.000000e+00 : f32
    %mul3A_65 = arith.mulf %mul3A_64, %get3A_1 : f32
    %mul3A_66 = vector.broadcast %mul3A_65 : f32 to vector<1264x1xf32>
    %mul3A_67 = arith.mulf %mul3A_66, %broadcast_in_dim3A_44 : vector<1264x1xf32>
    %add3A_68 = arith.constant 1.000000e+00 : f32
    %add3A_69 = vector.broadcast %add3A_68 : f32 to vector<1264x1xf32>
    %add3A_70 = arith.addf %add3A_69, %mul3A_67 : vector<1264x1xf32>
    %mul3A_71 = vector.broadcast %get3A_1 : f32 to vector<1264x1xf32>
    %mul3A_72 = arith.mulf %mul3A_71, %broadcast_in_dim3A : vector<1264x1xf32>
    %mul3A_73 = arith.mulf %mul3A_72, %broadcast_in_dim3A_40 : vector<1264x1xf32>
    %add3A_74 = arith.addf %add3A_70, %mul3A_73 : vector<1264x1xf32>
    %add3A_75 = arith.constant 9.99999974E-6 : f32
    %add3A_76 = vector.broadcast %add3A_75 : f32 to vector<1264x1xf32>
    %add3A_77 = arith.addf %add3A_74, %add3A_76 : vector<1264x1xf32>
    %div3A_78 = vector.broadcast %add3A_77 : vector<1264x1xf32> to vector<1264x128xf32>
    %div3A_79 = arith.divf %add3A_63, %div3A_78 : vector<1264x128xf32>
    %div3A_80 = arith.constant 1.000010e+00 : f32
    %div3A_81 = vector.broadcast %div3A_80 : f32 to vector<1264x128xf32>
    %div3A_82 = arith.divf %div3A_79, %div3A_81 : vector<1264x128xf32>
    %mul3A_83 = arith.mulf %div3A_82, %div3A_82 : vector<1264x128xf32>
    %reduce_sum3A_84 = arith.constant dense<0.000000e+00> : vector<1264xf32>
    %reduce_sum3A_85 = vector.multi_reduction <add>, %mul3A_83, %reduce_sum3A_84 [1] : vector<1264x128xf32> to vector<1264xf32>
    %broadcast_in_dim3A_86 = vector.shape_cast %reduce_sum3A_85 : vector<1264xf32> to vector<1264x1xf32>
    %sqrt3A_87 = math.sqrt %broadcast_in_dim3A_86 : vector<1264x1xf32>
    %max3A_88 = arith.constant 9.99999974E-6 : f32
    %max3A_89 = vector.broadcast %max3A_88 : f32 to vector<1264x1xf32>
    %max3A_90 = arith.maximumf %sqrt3A_87, %max3A_89 : vector<1264x1xf32>
    %mul3A_91 = vector.broadcast %sqrt3A : f32 to vector<1264x1xf32>
    %mul3A_92 = arith.mulf %mul3A_91, %max3A_90 : vector<1264x1xf32>
    %min3A = arith.constant 0.999998986 : f32
    %min3A_93 = vector.broadcast %min3A : f32 to vector<1264x1xf32>
    %min3A_94 = arith.minimumf %mul3A_92, %min3A_93 : vector<1264x1xf32>
    %add3A_95 = arith.constant 1.000000e+00 : f32
    %add3A_96 = vector.broadcast %add3A_95 : f32 to vector<1264x1xf32>
    %add3A_97 = arith.addf %add3A_96, %min3A_94 : vector<1264x1xf32>
    %sub3A_98 = arith.constant 1.000000e+00 : f32
    %sub3A_99 = vector.broadcast %sub3A_98 : f32 to vector<1264x1xf32>
    %sub3A_100 = arith.subf %sub3A_99, %min3A_94 : vector<1264x1xf32>
    %div3A_101 = arith.divf %add3A_97, %sub3A_100 : vector<1264x1xf32>
    %log3A = math.log %div3A_101 : vector<1264x1xf32>
    %mul3A_102 = arith.constant 5.000000e-01 : f32
    %mul3A_103 = vector.broadcast %mul3A_102 : f32 to vector<1264x1xf32>
    %mul3A_104 = arith.mulf %mul3A_103, %log3A : vector<1264x1xf32>
    %mul3A_105 = vector.broadcast %sqrt3A : f32 to vector<1264x1xf32>
    %mul3A_106 = arith.mulf %mul3A_105, %max3A_90 : vector<1264x1xf32>
    %div3A_107 = arith.divf %mul3A_104, %mul3A_106 : vector<1264x1xf32>
    %mul3A_108 = vector.broadcast %div3A_107 : vector<1264x1xf32> to vector<1264x128xf32>
    %mul3A_109 = arith.mulf %mul3A_108, %div3A_82 : vector<1264x128xf32>
    %tanh3A = math.tanh %mul3A_109 : vector<1264x128xf32>
    %mul3A_110 = arith.mulf %tanh3A, %tanh3A : vector<1264x128xf32>
    %reduce_sum3A_111 = arith.constant dense<0.000000e+00> : vector<1264xf32>
    %reduce_sum3A_112 = vector.multi_reduction <add>, %mul3A_110, %reduce_sum3A_111 [1] : vector<1264x128xf32> to vector<1264xf32>
    %broadcast_in_dim3A_113 = vector.shape_cast %reduce_sum3A_112 : vector<1264xf32> to vector<1264x1xf32>
    %sqrt3A_114 = math.sqrt %broadcast_in_dim3A_113 : vector<1264x1xf32>
    %max3A_115 = arith.constant 9.99999974E-6 : f32
    %max3A_116 = vector.broadcast %max3A_115 : f32 to vector<1264x1xf32>
    %max3A_117 = arith.maximumf %sqrt3A_114, %max3A_116 : vector<1264x1xf32>
    %mul3A_118 = vector.broadcast %sqrt3A : f32 to vector<1264x1xf32>
    %mul3A_119 = arith.mulf %mul3A_118, %max3A_117 : vector<1264x1xf32>
    %tanh3A_120 = math.tanh %mul3A_119 : vector<1264x1xf32>
    %mul3A_121 = vector.broadcast %sqrt3A : f32 to vector<1264x1xf32>
    %mul3A_122 = arith.mulf %mul3A_121, %max3A_117 : vector<1264x1xf32>
    %div3A_123 = arith.divf %tanh3A_120, %mul3A_122 : vector<1264x1xf32>
    %mul3A_124 = vector.broadcast %div3A_123 : vector<1264x1xf32> to vector<1264x128xf32>
    %mul3A_125 = arith.mulf %mul3A_124, %tanh3A : vector<1264x128xf32>
    %div3A_126 = arith.constant 1.000010e+00 : f32
    %div3A_127 = vector.broadcast %div3A_126 : f32 to vector<1264x128xf32>
    %div3A_128 = arith.divf %mul3A_125, %div3A_127 : vector<1264x128xf32>
    %div3A_129 = arith.constant 1.000010e+00 : f32
    %div3A_130 = vector.broadcast %div3A_129 : f32 to vector<1264x128xf32>
    %div3A_131 = arith.divf %div3A_128, %div3A_130 : vector<1264x128xf32>
    %mul3A_132 = arith.mulf %div3A_131, %div3A_131 : vector<1264x128xf32>
    %reduce_sum3A_133 = arith.constant dense<0.000000e+00> : vector<1264xf32>
    %reduce_sum3A_134 = vector.multi_reduction <add>, %mul3A_132, %reduce_sum3A_133 [1] : vector<1264x128xf32> to vector<1264xf32>
    %broadcast_in_dim3A_135 = vector.shape_cast %reduce_sum3A_134 : vector<1264xf32> to vector<1264x1xf32>
    %sqrt3A_136 = math.sqrt %broadcast_in_dim3A_135 : vector<1264x1xf32>
    %max3A_137 = arith.constant 9.99999974E-6 : f32
    %max3A_138 = vector.broadcast %max3A_137 : f32 to vector<1264x1xf32>
    %max3A_139 = arith.maximumf %sqrt3A_136, %max3A_138 : vector<1264x1xf32>
    %mul3A_140 = vector.broadcast %sqrt3A : f32 to vector<1264x1xf32>
    %mul3A_141 = arith.mulf %mul3A_140, %max3A_139 : vector<1264x1xf32>
    %min3A_142 = arith.constant 0.999998986 : f32
    %min3A_143 = vector.broadcast %min3A_142 : f32 to vector<1264x1xf32>
    %min3A_144 = arith.minimumf %mul3A_141, %min3A_143 : vector<1264x1xf32>
    %add3A_145 = arith.constant 1.000000e+00 : f32
    %add3A_146 = vector.broadcast %add3A_145 : f32 to vector<1264x1xf32>
    %add3A_147 = arith.addf %add3A_146, %min3A_144 : vector<1264x1xf32>
    %sub3A_148 = arith.constant 1.000000e+00 : f32
    %sub3A_149 = vector.broadcast %sub3A_148 : f32 to vector<1264x1xf32>
    %sub3A_150 = arith.subf %sub3A_149, %min3A_144 : vector<1264x1xf32>
    %div3A_151 = arith.divf %add3A_147, %sub3A_150 : vector<1264x1xf32>
    %log3A_152 = math.log %div3A_151 : vector<1264x1xf32>
    %mul3A_153 = arith.constant 5.000000e-01 : f32
    %mul3A_154 = vector.broadcast %mul3A_153 : f32 to vector<1264x1xf32>
    %mul3A_155 = arith.mulf %mul3A_154, %log3A_152 : vector<1264x1xf32>
    %mul3A_156 = vector.broadcast %sqrt3A : f32 to vector<1264x1xf32>
    %mul3A_157 = arith.mulf %mul3A_156, %max3A_139 : vector<1264x1xf32>
    %div3A_158 = arith.divf %mul3A_155, %mul3A_157 : vector<1264x1xf32>
    %mul3A_159 = vector.broadcast %div3A_158 : vector<1264x1xf32> to vector<1264x128xf32>
    %mul3A_160 = arith.mulf %mul3A_159, %div3A_131 : vector<1264x128xf32>
    %get3A_161 = arith.constant 0 : index
    %get3A_162 = arith.constant 0 : index
    %get3A_163 = vector.load %arg6[%get3A_161, %get3A_162] : memref<128x128xf32, #tpu.memory_space<vmem>>, vector<128x128xf32>
    %get3A_164 = arith.constant 0 : index
    %get3A_165 = vector.load %arg7[%get3A_164] : memref<128xf32, #tpu.memory_space<vmem>>, vector<128xf32>
    %get3A_166 = arith.constant 0 : index
    %get3A_167 = arith.constant 0 : index
    %get3A_168 = vector.load %arg8[%get3A_166, %get3A_167] : memref<128x128xf32, #tpu.memory_space<vmem>>, vector<128x128xf32>
    %get3A_169 = arith.constant 0 : index
    %get3A_170 = vector.load %arg9[%get3A_169] : memref<128xf32, #tpu.memory_space<vmem>>, vector<128xf32>
    %dot_general3A = arith.constant dense<0.000000e+00> : vector<1264x128xf32>
    %dot_general3A_171 = tpu.matmul %mul3A_160, %get3A_163, %dot_general3A {dimension_numbers = #tpu.dot_dimension_numbers<[1], [0], [0], [1], [0, 0, 1, 1], [], []>, transpose_lhs_hint = false} : vector<1264x128xf32>, vector<128x128xf32>, vector<1264x128xf32> -> vector<1264x128xf32>
    %broadcast_in_dim3A_172 = vector.shape_cast %get3A_165 : vector<128xf32> to vector<1x128xf32>
    %add3A_173 = vector.broadcast %broadcast_in_dim3A_172 : vector<1x128xf32> to vector<1264x128xf32>
    %add3A_174 = arith.addf %dot_general3A_171, %add3A_173 : vector<1264x128xf32>
    %mul3A_175 = arith.mulf %add3A_174, %add3A_174 : vector<1264x128xf32>
    %reduce_sum3A_176 = arith.constant dense<0.000000e+00> : vector<1264xf32>
    %reduce_sum3A_177 = vector.multi_reduction <add>, %mul3A_175, %reduce_sum3A_176 [1] : vector<1264x128xf32> to vector<1264xf32>
    %broadcast_in_dim3A_178 = vector.shape_cast %reduce_sum3A_177 : vector<1264xf32> to vector<1264x1xf32>
    %sqrt3A_179 = math.sqrt %broadcast_in_dim3A_178 : vector<1264x1xf32>
    %max3A_180 = arith.constant 9.99999974E-6 : f32
    %max3A_181 = vector.broadcast %max3A_180 : f32 to vector<1264x1xf32>
    %max3A_182 = arith.maximumf %sqrt3A_179, %max3A_181 : vector<1264x1xf32>
    %mul3A_183 = vector.broadcast %sqrt3A : f32 to vector<1264x1xf32>
    %mul3A_184 = arith.mulf %mul3A_183, %max3A_182 : vector<1264x1xf32>
    %tanh3A_185 = math.tanh %mul3A_184 : vector<1264x1xf32>
    %mul3A_186 = vector.broadcast %sqrt3A : f32 to vector<1264x1xf32>
    %mul3A_187 = arith.mulf %mul3A_186, %max3A_182 : vector<1264x1xf32>
    %div3A_188 = arith.divf %tanh3A_185, %mul3A_187 : vector<1264x1xf32>
    %mul3A_189 = vector.broadcast %div3A_188 : vector<1264x1xf32> to vector<1264x128xf32>
    %mul3A_190 = arith.mulf %mul3A_189, %add3A_174 : vector<1264x128xf32>
    %div3A_191 = arith.constant 1.000010e+00 : f32
    %div3A_192 = vector.broadcast %div3A_191 : f32 to vector<1264x128xf32>
    %div3A_193 = arith.divf %mul3A_190, %div3A_192 : vector<1264x128xf32>
    %dot_general3A_194 = arith.constant dense<0.000000e+00> : vector<1264x128xf32>
    %dot_general3A_195 = tpu.matmul %mul3A_160, %get3A_168, %dot_general3A_194 {dimension_numbers = #tpu.dot_dimension_numbers<[1], [0], [0], [1], [0, 0, 1, 1], [], []>, transpose_lhs_hint = false} : vector<1264x128xf32>, vector<128x128xf32>, vector<1264x128xf32> -> vector<1264x128xf32>
    %broadcast_in_dim3A_196 = vector.shape_cast %get3A_170 : vector<128xf32> to vector<1x128xf32>
    %add3A_197 = vector.broadcast %broadcast_in_dim3A_196 : vector<1x128xf32> to vector<1264x128xf32>
    %add3A_198 = arith.addf %dot_general3A_195, %add3A_197 : vector<1264x128xf32>
    %mul3A_199 = arith.mulf %add3A_198, %add3A_198 : vector<1264x128xf32>
    %reduce_sum3A_200 = arith.constant dense<0.000000e+00> : vector<1264xf32>
    %reduce_sum3A_201 = vector.multi_reduction <add>, %mul3A_199, %reduce_sum3A_200 [1] : vector<1264x128xf32> to vector<1264xf32>
    %broadcast_in_dim3A_202 = vector.shape_cast %reduce_sum3A_201 : vector<1264xf32> to vector<1264x1xf32>
    %sqrt3A_203 = math.sqrt %broadcast_in_dim3A_202 : vector<1264x1xf32>
    %max3A_204 = arith.constant 9.99999974E-6 : f32
    %max3A_205 = vector.broadcast %max3A_204 : f32 to vector<1264x1xf32>
    %max3A_206 = arith.maximumf %sqrt3A_203, %max3A_205 : vector<1264x1xf32>
    %mul3A_207 = vector.broadcast %sqrt3A : f32 to vector<1264x1xf32>
    %mul3A_208 = arith.mulf %mul3A_207, %max3A_206 : vector<1264x1xf32>
    %tanh3A_209 = math.tanh %mul3A_208 : vector<1264x1xf32>
    %mul3A_210 = vector.broadcast %sqrt3A : f32 to vector<1264x1xf32>
    %mul3A_211 = arith.mulf %mul3A_210, %max3A_206 : vector<1264x1xf32>
    %div3A_212 = arith.divf %tanh3A_209, %mul3A_211 : vector<1264x1xf32>
    %mul3A_213 = vector.broadcast %div3A_212 : vector<1264x1xf32> to vector<1264x128xf32>
    %mul3A_214 = arith.mulf %mul3A_213, %add3A_198 : vector<1264x128xf32>
    %div3A_215 = arith.constant 1.000010e+00 : f32
    %div3A_216 = vector.broadcast %div3A_215 : f32 to vector<1264x128xf32>
    %div3A_217 = arith.divf %mul3A_214, %div3A_216 : vector<1264x128xf32>
    %swap3A = arith.constant 0 : index
    %swap3A_218 = arith.constant 0 : index
    %swap3A_219 = vector.load %arg10[%swap3A, %swap3A_218] : memref<1264x128xf32, #tpu.memory_space<vmem>>, vector<1264x128xf32>
    tpu.vector_store %arg10[%swap3A, %swap3A_218], %div3A_193 {strides = array<i32>} : memref<1264x128xf32, #tpu.memory_space<vmem>>, vector<1264x128xf32>,
    %swap3A_220 = arith.constant 0 : index
    %swap3A_221 = arith.constant 0 : index
    %swap3A_222 = vector.load %arg11[%swap3A_220, %swap3A_221] : memref<1264x128xf32, #tpu.memory_space<vmem>>, vector<1264x128xf32>
    tpu.vector_store %arg11[%swap3A_220, %swap3A_221], %div3A_217 {strides = array<i32>} : memref<1264x128xf32, #tpu.memory_space<vmem>>, vector<1264x128xf32>,
    return
  }
  func.func @transform_0(%arg0: i32) -> (i32, i32) {
    %c0_i32 = arith.constant 0 : i32
    %c0_i32_0 = arith.constant 0 : i32
    %c0_i32_1 = arith.constant 0 : i32
    return %c0_i32, %c0_i32_0 : i32, i32
  }
  func.func @transform_1(%arg0: i32) -> (i32, i32) {
    %c0_i32 = arith.constant 0 : i32
    %c0_i32_0 = arith.constant 0 : i32
    return %arg0, %c0_i32 : i32, i32
  }
  func.func @transform_2(%arg0: i32) -> (i32, i32) {
    %c0_i32 = arith.constant 0 : i32
    %c0_i32_0 = arith.constant 0 : i32
    return %arg0, %c0_i32 : i32, i32
  }
  func.func @transform_3(%arg0: i32) -> (i32, i32, i32) {
    %c0_i32 = arith.constant 0 : i32
    %c0_i32_0 = arith.constant 0 : i32
    %c0_i32_1 = arith.constant 0 : i32
    return %c0_i32, %arg0, %c0_i32_0 : i32, i32, i32
  }
  func.func @transform_4(%arg0: i32) -> (i32, i32, i32) {
    %c0_i32 = arith.constant 0 : i32
    %c0_i32_0 = arith.constant 0 : i32
    %c0_i32_1 = arith.constant 0 : i32
    return %c0_i32, %arg0, %c0_i32_0 : i32, i32, i32
  }
  func.func @transform_5(%arg0: i32) -> (i32, i32) {
    %c0_i32 = arith.constant 0 : i32
    %c0_i32_0 = arith.constant 0 : i32
    %c0_i32_1 = arith.constant 0 : i32
    return %c0_i32, %c0_i32_0 : i32, i32
  }
  func.func @transform_6(%arg0: i32) -> i32 {
    %c0_i32 = arith.constant 0 : i32
    %c0_i32_0 = arith.constant 0 : i32
    return %c0_i32 : i32
  }
  func.func @transform_7(%arg0: i32) -> (i32, i32) {
    %c0_i32 = arith.constant 0 : i32
    %c0_i32_0 = arith.constant 0 : i32
    %c0_i32_1 = arith.constant 0 : i32
    return %c0_i32, %c0_i32_0 : i32, i32
  }
  func.func @transform_8(%arg0: i32) -> i32 {
    %c0_i32 = arith.constant 0 : i32
    %c0_i32_0 = arith.constant 0 : i32
    return %c0_i32 : i32
  }
  func.func @transform_9(%arg0: i32) -> (i32, i32) {
    %c0_i32 = arith.constant 0 : i32
    %c0_i32_0 = arith.constant 0 : i32
    return %arg0, %c0_i32 : i32, i32
  }
  func.func @transform_10(%arg0: i32) -> (i32, i32) {
    %c0_i32 = arith.constant 0 : i32
    %c0_i32_0 = arith.constant 0 : i32
    return %arg0, %c0_i32 : i32, i32
  }
}

module attributes {stable_mosaic.version = 14 : i64} {
  func.func @_post_body(%arg0: i32, %arg1: memref<1x1xf32, #tpu.memory_space<smem>>, %arg2: memref<1264x128xf32, #tpu.memory_space<vmem>>, %arg3: memref<1264x128xf32, #tpu.memory_space<vmem>>, %arg4: memref<2x1264x128xf32, #tpu.memory_space<vmem>>, %arg5: memref<2x1264x128xf32, #tpu.memory_space<vmem>>, %arg6: memref<128x128xf32, #tpu.memory_space<vmem>>, %arg7: memref<128xf32, #tpu.memory_space<vmem>>, %arg8: memref<128x128xf32, #tpu.memory_space<vmem>>, %arg9: memref<128xf32, #tpu.memory_space<vmem>>, %arg10: memref<1264x128xf32, #tpu.memory_space<vmem>>) attributes {dimension_semantics = [#tpu.dimension_semantics<arbitrary>], iteration_bounds = array<i64: 8>, scalar_prefetch = 0 : i64, scratch_operands = 0 : i64, tpu.core_type = #tpu.core_type<tc>, window_params = [{transform_indices = @transform_0, window_bounds = array<i64: 1, 1>}, {transform_indices = @transform_1, window_bounds = array<i64: 1264, 128>}, {transform_indices = @transform_2, window_bounds = array<i64: 1264, 128>}, {transform_indices = @transform_3, window_bounds = array<i64: 2, 1264, 128>}, {transform_indices = @transform_4, window_bounds = array<i64: 2, 1264, 128>}, {pipeline_mode = #tpu.pipeline_mode<synchronous>, transform_indices = @transform_5, window_bounds = array<i64: 128, 128>}, {pipeline_mode = #tpu.pipeline_mode<synchronous>, transform_indices = @transform_6, window_bounds = array<i64: 128>}, {pipeline_mode = #tpu.pipeline_mode<synchronous>, transform_indices = @transform_7, window_bounds = array<i64: 128, 128>}, {pipeline_mode = #tpu.pipeline_mode<synchronous>, transform_indices = @transform_8, window_bounds = array<i64: 128>}, {transform_indices = @transform_9, window_bounds = array<i64: 1264, 128>}]} {
    %get3A = arith.constant 0 : index
    %get3A_0 = arith.constant 0 : index
    %get3A_1 = memref.load %arg1[%get3A, %get3A_0] : memref<1x1xf32, #tpu.memory_space<smem>>
    %sqrt3A = math.sqrt %get3A_1 : f32
    %get3A_2 = arith.constant 0 : index
    %get3A_3 = arith.constant 0 : index
    %get3A_4 = vector.load %arg3[%get3A_2, %get3A_3] : memref<1264x128xf32, #tpu.memory_space<vmem>>, vector<1264x128xf32>
    %get3A_5 = arith.constant 0 : index
    %get3A_6 = arith.constant 0 : index
    %get3A_7 = arith.constant 0 : index
    %get3A_8 = vector.load %arg4[%get3A_5, %get3A_6, %get3A_7] : memref<2x1264x128xf32, #tpu.memory_space<vmem>>, vector<1x1264x128xf32>
    %get3A_9 = vector.shape_cast %get3A_8 : vector<1x1264x128xf32> to vector<1264x128xf32>
    %add3A = arith.addf %get3A_4, %get3A_9 : vector<1264x128xf32>
    %get3A_10 = arith.constant 1 : index
    %get3A_11 = arith.constant 0 : index
    %get3A_12 = arith.constant 0 : index
    %get3A_13 = vector.load %arg4[%get3A_10, %get3A_11, %get3A_12] : memref<2x1264x128xf32, #tpu.memory_space<vmem>>, vector<1x1264x128xf32>
    %get3A_14 = vector.shape_cast %get3A_13 : vector<1x1264x128xf32> to vector<1264x128xf32>
    %add3A_15 = arith.addf %add3A, %get3A_14 : vector<1264x128xf32>
    %get3A_16 = arith.constant 0 : index
    %get3A_17 = arith.constant 0 : index
    %get3A_18 = arith.constant 0 : index
    %get3A_19 = vector.load %arg5[%get3A_16, %get3A_17, %get3A_18] : memref<2x1264x128xf32, #tpu.memory_space<vmem>>, vector<1x1264x1xf32>
    %get3A_20 = vector.shape_cast %get3A_19 : vector<1x1264x1xf32> to vector<1264x1xf32>
    %get3A_21 = arith.constant 1 : index
    %get3A_22 = arith.constant 0 : index
    %get3A_23 = arith.constant 0 : index
    %get3A_24 = vector.load %arg5[%get3A_21, %get3A_22, %get3A_23] : memref<2x1264x128xf32, #tpu.memory_space<vmem>>, vector<1x1264x1xf32>
    %get3A_25 = vector.shape_cast %get3A_24 : vector<1x1264x1xf32> to vector<1264x1xf32>
    %add3A_26 = arith.addf %get3A_20, %get3A_25 : vector<1264x1xf32>
    %add3A_27 = arith.constant 1.000000e+00 : f32
    %add3A_28 = vector.broadcast %add3A_27 : f32 to vector<1264x1xf32>
    %add3A_29 = arith.addf %add3A_26, %add3A_28 : vector<1264x1xf32>
    %max3A = arith.constant 1.000000e+00 : f32
    %max3A_30 = vector.broadcast %max3A : f32 to vector<1264x1xf32>
    %max3A_31 = arith.maximumf %add3A_29, %max3A_30 : vector<1264x1xf32>
    %div3A = vector.broadcast %max3A_31 : vector<1264x1xf32> to vector<1264x128xf32>
    %div3A_32 = arith.divf %add3A_15, %div3A : vector<1264x128xf32>
    %get3A_33 = arith.constant 0 : index
    %get3A_34 = arith.constant 0 : index
    %get3A_35 = vector.load %arg2[%get3A_33, %get3A_34] : memref<1264x128xf32, #tpu.memory_space<vmem>>, vector<1264x128xf32>
    %mul3A = arith.mulf %get3A_35, %get3A_35 : vector<1264x128xf32>
    %reduce_sum3A = arith.constant dense<0.000000e+00> : vector<1264xf32>
    %reduce_sum3A_36 = vector.multi_reduction <add>, %mul3A, %reduce_sum3A [1] : vector<1264x128xf32> to vector<1264xf32>
    %broadcast_in_dim3A = vector.shape_cast %reduce_sum3A_36 : vector<1264xf32> to vector<1264x1xf32>
    %mul3A_37 = arith.mulf %div3A_32, %div3A_32 : vector<1264x128xf32>
    %reduce_sum3A_38 = arith.constant dense<0.000000e+00> : vector<1264xf32>
    %reduce_sum3A_39 = vector.multi_reduction <add>, %mul3A_37, %reduce_sum3A_38 [1] : vector<1264x128xf32> to vector<1264xf32>
    %broadcast_in_dim3A_40 = vector.shape_cast %reduce_sum3A_39 : vector<1264xf32> to vector<1264x1xf32>
    %mul3A_41 = arith.mulf %get3A_35, %div3A_32 : vector<1264x128xf32>
    %reduce_sum3A_42 = arith.constant dense<0.000000e+00> : vector<1264xf32>
    %reduce_sum3A_43 = vector.multi_reduction <add>, %mul3A_41, %reduce_sum3A_42 [1] : vector<1264x128xf32> to vector<1264xf32>
    %broadcast_in_dim3A_44 = vector.shape_cast %reduce_sum3A_43 : vector<1264xf32> to vector<1264x1xf32>
    %mul3A_45 = arith.constant 2.000000e+00 : f32
    %mul3A_46 = arith.mulf %mul3A_45, %get3A_1 : f32
    %mul3A_47 = vector.broadcast %mul3A_46 : f32 to vector<1264x1xf32>
    %mul3A_48 = arith.mulf %mul3A_47, %broadcast_in_dim3A_44 : vector<1264x1xf32>
    %add3A_49 = arith.constant 1.000000e+00 : f32
    %add3A_50 = vector.broadcast %add3A_49 : f32 to vector<1264x1xf32>
    %add3A_51 = arith.addf %add3A_50, %mul3A_48 : vector<1264x1xf32>
    %mul3A_52 = vector.broadcast %get3A_1 : f32 to vector<1264x1xf32>
    %mul3A_53 = arith.mulf %mul3A_52, %broadcast_in_dim3A_40 : vector<1264x1xf32>
    %add3A_54 = arith.addf %add3A_51, %mul3A_53 : vector<1264x1xf32>
    %mul3A_55 = vector.broadcast %add3A_54 : vector<1264x1xf32> to vector<1264x128xf32>
    %mul3A_56 = arith.mulf %mul3A_55, %get3A_35 : vector<1264x128xf32>
    %mul3A_57 = vector.broadcast %get3A_1 : f32 to vector<1264x1xf32>
    %mul3A_58 = arith.mulf %mul3A_57, %broadcast_in_dim3A : vector<1264x1xf32>
    %sub3A = arith.constant 1.000000e+00 : f32
    %sub3A_59 = vector.broadcast %sub3A : f32 to vector<1264x1xf32>
    %sub3A_60 = arith.subf %sub3A_59, %mul3A_58 : vector<1264x1xf32>
    %mul3A_61 = vector.broadcast %sub3A_60 : vector<1264x1xf32> to vector<1264x128xf32>
    %mul3A_62 = arith.mulf %mul3A_61, %div3A_32 : vector<1264x128xf32>
    %add3A_63 = arith.addf %mul3A_56, %mul3A_62 : vector<1264x128xf32>
    %mul3A_64 = arith.constant 2.000000e+00 : f32
    %mul3A_65 = arith.mulf %mul3A_64, %get3A_1 : f32
    %mul3A_66 = vector.broadcast %mul3A_65 : f32 to vector<1264x1xf32>
    %mul3A_67 = arith.mulf %mul3A_66, %broadcast_in_dim3A_44 : vector<1264x1xf32>
    %add3A_68 = arith.constant 1.000000e+00 : f32
    %add3A_69 = vector.broadcast %add3A_68 : f32 to vector<1264x1xf32>
    %add3A_70 = arith.addf %add3A_69, %mul3A_67 : vector<1264x1xf32>
    %mul3A_71 = vector.broadcast %get3A_1 : f32 to vector<1264x1xf32>
    %mul3A_72 = arith.mulf %mul3A_71, %broadcast_in_dim3A : vector<1264x1xf32>
    %mul3A_73 = arith.mulf %mul3A_72, %broadcast_in_dim3A_40 : vector<1264x1xf32>
    %add3A_74 = arith.addf %add3A_70, %mul3A_73 : vector<1264x1xf32>
    %add3A_75 = arith.constant 9.99999974E-6 : f32
    %add3A_76 = vector.broadcast %add3A_75 : f32 to vector<1264x1xf32>
    %add3A_77 = arith.addf %add3A_74, %add3A_76 : vector<1264x1xf32>
    %div3A_78 = vector.broadcast %add3A_77 : vector<1264x1xf32> to vector<1264x128xf32>
    %div3A_79 = arith.divf %add3A_63, %div3A_78 : vector<1264x128xf32>
    %div3A_80 = arith.constant 1.000010e+00 : f32
    %div3A_81 = vector.broadcast %div3A_80 : f32 to vector<1264x128xf32>
    %div3A_82 = arith.divf %div3A_79, %div3A_81 : vector<1264x128xf32>
    %mul3A_83 = arith.mulf %div3A_82, %div3A_82 : vector<1264x128xf32>
    %reduce_sum3A_84 = arith.constant dense<0.000000e+00> : vector<1264xf32>
    %reduce_sum3A_85 = vector.multi_reduction <add>, %mul3A_83, %reduce_sum3A_84 [1] : vector<1264x128xf32> to vector<1264xf32>
    %broadcast_in_dim3A_86 = vector.shape_cast %reduce_sum3A_85 : vector<1264xf32> to vector<1264x1xf32>
    %sqrt3A_87 = math.sqrt %broadcast_in_dim3A_86 : vector<1264x1xf32>
    %max3A_88 = arith.constant 9.99999974E-6 : f32
    %max3A_89 = vector.broadcast %max3A_88 : f32 to vector<1264x1xf32>
    %max3A_90 = arith.maximumf %sqrt3A_87, %max3A_89 : vector<1264x1xf32>
    %mul3A_91 = vector.broadcast %sqrt3A : f32 to vector<1264x1xf32>
    %mul3A_92 = arith.mulf %mul3A_91, %max3A_90 : vector<1264x1xf32>
    %min3A = arith.constant 0.999998986 : f32
    %min3A_93 = vector.broadcast %min3A : f32 to vector<1264x1xf32>
    %min3A_94 = arith.minimumf %mul3A_92, %min3A_93 : vector<1264x1xf32>
    %add3A_95 = arith.constant 1.000000e+00 : f32
    %add3A_96 = vector.broadcast %add3A_95 : f32 to vector<1264x1xf32>
    %add3A_97 = arith.addf %add3A_96, %min3A_94 : vector<1264x1xf32>
    %sub3A_98 = arith.constant 1.000000e+00 : f32
    %sub3A_99 = vector.broadcast %sub3A_98 : f32 to vector<1264x1xf32>
    %sub3A_100 = arith.subf %sub3A_99, %min3A_94 : vector<1264x1xf32>
    %div3A_101 = arith.divf %add3A_97, %sub3A_100 : vector<1264x1xf32>
    %log3A = math.log %div3A_101 : vector<1264x1xf32>
    %mul3A_102 = arith.constant 5.000000e-01 : f32
    %mul3A_103 = vector.broadcast %mul3A_102 : f32 to vector<1264x1xf32>
    %mul3A_104 = arith.mulf %mul3A_103, %log3A : vector<1264x1xf32>
    %mul3A_105 = vector.broadcast %sqrt3A : f32 to vector<1264x1xf32>
    %mul3A_106 = arith.mulf %mul3A_105, %max3A_90 : vector<1264x1xf32>
    %div3A_107 = arith.divf %mul3A_104, %mul3A_106 : vector<1264x1xf32>
    %mul3A_108 = vector.broadcast %div3A_107 : vector<1264x1xf32> to vector<1264x128xf32>
    %mul3A_109 = arith.mulf %mul3A_108, %div3A_82 : vector<1264x128xf32>
    %tanh3A = math.tanh %mul3A_109 : vector<1264x128xf32>
    %mul3A_110 = arith.mulf %tanh3A, %tanh3A : vector<1264x128xf32>
    %reduce_sum3A_111 = arith.constant dense<0.000000e+00> : vector<1264xf32>
    %reduce_sum3A_112 = vector.multi_reduction <add>, %mul3A_110, %reduce_sum3A_111 [1] : vector<1264x128xf32> to vector<1264xf32>
    %broadcast_in_dim3A_113 = vector.shape_cast %reduce_sum3A_112 : vector<1264xf32> to vector<1264x1xf32>
    %sqrt3A_114 = math.sqrt %broadcast_in_dim3A_113 : vector<1264x1xf32>
    %max3A_115 = arith.constant 9.99999974E-6 : f32
    %max3A_116 = vector.broadcast %max3A_115 : f32 to vector<1264x1xf32>
    %max3A_117 = arith.maximumf %sqrt3A_114, %max3A_116 : vector<1264x1xf32>
    %mul3A_118 = vector.broadcast %sqrt3A : f32 to vector<1264x1xf32>
    %mul3A_119 = arith.mulf %mul3A_118, %max3A_117 : vector<1264x1xf32>
    %tanh3A_120 = math.tanh %mul3A_119 : vector<1264x1xf32>
    %mul3A_121 = vector.broadcast %sqrt3A : f32 to vector<1264x1xf32>
    %mul3A_122 = arith.mulf %mul3A_121, %max3A_117 : vector<1264x1xf32>
    %div3A_123 = arith.divf %tanh3A_120, %mul3A_122 : vector<1264x1xf32>
    %mul3A_124 = vector.broadcast %div3A_123 : vector<1264x1xf32> to vector<1264x128xf32>
    %mul3A_125 = arith.mulf %mul3A_124, %tanh3A : vector<1264x128xf32>
    %div3A_126 = arith.constant 1.000010e+00 : f32
    %div3A_127 = vector.broadcast %div3A_126 : f32 to vector<1264x128xf32>
    %div3A_128 = arith.divf %mul3A_125, %div3A_127 : vector<1264x128xf32>
    %div3A_129 = arith.constant 1.000010e+00 : f32
    %div3A_130 = vector.broadcast %div3A_129 : f32 to vector<1264x128xf32>
    %div3A_131 = arith.divf %div3A_128, %div3A_130 : vector<1264x128xf32>
    %mul3A_132 = arith.mulf %div3A_131, %div3A_131 : vector<1264x128xf32>
    %reduce_sum3A_133 = arith.constant dense<0.000000e+00> : vector<1264xf32>
    %reduce_sum3A_134 = vector.multi_reduction <add>, %mul3A_132, %reduce_sum3A_133 [1] : vector<1264x128xf32> to vector<1264xf32>
    %broadcast_in_dim3A_135 = vector.shape_cast %reduce_sum3A_134 : vector<1264xf32> to vector<1264x1xf32>
    %sqrt3A_136 = math.sqrt %broadcast_in_dim3A_135 : vector<1264x1xf32>
    %max3A_137 = arith.constant 9.99999974E-6 : f32
    %max3A_138 = vector.broadcast %max3A_137 : f32 to vector<1264x1xf32>
    %max3A_139 = arith.maximumf %sqrt3A_136, %max3A_138 : vector<1264x1xf32>
    %mul3A_140 = vector.broadcast %sqrt3A : f32 to vector<1264x1xf32>
    %mul3A_141 = arith.mulf %mul3A_140, %max3A_139 : vector<1264x1xf32>
    %min3A_142 = arith.constant 0.999998986 : f32
    %min3A_143 = vector.broadcast %min3A_142 : f32 to vector<1264x1xf32>
    %min3A_144 = arith.minimumf %mul3A_141, %min3A_143 : vector<1264x1xf32>
    %add3A_145 = arith.constant 1.000000e+00 : f32
    %add3A_146 = vector.broadcast %add3A_145 : f32 to vector<1264x1xf32>
    %add3A_147 = arith.addf %add3A_146, %min3A_144 : vector<1264x1xf32>
    %sub3A_148 = arith.constant 1.000000e+00 : f32
    %sub3A_149 = vector.broadcast %sub3A_148 : f32 to vector<1264x1xf32>
    %sub3A_150 = arith.subf %sub3A_149, %min3A_144 : vector<1264x1xf32>
    %div3A_151 = arith.divf %add3A_147, %sub3A_150 : vector<1264x1xf32>
    %log3A_152 = math.log %div3A_151 : vector<1264x1xf32>
    %mul3A_153 = arith.constant 5.000000e-01 : f32
    %mul3A_154 = vector.broadcast %mul3A_153 : f32 to vector<1264x1xf32>
    %mul3A_155 = arith.mulf %mul3A_154, %log3A_152 : vector<1264x1xf32>
    %mul3A_156 = vector.broadcast %sqrt3A : f32 to vector<1264x1xf32>
    %mul3A_157 = arith.mulf %mul3A_156, %max3A_139 : vector<1264x1xf32>
    %div3A_158 = arith.divf %mul3A_155, %mul3A_157 : vector<1264x1xf32>
    %mul3A_159 = vector.broadcast %div3A_158 : vector<1264x1xf32> to vector<1264x128xf32>
    %mul3A_160 = arith.mulf %mul3A_159, %div3A_131 : vector<1264x128xf32>
    %get3A_161 = arith.constant 0 : index
    %get3A_162 = arith.constant 0 : index
    %get3A_163 = vector.load %arg6[%get3A_161, %get3A_162] : memref<128x128xf32, #tpu.memory_space<vmem>>, vector<128x128xf32>
    %dot_general3A = arith.constant dense<0.000000e+00> : vector<1264x128xf32>
    %dot_general3A_164 = tpu.matmul %mul3A_160, %get3A_163, %dot_general3A {dimension_numbers = #tpu.dot_dimension_numbers<[1], [0], [0], [1], [0, 0, 1, 1], [], []>, transpose_lhs_hint = false} : vector<1264x128xf32>, vector<128x128xf32>, vector<1264x128xf32> -> vector<1264x128xf32>
    %get3A_165 = arith.constant 0 : index
    %get3A_166 = vector.load %arg7[%get3A_165] : memref<128xf32, #tpu.memory_space<vmem>>, vector<128xf32>
    %broadcast_in_dim3A_167 = vector.shape_cast %get3A_166 : vector<128xf32> to vector<1x128xf32>
    %add3A_168 = vector.broadcast %broadcast_in_dim3A_167 : vector<1x128xf32> to vector<1264x128xf32>
    %add3A_169 = arith.addf %dot_general3A_164, %add3A_168 : vector<1264x128xf32>
    %tanh3A_170 = math.tanh %add3A_169 : vector<1264x128xf32>
    %get3A_171 = arith.constant 0 : index
    %get3A_172 = arith.constant 0 : index
    %get3A_173 = vector.load %arg8[%get3A_171, %get3A_172] : memref<128x128xf32, #tpu.memory_space<vmem>>, vector<128x128xf32>
    %dot_general3A_174 = arith.constant dense<0.000000e+00> : vector<1264x128xf32>
    %dot_general3A_175 = tpu.matmul %tanh3A_170, %get3A_173, %dot_general3A_174 {dimension_numbers = #tpu.dot_dimension_numbers<[1], [0], [0], [1], [0, 0, 1, 1], [], []>, transpose_lhs_hint = false} : vector<1264x128xf32>, vector<128x128xf32>, vector<1264x128xf32> -> vector<1264x128xf32>
    %get3A_176 = arith.constant 0 : index
    %get3A_177 = vector.load %arg9[%get3A_176] : memref<128xf32, #tpu.memory_space<vmem>>, vector<128xf32>
    %broadcast_in_dim3A_178 = vector.shape_cast %get3A_177 : vector<128xf32> to vector<1x128xf32>
    %add3A_179 = vector.broadcast %broadcast_in_dim3A_178 : vector<1x128xf32> to vector<1264x128xf32>
    %add3A_180 = arith.addf %dot_general3A_175, %add3A_179 : vector<1264x128xf32>
    %swap3A = arith.constant 0 : index
    %swap3A_181 = arith.constant 0 : index
    %swap3A_182 = vector.load %arg10[%swap3A, %swap3A_181] : memref<1264x128xf32, #tpu.memory_space<vmem>>, vector<1264x128xf32>
    tpu.vector_store %arg10[%swap3A, %swap3A_181], %add3A_180 {strides = array<i32>} : memref<1264x128xf32, #tpu.memory_space<vmem>>, vector<1264x128xf32>,
    return
  }
  func.func @transform_0(%arg0: i32) -> (i32, i32) {
    %c0_i32 = arith.constant 0 : i32
    %c0_i32_0 = arith.constant 0 : i32
    %c0_i32_1 = arith.constant 0 : i32
    return %c0_i32, %c0_i32_0 : i32, i32
  }
  func.func @transform_1(%arg0: i32) -> (i32, i32) {
    %c0_i32 = arith.constant 0 : i32
    %c0_i32_0 = arith.constant 0 : i32
    return %arg0, %c0_i32 : i32, i32
  }
  func.func @transform_2(%arg0: i32) -> (i32, i32) {
    %c0_i32 = arith.constant 0 : i32
    %c0_i32_0 = arith.constant 0 : i32
    return %arg0, %c0_i32 : i32, i32
  }
  func.func @transform_3(%arg0: i32) -> (i32, i32, i32) {
    %c0_i32 = arith.constant 0 : i32
    %c0_i32_0 = arith.constant 0 : i32
    %c0_i32_1 = arith.constant 0 : i32
    return %c0_i32, %arg0, %c0_i32_0 : i32, i32, i32
  }
  func.func @transform_4(%arg0: i32) -> (i32, i32, i32) {
    %c0_i32 = arith.constant 0 : i32
    %c0_i32_0 = arith.constant 0 : i32
    %c0_i32_1 = arith.constant 0 : i32
    return %c0_i32, %arg0, %c0_i32_0 : i32, i32, i32
  }
  func.func @transform_5(%arg0: i32) -> (i32, i32) {
    %c0_i32 = arith.constant 0 : i32
    %c0_i32_0 = arith.constant 0 : i32
    %c0_i32_1 = arith.constant 0 : i32
    return %c0_i32, %c0_i32_0 : i32, i32
  }
  func.func @transform_6(%arg0: i32) -> i32 {
    %c0_i32 = arith.constant 0 : i32
    %c0_i32_0 = arith.constant 0 : i32
    return %c0_i32 : i32
  }
  func.func @transform_7(%arg0: i32) -> (i32, i32) {
    %c0_i32 = arith.constant 0 : i32
    %c0_i32_0 = arith.constant 0 : i32
    %c0_i32_1 = arith.constant 0 : i32
    return %c0_i32, %c0_i32_0 : i32, i32
  }
  func.func @transform_8(%arg0: i32) -> i32 {
    %c0_i32 = arith.constant 0 : i32
    %c0_i32_0 = arith.constant 0 : i32
    return %c0_i32 : i32
  }
  func.func @transform_9(%arg0: i32) -> (i32, i32) {
    %c0_i32 = arith.constant 0 : i32
    %c0_i32_0 = arith.constant 0 : i32
    return %arg0, %c0_i32 : i32, i32
  }
}

</mosaic_0001>

<sc_bundles>
// kernel: kernel.11.cloned.1.call-start
scs
__scs_entry_jumppad:
0x0: {  	(pc) =	sbr.rel $0x88, $3  }
0x1: {  	(tag) =	ssettag $0x0;
	lr =	simm.s32 $0x1  }
0x2: {  	[smem:$0x3F90] =	sst lr;
	_ =	strace $0xD0000000  }
0x3: {  	_ = 	snop  }
0x4: {  	_ = 	snop  }
0x5: {  	_ = 	snop  }
0x6: {  	_ = 	snop  }
0x7: {  	_ = 	snop  }
__scs_overlays_trampoline_lowered:
0x8: {  	[smem:$0x3F9F] =	sst s0  }
0x9: {  	[smem:$0x3FA0] =	sst s1  }
0xa: {  	[smem:$0x3FA1] =	sst s2  }
0xb: {  	[smem:$0x3FA2] =	sst s3  }
0xc: {  	[smem:$0x3FA3] =	sst s4  }
0xd: {  	[smem:$0x3FA4] =	sst s5  }
0xe: {  	[smem:$0x3FA5] =	sst s6  }
0xf: {  	[smem:$0x3FA6] =	sst s7  }
0x10: {  	[smem:$0x3FA7] =	sst s8  }
0x11: {  	[smem:$0x3FA8] =	sst s9;
	s0 =	simm.s32 @!p0 $0x0  }
0x12: {  	s1 =	sld [smem:$0x3F8E];
	s0 =	simm.s32 @p0 $0x1  }
0x13: {  	[smem:$0x3FA9] =	sst s0;
	s0 =	simm.s32 @!p1 $0x0  }
0x14: {  	s2 =	sld [smem:$0x3F8D];
	s0 =	simm.s32 @p1 $0x1  }
0x15: {  	[smem:$0x3FAA] =	sst s0;
	s0 =	simm.s32 @!p2 $0x0  }
0x16: {  	s3 =	sld [smem:$0x3FDB];
	s0 =	simm.s32 @p2 $0x1  }
0x17: {  	s4 =	simm.s32 $0x1BF5;
	[smem:$0x3FAC] =	sst s0  }
0x18: {  	s0 =	sld [smem:$0x3F8F];
	_ =	swait.ge [sflag:s4], $0x0  }
0x19: {  	s7 =	sld [smem:$0x3F90]  }
0x1a: {  	s8 =	sadd.s32 $0xFFFFE003, lr  }
0x1b: {  	s9 =	sadd.s32 $0xFFFFFEF7, lr;
	s5 =	simm.s32 $0xFFFFFFFF;
	p2 =	slt.u32 s8, $0xFFFFF086  }
0x1c: {  	p1 =	slt.u32 s9, $0xF7A;
	s5 =	simm.s32 @!p2 $0x0  }
0x1d: {  	s5 =	simm.s32 @p1 $0x1;
	p0 =	seq.s32 s7, s2  }
0x1e: {  	s7 =	smul.u32 @!p0 $0xF7A, s2;
	p2 =	seq.s32 @!p0 s5, $0x0  }
0x1f: {  	s9 =	smul.u32 $0xF7A, s1;
	s8 =	simm.s32 @!p0 $0x1BF5;
	p2 =	por !p2, p0  }
0x20: {  	[sflag:s8] =	ssyncset.s32 @!p0 $0xFFFFF086;
	s6 =	sadd.s32 @!p0 s3, s7;
	s7 =	simm.s32 @!p0 $0x108  }
0x21: {  	s3 =	sadd.s32 s3, s9;
	s6 =	sadd.s32 @!p0 $0x88, s6;
	s7 =	simm.s32 @p2 $0x1082  }
0x22: {  	[simem:s7], [sflag:s8] =	dma.local @!p0 [hbm:s6], $0xF7A  }
0x23: {  	s9 =	sor.u32 $0xD0000000, s2;
	s6 =	simm.s32 $0x108;
	_ =	swait.ge @!p0 [sflag:s8], $0x0  }
0x24: {  	s3 =	sadd.s32 $0x88, s3;
	s6 =	simm.s32 @!p1 $0x1082;
	[sflag:s4] =	ssyncset.s32 $0xFFFFF086  }
0x25: {  	[simem:s6], [sflag:s4] =	dma.local [hbm:s3], $0xF7A  }
0x26: {  	[smem:$0x3F90] =	sst s1;
	(tag) =	ssettag s2;
	_ =	strace s9  }
0x27: {  	s1 =	sld [smem:$0x3FA0]  }
0x28: {  	s2 =	sld [smem:$0x3FA1]  }
0x29: {  	s4 =	sld [smem:$0x3FA3]  }
0x2a: {  	p0 =	seq.s32 s5, $0x0;
	s5 =	sld [smem:$0x3FA4]  }
0x2b: {  	s6 =	sld [smem:$0x3FA5]  }
0x2c: {  	s7 =	sld [smem:$0x3FA6]  }
0x2d: {  	s3 =	simm.s32 $0x108;
	s8 =	sld [smem:$0x3FA7]  }
0x2e: {  	s3 =	simm.s32 @!p0 $0x1082;
	s9 =	sld [smem:$0x3FA8]  }
0x2f: {  	lr =	sadd.s32 s0, s3;
	s0 =	sld [smem:$0x3F9F]  }
0x30: {  	s3 =	sld [smem:$0x3FA2]  }
0x31: {  	[smem:$0x3FAB] =	sst s10  }
0x32: {  	s10 =	sld [smem:$0x3FA9];
	_ =	sdelay $0x3  }
0x33: {  	p0 =	seq.s32 s10, $0x1;
	s10 =	sld [smem:$0x3FAB];
	_ =	sdelay $0x3  }
0x34: {  	[smem:$0x3FAB] =	sst s10  }
0x35: {  	s10 =	sld [smem:$0x3FAA];
	_ =	sdelay $0x3  }
0x36: {  	p1 =	seq.s32 s10, $0x1;
	s10 =	sld [smem:$0x3FAB];
	_ =	sdelay $0x3  }
0x37: {  	[smem:$0x3FAB] =	sst s10  }
0x38: {  	s10 =	sld [smem:$0x3FAC]  }
0x39: {  	_ = 	snop;
	(pc) =	sbr.ind lr, $3  }
0x3a: {  	_ = 	snop  }
0x3b: {  	_ = 	snop  }
0x3c: {  	p2 =	seq.s32 s10, $0x1;
	s10 =	sld [smem:$0x3FAB]  }
0x3d: {  	_ =	shalt  }
0x3e: {  	_ =	shalt  }
0x3f: {  	_ =	shalt  }
0x40: {  	_ =	shalt  }
0x41: {  	_ =	shalt  }
0x42: {  	_ =	shalt  }
0x43: {  	_ =	shalt  }
0x44: {  	_ =	shalt  }
0x45: {  	_ =	shalt  }
0x46: {  	_ =	shalt  }
0x47: {  	_ =	shalt  }
0x48: {  	_ =	shalt  }
0x49: {  	_ =	shalt  }
0x4a: {  	_ =	shalt  }
0x4b: {  	_ =	shalt  }
0x4c: {  	_ =	shalt  }
0x4d: {  	_ =	shalt  }
0x4e: {  	_ =	shalt  }
0x4f: {  	_ =	shalt  }
0x50: {  	_ =	shalt  }
0x51: {  	_ =	shalt  }
0x52: {  	_ =	shalt  }
0x53: {  	_ =	shalt  }
0x54: {  	_ =	shalt  }
0x55: {  	_ =	shalt  }
0x56: {  	_ =	shalt  }
0x57: {  	_ =	shalt  }
0x58: {  	_ =	shalt  }
0x59: {  	_ =	shalt  }
0x5a: {  	_ =	shalt  }
0x5b: {  	_ =	shalt  }
0x5c: {  	_ =	shalt  }
0x5d: {  	_ =	shalt  }
0x5e: {  	_ =	shalt  }
0x5f: {  	_ =	shalt  }
0x60: {  	_ =	shalt  }
0x61: {  	_ =	shalt  }
0x62: {  	_ =	shalt  }
0x63: {  	_ =	shalt  }
0x64: {  	_ =	shalt  }
0x65: {  	_ =	shalt  }
0x66: {  	_ =	shalt  }
0x67: {  	_ =	shalt  }
0x68: {  	_ =	shalt  }
0x69: {  	_ =	shalt  }
0x6a: {  	_ =	shalt  }
0x6b: {  	_ =	shalt  }
0x6c: {  	_ =	shalt  }
0x6d: {  	_ =	shalt  }
0x6e: {  	_ =	shalt  }
0x6f: {  	_ =	shalt  }
0x70: {  	_ =	shalt  }
0x71: {  	_ =	shalt  }
0x72: {  	_ =	shalt  }
0x73: {  	_ =	shalt  }
0x74: {  	_ =	shalt  }
0x75: {  	_ =	shalt  }
0x76: {  	_ =	shalt  }
0x77: {  	_ =	shalt  }
0x78: {  	_ =	shalt  }
0x79: {  	_ =	shalt  }
0x7a: {  	_ =	shalt  }
0x7b: {  	_ =	shalt  }
0x7c: {  	_ =	shalt  }
0x7d: {  	_ =	shalt  }
0x7e: {  	_ =	shalt  }
0x7f: {  	_ =	shalt  }
0x80: {  	_ =	shalt  }
0x81: {  	_ =	shalt  }
0x82: {  	_ =	shalt  }
0x83: {  	_ =	shalt  }
0x84: {  	_ =	shalt  }
0x85: {  	_ =	shalt  }
0x86: {  	_ =	shalt  }
0x87: {  	_ =	shalt  }
.Lfunc_end0:
.L_simem_size_0:
called_computation.1_lowered:
.L_overlay_start_0:
0x88: {  	s2 =	sld [smem:$0x3FD9]  }
0x89: {  	s3 =	sld [smem:$0x3FFE];
	_ =	sdelay $0x1  }
0x8a: {  	s1 =	srdreg.scid  }
0x8b: {  	s0 =	sand.u32 $0x1, s1  }
0x8c: {  	s17 =	sshll.u32 s0, $0xA;
	s2 =	sadd.s32 s3, s2  }
0x8d: {  	s2 =	sadd.s32 s2, s17  }
0x8e: {  	[smem:$0x3FB7] =	sst s2  }
0x8f: {  	_ = 	snop  }
0x90: {  	s2 =	sld [smem:$0x3FD0];
	(tm) =	ssettm $0x1  }
0x91: {  	s18 =	sld [smem:$0x3FFB];
	_ =	sdelay $0x3  }
0x92: {  	_ =	strace s18  }
0x93: {  	s3 =	sld [smem:$0x3FFC];
	_ =	sdelay $0x3  }
0x94: {  	_ =	strace s3  }
0x95: {  	s3 =	sld [smem:$0x3FFD];
	_ =	sdelay $0x3  }
0x96: {  	_ =	strace s3  }
0x97: {  	_ =	strace $0x8FFFFFFF  }
0x98: {  	s19 =	sld [smem:$0x3FDB];
	_ =	sdelay $0x1  }
0x99: {  	s4 =	simm.s32 $_scs_section_size  }
0x9a: {  	s5 =	simm.s32 $_size__tile_overlayer_lowered;
	s6 =	simm.s32 $_tile_overlayer_lowered  }
0x9b: {  	s22 =	simm.s32 $0x1BFF;
	s21 =	sshll.u32 s6, $0x1;
	s3 =	sadd.s32 s4, s19  }
0x9c: {  	s7 =	simm.s32 $0x0;
	s20 =	sshll.u32 s5, $0x1;
	s5 =	sadd.s32 s21, s3  }
0x9d: {  	[timem:s7], [sflag:s22] =	dma.local [hbm:s5], s20  }
0x9e: {  	_ =	swait.ge [sflag:s22], s20  }
0x9f: {  	s4 =	ssub.s32 $0x0, s20;
	[sflag:s22] =	ssyncset.done $0x0  }
0xa0: {  	[sflag:s22] =	ssyncadd.s32 s4;
	_ =	sdelay $0x1  }
0xa1: {  	s23 =	simm.s32 $0x1B8B  }
0xa2: {  	_ =	swait.ge [sflag:s23], $0x1  }
0xa3: {  	[sflag:s23] =	ssyncset.done $0x0  }
0xa4: {  	s25 =	simm.s32 $0x1B8E;
	s24 =	sld [smem:$0x3FFE];
	[sflag:s23] =	ssyncadd.s32 $0xFFFFFFFF  }
0xa5: {  	s26 =	simm.s32 $execute0_lowered;
	[smem:$0x3FD2] =	sst s25  }
0xa6: {  	s5 =	sshll.u32 s26, $0x1;
	_ =	strace $0x80000049;
	[dreg:$0x1] =	wrdreg $0xFFFFFFFF  }
0xa7: {  	s28 =	simm.s32 $_size_execute0_lowered;
	s3 =	sadd.s32 s3, s5;
	[dreg:$0x0] =	wrdreg $0x0  }
0xa8: {  	s5 =	sshll.u32 s28, $0x1;
	[dreg:$0x2] =	wrdreg s3  }
0xa9: {  	[dreg:$0x3] =	wrdreg s5  }
0xaa: {  	[dreg:$0x4] =	wrdreg $0xC0  }
0xab: {  	_ =	task [dreg:s7], $0x5FFFF  }
0xac: {  	[dreg:$0x1] =	wrdreg $0xFFFFFFFF  }
0xad: {  	[dreg:$0x0] =	wrdreg $0x60  }
0xae: {  	[dreg:$0x2] =	wrdreg s24  }
0xaf: {  	[dreg:$0x3] =	wrdreg s2  }
0xb0: {  	[dreg:$0x4] =	wrdreg $0x0  }
0xb1: {  	[dreg:$0x5] =	wrdreg $0x9  }
0xb2: {  	_ =	task.clear_ibuf [dreg:s7], $0x6FFFF;
	_ =	strace $0x90000049  }
0xb3: {  	s29 =	simm.s32 $0x9;
	_ =	strace $0x8000004B  }
0xb4: {  	_ =	swait.ge [sflag:s29], $0x1  }
0xb5: {  	[sflag:s29] =	ssyncadd.s32 $0xFFFFFFFF  }
0xb6: {  	_ =	strace $0x9000004B  }
0xb7: {  	_ =	sfence  }
0xb8: {  	s30 =	sld [smem:$0x0];
	_ =	sdelay $0x2  }
0xb9: {  	s31 =	sshll.u32 s1, $0xD;
	s1 =	sshrl.u32 s1, $0x2  }
0xba: {  	s3 =	sand.u32 $0x4000, s31;
	s1 =	sadd.s32 s1, s30  }
0xbb: {  	s0 =	sor.u32 s3, s0;
	s1 =	sshll.u32 s1, $0x11  }
0xbc: {  	s0 =	sor.u32 s1, s0  }
0xbd: {  	s0 =	sadd.s32 $0x8F2B, s0  }
0xbe: {  	[sflag:s0] =	ssyncadd.remote.s32 $0x1  }
0xbf: {  	_ =	sfence.sel $0xFFFF  }
0xc0: {  	[dreg:$0x0] =	wrdreg $0xFFFFFFFF;
	(pc) =	sbr.abs _section_cstart, $3  }
0xc1: {  	[dreg:$0x1] =	wrdreg $0xFFFFFFFF  }
0xc2: {  	_ =	task.clear_ibuf [dreg:s7], $0x2FFFF;
	_ =	strace $0x9FFFFFFF  }
0xc3: {  	(tm) =	ssettm $0x7FFFFFFF  }
tec
execute0_lowered:
.L_overlay_start_1:
0x0: {  	(tag) =	ssettag $0x1  }
0x1: {  	s0 =	rddreg [dreg:$0x0]  }
0x2: {  	s2 =	rddreg [dreg:$0x2]  }
0x3: {  	s1 =	srdreg.scid;
	s4 =	simm.s32 $0x0;
	s12 =	stileid.u32  }
0x4: {  	s28 =	simm.s32 $0x80;
	s29 =	simm.s32 $0x13E00;
	s30 =	simm.s32 $0x13C80  }
0x5: {  	s31 =	simm.s32 $0x13D80;
	s1 =	sand.u32 $0x1, s1;
	[smem:$0x7FF] =	sst s4  }
0x6: {  	s9 =	smul.u32 $0x13C00, s12;
	s5 =	sadd.s32 $0x64C00, s0;
	s6 =	sadd.s32 $0x55C00, s0  }
0x7: {  	s7 =	sadd.s32 $0x5D400, s0;
	s8 =	sadd.s32 $0x8EC00, s0;
	s3 =	smul.u32 $0x13C000, s1  }
0x8: {  	s11 =	smul.u32 $0x4F000, s12;
	s13 =	sshll.u32 s12, $0x6;
	_ =	strace $0x8000004A  }
0x9: {  	s10 =	ssub.s32 $0x2, s1;
	s13 =	sor.u32 $0x1C03, s13;
	s3 =	sadd.s32 s9, s3  }
0xa: {  	s16 =	sshrl.u32 s10, $0x1;
	s9 =	sadd.s32 $0x8C400, s0;
	s3 =	sshrl.u32 s3, $0x3  }
0xb: {  	s0 =	sadd.s32 s3, s0;
	s3 =	ssub.s32 s10, s16;
	s10 =	smul.u32 $0x3C00, s12  }
0xc: {  	p0 =	seq.s32 s1, $0x1;
	s1 =	simm.s32 $0x2;
	s11 =	sshrl.u32 s11, $0x2  }
0xd: {  	s11 =	sadd.s32 s11, s2;
	s12 =	smul.u32 $0x1400, s12;
	s17 =	sshrl.u32 s10, $0x3  }
0xe: {  	s18 =	sadd.s32 $0x91400, s0;
	s19 =	smax.u32 s3, $0x1;
	s14 =	sadd.s32 s6, s17  }
0xf: {  	s21 =	sshrl.u32 s12, $0x3;
	s20 =	sadd.s32 s7, s17;
	[dreg:$0x4] =	wrdreg s14  }
0x10: {  	s3 =	simm.s32 $0x1;
	s15 =	sadd.s32 s8, s21;
	[dreg:$0x5] =	wrdreg s20  }
0x11: {  	s22 =	sadd.s32 s9, s21;
	s23 =	sadd.s32 $0x750, s17;
	[dreg:$0x6] =	wrdreg s15  }
.Ltmp0:
0x12: {  	[dreg:$0x7] =	wrdreg s22;
	s25 =	sadd.s32 s6, s23;
	(pc) =	sbr.rel .LBB2_1-.Ltmp0, $4  }
0x13: {  	s24 =	sadd.s32 $0x270, s21;
	s0 =	sadd.s32 s7, s23;
	[dreg:$0x8] =	wrdreg s25  }
0x14: {  	s26 =	sadd.s32 s8, s24;
	s23 =	sadd.s32 s9, s24;
	[dreg:$0x9] =	wrdreg s0  }
0x15: {  	s24 =	simm.s32 $0x3;
	s14 =	simm.s32 $0x0;
	[dreg:$0xa] =	wrdreg s26  }
0x16: {  	s25 =	simm.s32 $0x13C00;
	s26 =	simm.s32 $0x13D00;
	s0 =	simm.s32 $0x17E00  }
.LBB2_7:
0x17: {  	[sflag:s1] =	ssyncset.done $0x0  }
0x18: {  	[sflag:s1] =	ssyncadd.s32 $0xFFFFC000  }
0x19: {  	[spmem:s2] =	stream.indirect.scatter.add.f32 [tilespmem:s0], [sflag:$0x3], $0x80, s31, s28, $0xb8;
	[tilespmem:$0x1BE00] =	vst v63  }
0x1a: {  	s17 =	sor.u32 $0x80, s20;
	_ =	swait.ge [sflag:s24], $0x4000  }
0x1b: {  	s17 =	sshrl.u32 s17, $0x3;
	[sflag:s24] =	ssyncset.done $0x0  }
0x1c: {  	s22 =	sadd.s32 s8, s17;
	[sflag:s24] =	ssyncadd.s32 $0xFFFFC000  }
0x1d: {  	[tilespmem:s30], [sflag:$0x3] =	stream.linear.gather [hbm4b:s22+s4], $0x80, $0x38;
	[tilespmem:$0x1BE00] =	vst v63  }
0x1e: {  	_ =	swait.ge [sflag:s24], $0x80  }
0x1f: {  	[sflag:s24] =	ssyncset.done $0x0  }
0x20: {  	s17 =	sadd.s32 s9, s17;
	[sflag:s24] =	ssyncadd.s32 $0xFFFFFF80  }
0x21: {  	[tilespmem:s31], [sflag:$0x3] =	stream.linear.gather [hbm4b:s17+s4], $0x80, $0x38;
	[tilespmem:$0x1BE00] =	vst v63  }
0x22: {  	_ =	swait.ge [sflag:s24], $0x80  }
0x23: {  	[sflag:s24] =	ssyncset.done $0x0  }
0x24: {  	[sflag:s24] =	ssyncadd.s32 $0xFFFFFF80  }
0x25: {  	[tilespmem:s0], [sflag:$0x2] =	stream.indirect.gather [hbm4b:s5+s28], $0x80, s30, s28, $0xb8;
	[tilespmem:$0x1BE00] =	vst v63  }
0x26: {  	_ =	swait.ge [sflag:s3], $0x4000  }
0x27: {  	s20 =	sand.u32 $0x3C00, s16;
	[sflag:s3] =	ssyncset.done $0x0  }
0x28: {  	s21 =	sand.u32 $0x300, s16;
	s17 =	sadd.s32 s12, s20;
	[sflag:s3] =	ssyncadd.s32 $0xFFFFC000  }
0x29: {  	[spmem:s2] =	stream.indirect.scatter.add.f32 [tilespmem:s29], [sflag:$0x3], $0x80, s26, s28, $0xb8;
	[tilespmem:$0x1BE00] =	vst v63  }
0x2a: {  	s16 =	sor.u32 s21, s17;
	_ =	swait.ge [sflag:s24], $0x4000  }
0x2b: {  	s16 =	sshrl.u32 s16, $0x3;
	[sflag:s24] =	ssyncset.done $0x0  }
0x2c: {  	s22 =	sadd.s32 s8, s16;
	[sflag:s24] =	ssyncadd.s32 $0xFFFFC000  }
0x2d: {  	[tilespmem:s25], [sflag:$0x3] =	stream.linear.gather [hbm4b:s22+s4], $0x80, $0x38;
	[tilespmem:$0x1BE00] =	vst v63  }
0x2e: {  	_ =	swait.ge [sflag:s24], $0x80  }
0x2f: {  	[sflag:s24] =	ssyncset.done $0x0  }
0x30: {  	s16 =	sadd.s32 s9, s16;
	[sflag:s24] =	ssyncadd.s32 $0xFFFFFF80  }
0x31: {  	[tilespmem:s26], [sflag:$0x3] =	stream.linear.gather [hbm4b:s16+s4], $0x80, $0x38;
	[tilespmem:$0x1BE00] =	vst v63  }
0x32: {  	_ =	swait.ge [sflag:s24], $0x80  }
0x33: {  	[sflag:s24] =	ssyncset.done $0x0  }
0x34: {  	[sflag:s24] =	ssyncadd.s32 $0xFFFFFF80  }
0x35: {  	[tilespmem:s29], [sflag:$0x1] =	stream.indirect.gather [hbm4b:s5+s28], $0x80, s25, s28, $0xb8;
	[tilespmem:$0x1BE00] =	vst v63  }
0x36: {  	_ =	swait.ge [sflag:s1], $0x4000  }
0x37: {  	[sflag:s1] =	ssyncset.done $0x0  }
0x38: {  	[sflag:s1] =	ssyncadd.s32 $0xFFFFC000  }
0x39: {  	[spmem:s2] =	stream.indirect.scatter.add.f32 [tilespmem:s0], [sflag:$0x3], $0x80, s31, s28, $0xb8;
	[tilespmem:$0x1BE00] =	vst v63  }
0x3a: {  	_ =	swait.ge [sflag:s24], $0x4000  }
0x3b: {  	[sflag:s24] =	ssyncset.done $0x0  }
0x3c: {  	s16 =	smov.u32 s23;
	s17 =	rddreg [dreg:$0xa];
	[sflag:s24] =	ssyncadd.s32 $0xFFFFC000  }
.LBB2_8:
0x3d: {  	[tilespmem:s30], [sflag:$0x3] =	stream.linear.gather [hbm4b:s17+s4], $0x80, $0x38;
	[tilespmem:$0x1BE00] =	vst v63  }
0x3e: {  	_ =	swait.ge [sflag:s24], $0x80  }
0x3f: {  	[sflag:s24] =	ssyncset.done $0x0  }
0x40: {  	[sflag:s24] =	ssyncadd.s32 $0xFFFFFF80  }
0x41: {  	[tilespmem:s31], [sflag:$0x3] =	stream.linear.gather [hbm4b:s16+s4], $0x80, $0x38;
	[tilespmem:$0x1BE00] =	vst v63  }
0x42: {  	_ =	swait.ge [sflag:s24], $0x80  }
0x43: {  	[sflag:s24] =	ssyncset.done $0x0  }
0x44: {  	[sflag:s24] =	ssyncadd.s32 $0xFFFFFF80  }
0x45: {  	[tilespmem:s0], [sflag:$0x2] =	stream.indirect.gather [hbm4b:s5+s28], $0x80, s30, s28, $0xb8;
	[tilespmem:$0x1BE00] =	vst v63  }
0x46: {  	_ =	swait.ge [sflag:s3], $0x4000  }
0x47: {  	[sflag:s3] =	ssyncset.done $0x0  }
0x48: {  	[sflag:s3] =	ssyncadd.s32 $0xFFFFC000  }
0x49: {  	[spmem:s2] =	stream.indirect.scatter.add.f32 [tilespmem:s29], [sflag:$0x3], $0x80, s26, s28, $0xb8;
	[tilespmem:$0x1BE00] =	vst v63  }
0x4a: {  	_ =	swait.ge [sflag:s24], $0x4000  }
0x4b: {  	[sflag:s24] =	ssyncset.done $0x0  }
0x4c: {  	[sflag:s24] =	ssyncadd.s32 $0xFFFFC000  }
0x4d: {  	_ =	swait.ge [sflag:s1], $0x4000  }
0x4e: {  	[sflag:s1] =	ssyncset.done $0x0  }
0x4f: {  	[sflag:s1] =	ssyncadd.s32 $0xFFFFC000  }
0x50: {  	[spmem:s2] =	stream.indirect.scatter.add.f32 [tilespmem:s0], [sflag:$0x3], $0x80, s31, s28, $0xb8;
	[tilespmem:$0x1BE00] =	vst v63  }
0x51: {  	_ =	swait.ge [sflag:s24], $0x4000  }
0x52: {  	s14 =	sadd.s32 $0x1, s14;
	[sflag:s24] =	ssyncset.done $0x0  }
0x53: {  	p1 =	sne.s32 s14, s19;
	[sflag:s24] =	ssyncadd.s32 $0xFFFFC000  }
.Ltmp1:
0x54: {  	[bflag:$0x0] =	sbarrier.arrive $0xFFFF;
	(pc) =	sbr.rel @!p1 .LBB2_9-.Ltmp1, $4  }
0x55: {  	[hbm:s18], [sflag:s13] =	dma.local [spmem:s15], $0x2780  }
0x56: {  	_ =	swait.ge [sflag:s24], $0x2780  }
0x57: {  	[sflag:s24] =	ssyncset.done $0x0  }
0x58: {  	[sflag:s24] =	ssyncadd.s32 $0xFFFFD880  }
.LBB2_1:
0x59: {  	s15 =	sshrl.u32 s11, $0x3;
	s16 =	rddreg [dreg:$0x1]  }
0x5a: {  	[spmem:s15], [sflag:s13] =	dma.local [hbm:s16], $0x2780  }
.Ltmp2:
0x5b: {  	_ =	swait.ge [sflag:s24], $0x2780;
	(pc) =	sbr.rel @!p0 .LBB2_2-.Ltmp2, $3  }
0x5c: {  	[sflag:s24] =	ssyncset.done $0x0  }
0x5d: {  	[sflag:s24] =	ssyncadd.s32 $0xFFFFD880  }
0x5e: {  	[bflag:$0x0] =	sbarrier.arrive $0xFFFF;
	_ =	sdelay $0x1  }
0x5f: {  	s16 =	rddreg [dreg:$0x6]  }
0x60: {  	[tilespmem:s25], [sflag:$0x3] =	stream.linear.gather [hbm4b:s16+s4], $0x80, $0x38;
	[tilespmem:$0x1BE00] =	vst v63  }
0x61: {  	s21 =	simm.s32 $0x0;
	_ =	swait.ge [sflag:s24], $0x80  }
0x62: {  	s17 =	sand.u32 $0x1C00, s21;
	s16 =	sand.u32 $0x300, s21;
	[sflag:s24] =	ssyncset.done $0x0  }
0x63: {  	s17 =	sadd.s32 s12, s17;
	s20 =	rddreg [dreg:$0x7];
	[sflag:s24] =	ssyncadd.s32 $0xFFFFFF80  }
0x64: {  	[tilespmem:s26], [sflag:$0x3] =	stream.linear.gather [hbm4b:s20+s4], $0x80, $0x38;
	[tilespmem:$0x1BE00] =	vst v63  }
0x65: {  	s16 =	sor.u32 s17, s16;
	_ =	swait.ge [sflag:s24], $0x80  }
0x66: {  	s16 =	sor.u32 $0x80, s16;
	[sflag:s24] =	ssyncset.done $0x0  }
0x67: {  	s16 =	sshrl.u32 s16, $0x3;
	[sflag:s24] =	ssyncadd.s32 $0xFFFFFF80  }
0x68: {  	[tilespmem:s29], [sflag:$0x1] =	stream.indirect.gather [hbm4b:s5+s28], $0x80, s25, s28, $0xb8;
	[tilespmem:$0x1BE00] =	vst v63  }
0x69: {  	s22 =	sadd.s32 s8, s16  }
0x6a: {  	[tilespmem:s30], [sflag:$0x3] =	stream.linear.gather [hbm4b:s22+s4], $0x80, $0x38;
	[tilespmem:$0x1BE00] =	vst v63  }
0x6b: {  	_ =	swait.ge [sflag:s24], $0x80  }
0x6c: {  	[sflag:s24] =	ssyncset.done $0x0  }
0x6d: {  	s16 =	sadd.s32 s9, s16;
	[sflag:s24] =	ssyncadd.s32 $0xFFFFFF80  }
0x6e: {  	[tilespmem:s31], [sflag:$0x3] =	stream.linear.gather [hbm4b:s16+s4], $0x80, $0x38;
	[tilespmem:$0x1BE00] =	vst v63  }
0x6f: {  	_ =	swait.ge [sflag:s24], $0x80  }
0x70: {  	[sflag:s24] =	ssyncset.done $0x0  }
0x71: {  	[sflag:s24] =	ssyncadd.s32 $0xFFFFFF80  }
0x72: {  	[tilespmem:s0], [sflag:$0x2] =	stream.indirect.gather [hbm4b:s5+s28], $0x80, s30, s28, $0xb8;
	[tilespmem:$0x1BE00] =	vst v63  }
0x73: {  	s17 =	simm.s32 $0x100;
	_ =	swait.ge [sflag:s3], $0x4000  }
0x74: {  	s20 =	sand.u32 $0x3C00, s17;
	[sflag:s3] =	ssyncset.done $0x0  }
0x75: {  	s16 =	sand.u32 $0x300, s17;
	s17 =	sadd.s32 s12, s20;
	[sflag:s3] =	ssyncadd.s32 $0xFFFFC000  }
0x76: {  	[spmem:s2] =	stream.indirect.scatter.add.f32 [tilespmem:s29], [sflag:$0x3], $0x80, s26, s28, $0xb8;
	[tilespmem:$0x1BE00] =	vst v63  }
0x77: {  	s16 =	sor.u32 s16, s17;
	_ =	swait.ge [sflag:s24], $0x4000  }
0x78: {  	s16 =	sshrl.u32 s16, $0x3;
	[sflag:s24] =	ssyncset.done $0x0  }
0x79: {  	s21 =	sadd.s32 s8, s16;
	[sflag:s24] =	ssyncadd.s32 $0xFFFFC000  }
0x7a: {  	[tilespmem:s25], [sflag:$0x3] =	stream.linear.gather [hbm4b:s21+s4], $0x80, $0x38;
	[tilespmem:$0x1BE00] =	vst v63  }
0x7b: {  	_ =	swait.ge [sflag:s24], $0x80  }
0x7c: {  	[sflag:s24] =	ssyncset.done $0x0  }
0x7d: {  	s22 =	simm.s32 $0x100;
	s16 =	sadd.s32 s9, s16;
	[sflag:s24] =	ssyncadd.s32 $0xFFFFFF80  }
0x7e: {  	[tilespmem:s26], [sflag:$0x3] =	stream.linear.gather [hbm4b:s16+s4], $0x80, $0x38;
	[tilespmem:$0x1BE00] =	vst v63  }
0x7f: {  	s20 =	sand.u32 $0x1C00, s22;
	_ =	swait.ge [sflag:s24], $0x80  }
0x80: {  	s20 =	sadd.s32 s12, s20;
	[sflag:s24] =	ssyncset.done $0x0  }
0x81: {  	s17 =	simm.s32 $0x300;
	s21 =	sand.u32 $0x300, s22;
	[sflag:s24] =	ssyncadd.s32 $0xFFFFFF80  }
0x82: {  	[tilespmem:s29], [sflag:$0x1] =	stream.indirect.gather [hbm4b:s5+s28], $0x80, s25, s28, $0xb8;
	[tilespmem:$0x1BE00] =	vst v63  }
0x83: {  	s20 =	sor.u32 s20, s21;
	s16 =	simm.s32 $0x200;
	_ =	swait.ge [sflag:s1], $0x4000  }
.LBB2_6:
0x84: {  	p1 =	sne.s32 s17, $0x1300  }
0x85: {  	[sflag:s1] =	ssyncset.done $0x0;
	s21 =	smov.u32 s17;
	s17 =	sadd.s32 $0x100, s17  }
0x86: {  	[sflag:s1] =	ssyncadd.s32 $0xFFFFC000  }
0x87: {  	[spmem:s2] =	stream.indirect.scatter.add.f32 [tilespmem:s0], [sflag:$0x3], $0x80, s31, s28, $0xb8;
	[tilespmem:$0x1BE00] =	vst v63  }
0x88: {  	s20 =	sor.u32 $0x80, s20;
	_ =	swait.ge [sflag:s24], $0x4000  }
0x89: {  	s20 =	sshrl.u32 s20, $0x3;
	[sflag:s24] =	ssyncset.done $0x0  }
0x8a: {  	s22 =	sadd.s32 s8, s20;
	[sflag:s24] =	ssyncadd.s32 $0xFFFFC000  }
0x8b: {  	[tilespmem:s30], [sflag:$0x3] =	stream.linear.gather [hbm4b:s22+s4], $0x80, $0x38;
	[tilespmem:$0x1BE00] =	vst v63  }
0x8c: {  	_ =	swait.ge [sflag:s24], $0x80  }
0x8d: {  	[sflag:s24] =	ssyncset.done $0x0  }
0x8e: {  	s20 =	sadd.s32 s9, s20;
	[sflag:s24] =	ssyncadd.s32 $0xFFFFFF80  }
0x8f: {  	[tilespmem:s31], [sflag:$0x3] =	stream.linear.gather [hbm4b:s20+s4], $0x80, $0x38;
	[tilespmem:$0x1BE00] =	vst v63  }
0x90: {  	_ =	swait.ge [sflag:s24], $0x80  }
0x91: {  	[sflag:s24] =	ssyncset.done $0x0  }
0x92: {  	[sflag:s24] =	ssyncadd.s32 $0xFFFFFF80  }
0x93: {  	[tilespmem:s0], [sflag:$0x2] =	stream.indirect.gather [hbm4b:s5+s28], $0x80, s30, s28, $0xb8;
	[tilespmem:$0x1BE00] =	vst v63  }
0x94: {  	_ =	swait.ge [sflag:s3], $0x4000  }
0x95: {  	[sflag:s3] =	ssyncset.done $0x0  }
0x96: {  	s22 =	sand.u32 $0x300, s16;
	s20 =	sand.u32 $0x3C00, s16;
	[sflag:s3] =	ssyncadd.s32 $0xFFFFC000  }
0x97: {  	[spmem:s2] =	stream.indirect.scatter.add.f32 [tilespmem:s29], [sflag:$0x3], $0x80, s26, s28, $0xb8;
	[tilespmem:$0x1BE00] =	vst v63  }
0x98: {  	s16 =	smov.u32 s21;
	s20 =	sadd.s32 s12, s20;
	_ =	swait.ge [sflag:s24], $0x4000  }
0x99: {  	s20 =	sor.u32 s22, s20;
	[sflag:s24] =	ssyncset.done $0x0  }
0x9a: {  	s20 =	sshrl.u32 s20, $0x3;
	[sflag:s24] =	ssyncadd.s32 $0xFFFFC000  }
0x9b: {  	s21 =	sadd.s32 s8, s20  }
0x9c: {  	[tilespmem:s25], [sflag:$0x3] =	stream.linear.gather [hbm4b:s21+s4], $0x80, $0x38;
	[tilespmem:$0x1BE00] =	vst v63  }
0x9d: {  	_ =	swait.ge [sflag:s24], $0x80  }
0x9e: {  	s20 =	sadd.s32 s9, s20;
	[sflag:s24] =	ssyncset.done $0x0  }
0x9f: {  	[sflag:s24] =	ssyncadd.s32 $0xFFFFFF80  }
0xa0: {  	[tilespmem:s26], [sflag:$0x3] =	stream.linear.gather [hbm4b:s20+s4], $0x80, $0x38;
	[tilespmem:$0x1BE00] =	vst v63  }
.Ltmp3:
0xa1: {  	s20 =	sadd.s32 $0xFFFFFF00, s16;
	_ =	swait.ge [sflag:s24], $0x80;
	(pc) =	sbr.rel @p1 .LBB2_6-.Ltmp3, $4  }
0xa2: {  	s21 =	sand.u32 $0x1C00, s20;
	[sflag:s24] =	ssyncset.done $0x0  }
0xa3: {  	s20 =	sand.u32 $0x300, s20;
	s21 =	sadd.s32 s12, s21;
	[sflag:s24] =	ssyncadd.s32 $0xFFFFFF80  }
0xa4: {  	[tilespmem:s29], [sflag:$0x1] =	stream.indirect.gather [hbm4b:s5+s28], $0x80, s25, s28, $0xb8;
	[tilespmem:$0x1BE00] =	vst v63  }
0xa5: {  	s20 =	sor.u32 s21, s20;
	_ =	swait.ge [sflag:s1], $0x4000  }
.Ltmp4:
0xa6: {  	_ = 	snop;
	(pc) =	sbr.rel .LBB2_7-.Ltmp4, $1  }
0xa7: {  	_ =	sdelay $0x3  }
.LBB2_2:
0xa8: {  	s16 =	rddreg [dreg:$0x4]  }
0xa9: {  	[tilespmem:s25], [sflag:$0x3] =	stream.linear.gather [hbm4b:s16+s4], $0x80, $0x38;
	[tilespmem:$0x1BE00] =	vst v63  }
0xaa: {  	s21 =	simm.s32 $0x0;
	_ =	swait.ge [sflag:s24], $0x80  }
0xab: {  	s17 =	sand.u32 $0x3C00, s21;
	s16 =	sand.u32 $0x300, s21;
	[sflag:s24] =	ssyncset.done $0x0  }
0xac: {  	s17 =	sadd.s32 s10, s17;
	s20 =	rddreg [dreg:$0x5];
	[sflag:s24] =	ssyncadd.s32 $0xFFFFFF80  }
0xad: {  	[tilespmem:s26], [sflag:$0x3] =	stream.linear.gather [hbm4b:s20+s4], $0x80, $0x38;
	[tilespmem:$0x1BE00] =	vst v63  }
0xae: {  	s16 =	sor.u32 s17, s16;
	_ =	swait.ge [sflag:s24], $0x80  }
0xaf: {  	s16 =	sor.u32 $0x80, s16;
	[sflag:s24] =	ssyncset.done $0x0  }
0xb0: {  	s16 =	sshrl.u32 s16, $0x3;
	[sflag:s24] =	ssyncadd.s32 $0xFFFFFF80  }
0xb1: {  	[tilespmem:s29], [sflag:$0x1] =	stream.indirect.gather [hbm4b:s5+s28], $0x80, s25, s28, $0xb8;
	[tilespmem:$0x1BE00] =	vst v63  }
0xb2: {  	s22 =	sadd.s32 s6, s16  }
0xb3: {  	[tilespmem:s30], [sflag:$0x3] =	stream.linear.gather [hbm4b:s22+s4], $0x80, $0x38;
	[tilespmem:$0x1BE00] =	vst v63  }
0xb4: {  	_ =	swait.ge [sflag:s24], $0x80  }
0xb5: {  	[sflag:s24] =	ssyncset.done $0x0  }
0xb6: {  	s16 =	sadd.s32 s7, s16;
	[sflag:s24] =	ssyncadd.s32 $0xFFFFFF80  }
0xb7: {  	[tilespmem:s31], [sflag:$0x3] =	stream.linear.gather [hbm4b:s16+s4], $0x80, $0x38;
	[tilespmem:$0x1BE00] =	vst v63  }
0xb8: {  	_ =	swait.ge [sflag:s24], $0x80  }
0xb9: {  	[sflag:s24] =	ssyncset.done $0x0  }
0xba: {  	[sflag:s24] =	ssyncadd.s32 $0xFFFFFF80  }
0xbb: {  	[tilespmem:s0], [sflag:$0x2] =	stream.indirect.gather [hbm4b:s5+s28], $0x80, s30, s28, $0xb8;
	[tilespmem:$0x1BE00] =	vst v63  }
0xbc: {  	s17 =	simm.s32 $0x100;
	_ =	swait.ge [sflag:s3], $0x4000  }
0xbd: {  	s20 =	sand.u32 $0x7C00, s17;
	[sflag:s3] =	ssyncset.done $0x0  }
0xbe: {  	s16 =	sand.u32 $0x300, s17;
	s17 =	sadd.s32 s10, s20;
	[sflag:s3] =	ssyncadd.s32 $0xFFFFC000  }
0xbf: {  	[spmem:s2] =	stream.indirect.scatter.add.f32 [tilespmem:s29], [sflag:$0x3], $0x80, s26, s28, $0xb8;
	[tilespmem:$0x1BE00] =	vst v63  }
0xc0: {  	s16 =	sor.u32 s16, s17;
	_ =	swait.ge [sflag:s24], $0x4000  }
0xc1: {  	s16 =	sshrl.u32 s16, $0x3;
	[sflag:s24] =	ssyncset.done $0x0  }
0xc2: {  	s21 =	sadd.s32 s6, s16;
	[sflag:s24] =	ssyncadd.s32 $0xFFFFC000  }
0xc3: {  	[tilespmem:s25], [sflag:$0x3] =	stream.linear.gather [hbm4b:s21+s4], $0x80, $0x38;
	[tilespmem:$0x1BE00] =	vst v63  }
0xc4: {  	_ =	swait.ge [sflag:s24], $0x80  }
0xc5: {  	[sflag:s24] =	ssyncset.done $0x0  }
0xc6: {  	s22 =	simm.s32 $0x100;
	s16 =	sadd.s32 s7, s16;
	[sflag:s24] =	ssyncadd.s32 $0xFFFFFF80  }
0xc7: {  	[tilespmem:s26], [sflag:$0x3] =	stream.linear.gather [hbm4b:s16+s4], $0x80, $0x38;
	[tilespmem:$0x1BE00] =	vst v63  }
0xc8: {  	s20 =	sand.u32 $0x3C00, s22;
	_ =	swait.ge [sflag:s24], $0x80  }
0xc9: {  	s20 =	sadd.s32 s10, s20;
	[sflag:s24] =	ssyncset.done $0x0  }
0xca: {  	s17 =	simm.s32 $0x300;
	s21 =	sand.u32 $0x300, s22;
	[sflag:s24] =	ssyncadd.s32 $0xFFFFFF80  }
0xcb: {  	[tilespmem:s29], [sflag:$0x1] =	stream.indirect.gather [hbm4b:s5+s28], $0x80, s25, s28, $0xb8;
	[tilespmem:$0x1BE00] =	vst v63  }
0xcc: {  	s20 =	sor.u32 s20, s21;
	s16 =	simm.s32 $0x200;
	_ =	swait.ge [sflag:s1], $0x4000  }
.LBB2_3:
0xcd: {  	p1 =	seq.s32 s17, $0x3A00  }
0xce: {  	[sflag:s1] =	ssyncset.done $0x0;
	s21 =	smov.u32 s17;
	s17 =	sadd.s32 $0x100, s17  }
0xcf: {  	[sflag:s1] =	ssyncadd.s32 $0xFFFFC000  }
0xd0: {  	[spmem:s2] =	stream.indirect.scatter.add.f32 [tilespmem:s0], [sflag:$0x3], $0x80, s31, s28, $0xb8;
	[tilespmem:$0x1BE00] =	vst v63  }
0xd1: {  	s20 =	sor.u32 $0x80, s20;
	_ =	swait.ge [sflag:s24], $0x4000  }
0xd2: {  	s20 =	sshrl.u32 s20, $0x3;
	[sflag:s24] =	ssyncset.done $0x0  }
0xd3: {  	s22 =	sadd.s32 s6, s20;
	[sflag:s24] =	ssyncadd.s32 $0xFFFFC000  }
0xd4: {  	[tilespmem:s30], [sflag:$0x3] =	stream.linear.gather [hbm4b:s22+s4], $0x80, $0x38;
	[tilespmem:$0x1BE00] =	vst v63  }
0xd5: {  	_ =	swait.ge [sflag:s24], $0x80  }
0xd6: {  	[sflag:s24] =	ssyncset.done $0x0  }
0xd7: {  	s20 =	sadd.s32 s7, s20;
	[sflag:s24] =	ssyncadd.s32 $0xFFFFFF80  }
0xd8: {  	[tilespmem:s31], [sflag:$0x3] =	stream.linear.gather [hbm4b:s20+s4], $0x80, $0x38;
	[tilespmem:$0x1BE00] =	vst v63  }
0xd9: {  	_ =	swait.ge [sflag:s24], $0x80  }
0xda: {  	[sflag:s24] =	ssyncset.done $0x0  }
0xdb: {  	[sflag:s24] =	ssyncadd.s32 $0xFFFFFF80  }
0xdc: {  	[tilespmem:s0], [sflag:$0x2] =	stream.indirect.gather [hbm4b:s5+s28], $0x80, s30, s28, $0xb8;
	[tilespmem:$0x1BE00] =	vst v63  }
0xdd: {  	_ =	swait.ge [sflag:s3], $0x4000  }
0xde: {  	[sflag:s3] =	ssyncset.done $0x0  }
0xdf: {  	s22 =	sand.u32 $0x300, s16;
	s20 =	sand.u32 $0x7C00, s16;
	[sflag:s3] =	ssyncadd.s32 $0xFFFFC000  }
0xe0: {  	[spmem:s2] =	stream.indirect.scatter.add.f32 [tilespmem:s29], [sflag:$0x3], $0x80, s26, s28, $0xb8;
	[tilespmem:$0x1BE00] =	vst v63  }
0xe1: {  	s16 =	smov.u32 s21;
	s20 =	sadd.s32 s10, s20;
	_ =	swait.ge [sflag:s24], $0x4000  }
0xe2: {  	s20 =	sor.u32 s22, s20;
	[sflag:s24] =	ssyncset.done $0x0  }
0xe3: {  	s20 =	sshrl.u32 s20, $0x3;
	[sflag:s24] =	ssyncadd.s32 $0xFFFFC000  }
0xe4: {  	s21 =	sadd.s32 s6, s20  }
0xe5: {  	[tilespmem:s25], [sflag:$0x3] =	stream.linear.gather [hbm4b:s21+s4], $0x80, $0x38;
	[tilespmem:$0x1BE00] =	vst v63  }
0xe6: {  	_ =	swait.ge [sflag:s24], $0x80  }
0xe7: {  	s20 =	sadd.s32 s7, s20;
	[sflag:s24] =	ssyncset.done $0x0  }
0xe8: {  	[sflag:s24] =	ssyncadd.s32 $0xFFFFFF80  }
0xe9: {  	[tilespmem:s26], [sflag:$0x3] =	stream.linear.gather [hbm4b:s20+s4], $0x80, $0x38;
	[tilespmem:$0x1BE00] =	vst v63  }
.Ltmp5:
0xea: {  	s20 =	sadd.s32 $0xFFFFFF00, s16;
	_ =	swait.ge [sflag:s24], $0x80;
	(pc) =	sbr.rel @!p1 .LBB2_3-.Ltmp5, $4  }
0xeb: {  	s21 =	sand.u32 $0x3C00, s20;
	[sflag:s24] =	ssyncset.done $0x0  }
0xec: {  	s20 =	sand.u32 $0x300, s20;
	s21 =	sadd.s32 s10, s21;
	[sflag:s24] =	ssyncadd.s32 $0xFFFFFF80  }
0xed: {  	[tilespmem:s29], [sflag:$0x1] =	stream.indirect.gather [hbm4b:s5+s28], $0x80, s25, s28, $0xb8;
	[tilespmem:$0x1BE00] =	vst v63  }
0xee: {  	s20 =	sor.u32 s21, s20;
	_ =	swait.ge [sflag:s1], $0x4000  }
0xef: {  	[sflag:s1] =	ssyncset.done $0x0  }
0xf0: {  	[sflag:s1] =	ssyncadd.s32 $0xFFFFC000  }
0xf1: {  	[spmem:s2] =	stream.indirect.scatter.add.f32 [tilespmem:s0], [sflag:$0x3], $0x80, s31, s28, $0xb8;
	[tilespmem:$0x1BE00] =	vst v63  }
0xf2: {  	s17 =	sor.u32 $0x80, s20;
	_ =	swait.ge [sflag:s24], $0x4000  }
0xf3: {  	s17 =	sshrl.u32 s17, $0x3;
	[sflag:s24] =	ssyncset.done $0x0  }
0xf4: {  	s22 =	sadd.s32 s6, s17;
	[sflag:s24] =	ssyncadd.s32 $0xFFFFC000  }
0xf5: {  	[tilespmem:s30], [sflag:$0x3] =	stream.linear.gather [hbm4b:s22+s4], $0x80, $0x38;
	[tilespmem:$0x1BE00] =	vst v63  }
0xf6: {  	_ =	swait.ge [sflag:s24], $0x80  }
0xf7: {  	[sflag:s24] =	ssyncset.done $0x0  }
0xf8: {  	s17 =	sadd.s32 s7, s17;
	[sflag:s24] =	ssyncadd.s32 $0xFFFFFF80  }
0xf9: {  	[tilespmem:s31], [sflag:$0x3] =	stream.linear.gather [hbm4b:s17+s4], $0x80, $0x38;
	[tilespmem:$0x1BE00] =	vst v63  }
0xfa: {  	_ =	swait.ge [sflag:s24], $0x80  }
0xfb: {  	[sflag:s24] =	ssyncset.done $0x0  }
0xfc: {  	[sflag:s24] =	ssyncadd.s32 $0xFFFFFF80  }
0xfd: {  	[tilespmem:s0], [sflag:$0x2] =	stream.indirect.gather [hbm4b:s5+s28], $0x80, s30, s28, $0xb8;
	[tilespmem:$0x1BE00] =	vst v63  }
0xfe: {  	_ =	swait.ge [sflag:s3], $0x4000  }
0xff: {  	s20 =	sand.u32 $0x7C00, s16;
	[sflag:s3] =	ssyncset.done $0x0  }
0x100: {  	s21 =	sand.u32 $0x300, s16;
	s17 =	sadd.s32 s10, s20;
	[sflag:s3] =	ssyncadd.s32 $0xFFFFC000  }
0x101: {  	[spmem:s2] =	stream.indirect.scatter.add.f32 [tilespmem:s29], [sflag:$0x3], $0x80, s26, s28, $0xb8;
	[tilespmem:$0x1BE00] =	vst v63  }
0x102: {  	s16 =	sor.u32 s21, s17;
	_ =	swait.ge [sflag:s24], $0x4000  }
0x103: {  	s16 =	sshrl.u32 s16, $0x3;
	[sflag:s24] =	ssyncset.done $0x0  }
0x104: {  	s22 =	sadd.s32 s6, s16;
	[sflag:s24] =	ssyncadd.s32 $0xFFFFC000  }
0x105: {  	[tilespmem:s25], [sflag:$0x3] =	stream.linear.gather [hbm4b:s22+s4], $0x80, $0x38;
	[tilespmem:$0x1BE00] =	vst v63  }
0x106: {  	_ =	swait.ge [sflag:s24], $0x80  }
0x107: {  	[sflag:s24] =	ssyncset.done $0x0  }
0x108: {  	s16 =	sadd.s32 s7, s16;
	[sflag:s24] =	ssyncadd.s32 $0xFFFFFF80  }
0x109: {  	[tilespmem:s26], [sflag:$0x3] =	stream.linear.gather [hbm4b:s16+s4], $0x80, $0x38;
	[tilespmem:$0x1BE00] =	vst v63  }
0x10a: {  	_ =	swait.ge [sflag:s24], $0x80  }
0x10b: {  	[sflag:s24] =	ssyncset.done $0x0  }
0x10c: {  	[sflag:s24] =	ssyncadd.s32 $0xFFFFFF80  }
0x10d: {  	[tilespmem:s29], [sflag:$0x1] =	stream.indirect.gather [hbm4b:s5+s28], $0x80, s25, s28, $0xb8;
	[tilespmem:$0x1BE00] =	vst v63  }
0x10e: {  	_ =	swait.ge [sflag:s1], $0x4000  }
0x10f: {  	[sflag:s1] =	ssyncset.done $0x0  }
.Ltmp6:
0x110: {  	[sflag:s1] =	ssyncadd.s32 $0xFFFFC000;
	(pc) =	sbr.rel .LBB2_8-.Ltmp6, $4  }
0x111: {  	[spmem:s2] =	stream.indirect.scatter.add.f32 [tilespmem:s0], [sflag:$0x3], $0x80, s31, s28, $0xb8;
	[tilespmem:$0x1BE00] =	vst v63  }
0x112: {  	_ =	swait.ge [sflag:s24], $0x4000  }
0x113: {  	[sflag:s24] =	ssyncset.done $0x0;
	s17 =	rddreg [dreg:$0x8]  }
0x114: {  	s16 =	rddreg [dreg:$0x9];
	[sflag:s24] =	ssyncadd.s32 $0xFFFFC000  }
.LBB2_9:
0x115: {  	_ =	sfence.sel $0x180000  }
0x116: {  	[bflag:$0x0] =	sbarrier.arrive $0xFFFF  }
0x117: {  	_ =	strace $0x9000004A  }
0x118: {  	s0 =	stileid.u32;
	[bflag:$0x2] =	sbarrier.arrive $0xFFFF  }
0x119: {  	p0 =	sne.s32 s0, $0x0;
	s0 =	rddreg [dreg:$0x3]  }
0x11a: {  	s0 =	sadd.s32 @!p0 $0x100000, s0  }
0x11b: {  	[sflag:s0] =	ssyncadd.tile.s32 @!p0 $0x1;
	_ =	shalt  }
.Lfunc_end2:
_tile_overlayer_lowered:
.L_overlay_start_2:
0x11c: {  	(tag) =	ssettag $0x2  }
0x11d: {  	s0 =	rddreg [dreg:$0x0];
	s2 =	stileid.u32  }
0x11e: {  	s1 =	rddreg [dreg:$0x1];
	p0 =	sne.s32 s2, $0x0  }
0x11f: {  	s3 =	rddreg [dreg:$0x2];
	[bflag:$0x3] =	sbarrier.arrive $0xFFFF;
	s2 =	simm.s32 @!p0 $0x1C03  }
0x120: {  	[timem:s3], [sflag:s2] =	dma.local @!p0 [hbm:s0], s1  }
0x121: {  	s0 =	simm.s32 @!p0 $0x3  }
0x122: {  	_ =	swait.ge @!p0 [sflag:s0], s1  }
0x123: {  	s1 =	ssub.s32 @!p0 $0x0, s1;
	[sflag:s0] =	ssyncset.done @!p0 $0x0  }
0x124: {  	[sflag:s0] =	ssyncadd.s32 @!p0 s1  }
0x125: {  	[bflag:$0x3] =	sbarrier.arrive $0xFFFF  }
0x126: {  	_ =	shalt  }

// kernel: kernel.14.cloned.1.call-start
scs
__scs_entry_jumppad:
0x0: {  	(pc) =	sbr.rel $0x88, $3  }
0x1: {  	(tag) =	ssettag $0x0;
	lr =	simm.s32 $0x1  }
0x2: {  	[smem:$0x3F90] =	sst lr;
	_ =	strace $0xD0000000  }
0x3: {  	_ = 	snop  }
0x4: {  	_ = 	snop  }
0x5: {  	_ = 	snop  }
0x6: {  	_ = 	snop  }
0x7: {  	_ = 	snop  }
__scs_overlays_trampoline_lowered:
0x8: {  	[smem:$0x3F9F] =	sst s0  }
0x9: {  	[smem:$0x3FA0] =	sst s1  }
0xa: {  	[smem:$0x3FA1] =	sst s2  }
0xb: {  	[smem:$0x3FA2] =	sst s3  }
0xc: {  	[smem:$0x3FA3] =	sst s4  }
0xd: {  	[smem:$0x3FA4] =	sst s5  }
0xe: {  	[smem:$0x3FA5] =	sst s6  }
0xf: {  	[smem:$0x3FA6] =	sst s7  }
0x10: {  	[smem:$0x3FA7] =	sst s8  }
0x11: {  	[smem:$0x3FA8] =	sst s9;
	s0 =	simm.s32 @!p0 $0x0  }
0x12: {  	s1 =	sld [smem:$0x3F8E];
	s0 =	simm.s32 @p0 $0x1  }
0x13: {  	[smem:$0x3FA9] =	sst s0;
	s0 =	simm.s32 @!p1 $0x0  }
0x14: {  	s2 =	sld [smem:$0x3F8D];
	s0 =	simm.s32 @p1 $0x1  }
0x15: {  	[smem:$0x3FAA] =	sst s0;
	s0 =	simm.s32 @!p2 $0x0  }
0x16: {  	s3 =	sld [smem:$0x3FDB];
	s0 =	simm.s32 @p2 $0x1  }
0x17: {  	s4 =	simm.s32 $0x1BF5;
	[smem:$0x3FAC] =	sst s0  }
0x18: {  	s0 =	sld [smem:$0x3F8F];
	_ =	swait.ge [sflag:s4], $0x0  }
0x19: {  	s7 =	sld [smem:$0x3F90]  }
0x1a: {  	s8 =	sadd.s32 $0xFFFFE003, lr  }
0x1b: {  	s9 =	sadd.s32 $0xFFFFFEF7, lr;
	s5 =	simm.s32 $0xFFFFFFFF;
	p2 =	slt.u32 s8, $0xFFFFF086  }
0x1c: {  	p1 =	slt.u32 s9, $0xF7A;
	s5 =	simm.s32 @!p2 $0x0  }
0x1d: {  	s5 =	simm.s32 @p1 $0x1;
	p0 =	seq.s32 s7, s2  }
0x1e: {  	s7 =	smul.u32 @!p0 $0xF7A, s2;
	p2 =	seq.s32 @!p0 s5, $0x0  }
0x1f: {  	s9 =	smul.u32 $0xF7A, s1;
	s8 =	simm.s32 @!p0 $0x1BF5;
	p2 =	por !p2, p0  }
0x20: {  	[sflag:s8] =	ssyncset.s32 @!p0 $0xFFFFF086;
	s6 =	sadd.s32 @!p0 s3, s7;
	s7 =	simm.s32 @!p0 $0x108  }
0x21: {  	s3 =	sadd.s32 s3, s9;
	s6 =	sadd.s32 @!p0 $0x88, s6;
	s7 =	simm.s32 @p2 $0x1082  }
0x22: {  	[simem:s7], [sflag:s8] =	dma.local @!p0 [hbm:s6], $0xF7A  }
0x23: {  	s9 =	sor.u32 $0xD0000000, s2;
	s6 =	simm.s32 $0x108;
	_ =	swait.ge @!p0 [sflag:s8], $0x0  }
0x24: {  	s3 =	sadd.s32 $0x88, s3;
	s6 =	simm.s32 @!p1 $0x1082;
	[sflag:s4] =	ssyncset.s32 $0xFFFFF086  }
0x25: {  	[simem:s6], [sflag:s4] =	dma.local [hbm:s3], $0xF7A  }
0x26: {  	[smem:$0x3F90] =	sst s1;
	(tag) =	ssettag s2;
	_ =	strace s9  }
0x27: {  	s1 =	sld [smem:$0x3FA0]  }
0x28: {  	s2 =	sld [smem:$0x3FA1]  }
0x29: {  	s4 =	sld [smem:$0x3FA3]  }
0x2a: {  	p0 =	seq.s32 s5, $0x0;
	s5 =	sld [smem:$0x3FA4]  }
0x2b: {  	s6 =	sld [smem:$0x3FA5]  }
0x2c: {  	s7 =	sld [smem:$0x3FA6]  }
0x2d: {  	s3 =	simm.s32 $0x108;
	s8 =	sld [smem:$0x3FA7]  }
0x2e: {  	s3 =	simm.s32 @!p0 $0x1082;
	s9 =	sld [smem:$0x3FA8]  }
0x2f: {  	lr =	sadd.s32 s0, s3;
	s0 =	sld [smem:$0x3F9F]  }
0x30: {  	s3 =	sld [smem:$0x3FA2]  }
0x31: {  	[smem:$0x3FAB] =	sst s10  }
0x32: {  	s10 =	sld [smem:$0x3FA9];
	_ =	sdelay $0x3  }
0x33: {  	p0 =	seq.s32 s10, $0x1;
	s10 =	sld [smem:$0x3FAB];
	_ =	sdelay $0x3  }
0x34: {  	[smem:$0x3FAB] =	sst s10  }
0x35: {  	s10 =	sld [smem:$0x3FAA];
	_ =	sdelay $0x3  }
0x36: {  	p1 =	seq.s32 s10, $0x1;
	s10 =	sld [smem:$0x3FAB];
	_ =	sdelay $0x3  }
0x37: {  	[smem:$0x3FAB] =	sst s10  }
0x38: {  	s10 =	sld [smem:$0x3FAC]  }
0x39: {  	_ = 	snop;
	(pc) =	sbr.ind lr, $3  }
0x3a: {  	_ = 	snop  }
0x3b: {  	_ = 	snop  }
0x3c: {  	p2 =	seq.s32 s10, $0x1;
	s10 =	sld [smem:$0x3FAB]  }
0x3d: {  	_ =	shalt  }
0x3e: {  	_ =	shalt  }
0x3f: {  	_ =	shalt  }
0x40: {  	_ =	shalt  }
0x41: {  	_ =	shalt  }
0x42: {  	_ =	shalt  }
0x43: {  	_ =	shalt  }
0x44: {  	_ =	shalt  }
0x45: {  	_ =	shalt  }
0x46: {  	_ =	shalt  }
0x47: {  	_ =	shalt  }
0x48: {  	_ =	shalt  }
0x49: {  	_ =	shalt  }
0x4a: {  	_ =	shalt  }
0x4b: {  	_ =	shalt  }
0x4c: {  	_ =	shalt  }
0x4d: {  	_ =	shalt  }
0x4e: {  	_ =	shalt  }
0x4f: {  	_ =	shalt  }
0x50: {  	_ =	shalt  }
0x51: {  	_ =	shalt  }
0x52: {  	_ =	shalt  }
0x53: {  	_ =	shalt  }
0x54: {  	_ =	shalt  }
0x55: {  	_ =	shalt  }
0x56: {  	_ =	shalt  }
0x57: {  	_ =	shalt  }
0x58: {  	_ =	shalt  }
0x59: {  	_ =	shalt  }
0x5a: {  	_ =	shalt  }
0x5b: {  	_ =	shalt  }
0x5c: {  	_ =	shalt  }
0x5d: {  	_ =	shalt  }
0x5e: {  	_ =	shalt  }
0x5f: {  	_ =	shalt  }
0x60: {  	_ =	shalt  }
0x61: {  	_ =	shalt  }
0x62: {  	_ =	shalt  }
0x63: {  	_ =	shalt  }
0x64: {  	_ =	shalt  }
0x65: {  	_ =	shalt  }
0x66: {  	_ =	shalt  }
0x67: {  	_ =	shalt  }
0x68: {  	_ =	shalt  }
0x69: {  	_ =	shalt  }
0x6a: {  	_ =	shalt  }
0x6b: {  	_ =	shalt  }
0x6c: {  	_ =	shalt  }
0x6d: {  	_ =	shalt  }
0x6e: {  	_ =	shalt  }
0x6f: {  	_ =	shalt  }
0x70: {  	_ =	shalt  }
0x71: {  	_ =	shalt  }
0x72: {  	_ =	shalt  }
0x73: {  	_ =	shalt  }
0x74: {  	_ =	shalt  }
0x75: {  	_ =	shalt  }
0x76: {  	_ =	shalt  }
0x77: {  	_ =	shalt  }
0x78: {  	_ =	shalt  }
0x79: {  	_ =	shalt  }
0x7a: {  	_ =	shalt  }
0x7b: {  	_ =	shalt  }
0x7c: {  	_ =	shalt  }
0x7d: {  	_ =	shalt  }
0x7e: {  	_ =	shalt  }
0x7f: {  	_ =	shalt  }
0x80: {  	_ =	shalt  }
0x81: {  	_ =	shalt  }
0x82: {  	_ =	shalt  }
0x83: {  	_ =	shalt  }
0x84: {  	_ =	shalt  }
0x85: {  	_ =	shalt  }
0x86: {  	_ =	shalt  }
0x87: {  	_ =	shalt  }
.Lfunc_end0:
.L_simem_size_0:
called_computation.2_lowered:
.L_overlay_start_0:
0x88: {  	s2 =	sld [smem:$0x3FD9]  }
0x89: {  	s3 =	sld [smem:$0x3FFE];
	_ =	sdelay $0x1  }
0x8a: {  	s1 =	srdreg.scid  }
0x8b: {  	s0 =	sand.u32 $0x1, s1  }
0x8c: {  	s17 =	sshll.u32 s0, $0xA;
	s2 =	sadd.s32 s3, s2  }
0x8d: {  	s2 =	sadd.s32 s2, s17  }
0x8e: {  	[smem:$0x3FB7] =	sst s2  }
0x8f: {  	_ = 	snop  }
0x90: {  	s2 =	sld [smem:$0x3FD0];
	(tm) =	ssettm $0x1  }
0x91: {  	s18 =	sld [smem:$0x3FFB];
	_ =	sdelay $0x3  }
0x92: {  	_ =	strace s18  }
0x93: {  	s3 =	sld [smem:$0x3FFC];
	_ =	sdelay $0x3  }
0x94: {  	_ =	strace s3  }
0x95: {  	s3 =	sld [smem:$0x3FFD];
	_ =	sdelay $0x3  }
0x96: {  	_ =	strace s3  }
0x97: {  	_ =	strace $0x8FFFFFFF  }
0x98: {  	s19 =	sld [smem:$0x3FDB];
	_ =	sdelay $0x1  }
0x99: {  	s4 =	simm.s32 $_scs_section_size  }
0x9a: {  	s5 =	simm.s32 $_size__tile_overlayer_lowered;
	s6 =	simm.s32 $_tile_overlayer_lowered  }
0x9b: {  	s22 =	simm.s32 $0x1BFF;
	s21 =	sshll.u32 s6, $0x1;
	s3 =	sadd.s32 s4, s19  }
0x9c: {  	s7 =	simm.s32 $0x0;
	s20 =	sshll.u32 s5, $0x1;
	s5 =	sadd.s32 s21, s3  }
0x9d: {  	[timem:s7], [sflag:s22] =	dma.local [hbm:s5], s20  }
0x9e: {  	_ =	swait.ge [sflag:s22], s20  }
0x9f: {  	s4 =	ssub.s32 $0x0, s20;
	[sflag:s22] =	ssyncset.done $0x0  }
0xa0: {  	[sflag:s22] =	ssyncadd.s32 s4;
	_ =	sdelay $0x1  }
0xa1: {  	s23 =	simm.s32 $0x1B8B  }
0xa2: {  	_ =	swait.ge [sflag:s23], $0x1  }
0xa3: {  	[sflag:s23] =	ssyncset.done $0x0  }
0xa4: {  	s25 =	simm.s32 $0x1B8E;
	s24 =	sld [smem:$0x3FFE];
	[sflag:s23] =	ssyncadd.s32 $0xFFFFFFFF  }
0xa5: {  	s26 =	simm.s32 $execute0_lowered;
	[smem:$0x3FD2] =	sst s25  }
0xa6: {  	s5 =	sshll.u32 s26, $0x1;
	_ =	strace $0x8000004C;
	[dreg:$0x1] =	wrdreg $0xFFFFFFFF  }
0xa7: {  	s28 =	simm.s32 $_size_execute0_lowered;
	s3 =	sadd.s32 s3, s5;
	[dreg:$0x0] =	wrdreg $0x0  }
0xa8: {  	s5 =	sshll.u32 s28, $0x1;
	[dreg:$0x2] =	wrdreg s3  }
0xa9: {  	[dreg:$0x3] =	wrdreg s5  }
0xaa: {  	[dreg:$0x4] =	wrdreg $0xC0  }
0xab: {  	_ =	task [dreg:s7], $0x5FFFF  }
0xac: {  	[dreg:$0x1] =	wrdreg $0xFFFFFFFF  }
0xad: {  	[dreg:$0x0] =	wrdreg $0x60  }
0xae: {  	[dreg:$0x2] =	wrdreg s24  }
0xaf: {  	[dreg:$0x3] =	wrdreg s2  }
0xb0: {  	[dreg:$0x4] =	wrdreg $0x0  }
0xb1: {  	[dreg:$0x5] =	wrdreg $0x9  }
0xb2: {  	_ =	task.clear_ibuf [dreg:s7], $0x6FFFF;
	_ =	strace $0x9000004C  }
0xb3: {  	s29 =	simm.s32 $0x9;
	_ =	strace $0x8000004E  }
0xb4: {  	_ =	swait.ge [sflag:s29], $0x1  }
0xb5: {  	[sflag:s29] =	ssyncadd.s32 $0xFFFFFFFF  }
0xb6: {  	_ =	strace $0x9000004E  }
0xb7: {  	_ =	sfence  }
0xb8: {  	s30 =	sld [smem:$0x0];
	_ =	sdelay $0x2  }
0xb9: {  	s31 =	sshll.u32 s1, $0xD;
	s1 =	sshrl.u32 s1, $0x2  }
0xba: {  	s3 =	sand.u32 $0x4000, s31;
	s1 =	sadd.s32 s1, s30  }
0xbb: {  	s0 =	sor.u32 s3, s0;
	s1 =	sshll.u32 s1, $0x11  }
0xbc: {  	s0 =	sor.u32 s1, s0  }
0xbd: {  	s0 =	sadd.s32 $0x8F2B, s0  }
0xbe: {  	[sflag:s0] =	ssyncadd.remote.s32 $0x1  }
0xbf: {  	_ =	sfence.sel $0xFFFF  }
0xc0: {  	[dreg:$0x0] =	wrdreg $0xFFFFFFFF;
	(pc) =	sbr.abs _section_cstart, $3  }
0xc1: {  	[dreg:$0x1] =	wrdreg $0xFFFFFFFF  }
0xc2: {  	_ =	task.clear_ibuf [dreg:s7], $0x2FFFF;
	_ =	strace $0x9FFFFFFF  }
0xc3: {  	(tm) =	ssettm $0x7FFFFFFF  }
tec
execute0_lowered:
.L_overlay_start_1:
0x0: {  	(tag) =	ssettag $0x1  }
0x1: {  	s0 =	rddreg [dreg:$0x0]  }
0x2: {  	s2 =	rddreg [dreg:$0x2]  }
0x3: {  	s1 =	srdreg.scid;
	s4 =	simm.s32 $0x0;
	s12 =	stileid.u32  }
0x4: {  	s28 =	simm.s32 $0x80;
	s29 =	simm.s32 $0x13E00;
	s30 =	simm.s32 $0x13C80  }
0x5: {  	s31 =	simm.s32 $0x13D80;
	s1 =	sand.u32 $0x1, s1;
	[smem:$0x7FF] =	sst s4  }
0x6: {  	s9 =	smul.u32 $0x13C00, s12;
	s5 =	sadd.s32 $0x64C00, s0;
	s6 =	sadd.s32 $0x55C00, s0  }
0x7: {  	s7 =	sadd.s32 $0x5D400, s0;
	s8 =	sadd.s32 $0x8EC00, s0;
	s3 =	smul.u32 $0x13C000, s1  }
0x8: {  	s11 =	smul.u32 $0x4F000, s12;
	s13 =	sshll.u32 s12, $0x6;
	_ =	strace $0x8000004D  }
0x9: {  	s10 =	ssub.s32 $0x2, s1;
	s13 =	sor.u32 $0x1C03, s13;
	s3 =	sadd.s32 s9, s3  }
0xa: {  	s16 =	sshrl.u32 s10, $0x1;
	s9 =	sadd.s32 $0x8C400, s0;
	s3 =	sshrl.u32 s3, $0x3  }
0xb: {  	s0 =	sadd.s32 s3, s0;
	s3 =	ssub.s32 s10, s16;
	s10 =	smul.u32 $0x3C00, s12  }
0xc: {  	p0 =	seq.s32 s1, $0x1;
	s1 =	simm.s32 $0x2;
	s11 =	sshrl.u32 s11, $0x2  }
0xd: {  	s11 =	sadd.s32 s11, s2;
	s12 =	smul.u32 $0x1400, s12;
	s17 =	sshrl.u32 s10, $0x3  }
0xe: {  	s18 =	sadd.s32 $0x91400, s0;
	s19 =	smax.u32 s3, $0x1;
	s14 =	sadd.s32 s6, s17  }
0xf: {  	s21 =	sshrl.u32 s12, $0x3;
	s20 =	sadd.s32 s7, s17;
	[dreg:$0x4] =	wrdreg s14  }
0x10: {  	s3 =	simm.s32 $0x1;
	s15 =	sadd.s32 s8, s21;
	[dreg:$0x5] =	wrdreg s20  }
0x11: {  	s22 =	sadd.s32 s9, s21;
	s23 =	sadd.s32 $0x750, s17;
	[dreg:$0x6] =	wrdreg s15  }
.Ltmp0:
0x12: {  	[dreg:$0x7] =	wrdreg s22;
	s25 =	sadd.s32 s6, s23;
	(pc) =	sbr.rel .LBB2_1-.Ltmp0, $4  }
0x13: {  	s24 =	sadd.s32 $0x270, s21;
	s0 =	sadd.s32 s7, s23;
	[dreg:$0x8] =	wrdreg s25  }
0x14: {  	s26 =	sadd.s32 s8, s24;
	s23 =	sadd.s32 s9, s24;
	[dreg:$0x9] =	wrdreg s0  }
0x15: {  	s24 =	simm.s32 $0x3;
	s14 =	simm.s32 $0x0;
	[dreg:$0xa] =	wrdreg s26  }
0x16: {  	s25 =	simm.s32 $0x13C00;
	s26 =	simm.s32 $0x13D00;
	s0 =	simm.s32 $0x17E00  }
.LBB2_7:
0x17: {  	[sflag:s1] =	ssyncset.done $0x0  }
0x18: {  	[sflag:s1] =	ssyncadd.s32 $0xFFFFC000  }
0x19: {  	[spmem:s2] =	stream.indirect.scatter.add.f32 [tilespmem:s0], [sflag:$0x3], $0x80, s31, s28, $0xb8;
	[tilespmem:$0x1BE00] =	vst v63  }
0x1a: {  	s17 =	sor.u32 $0x80, s20;
	_ =	swait.ge [sflag:s24], $0x4000  }
0x1b: {  	s17 =	sshrl.u32 s17, $0x3;
	[sflag:s24] =	ssyncset.done $0x0  }
0x1c: {  	s22 =	sadd.s32 s8, s17;
	[sflag:s24] =	ssyncadd.s32 $0xFFFFC000  }
0x1d: {  	[tilespmem:s30], [sflag:$0x3] =	stream.linear.gather [hbm4b:s22+s4], $0x80, $0x38;
	[tilespmem:$0x1BE00] =	vst v63  }
0x1e: {  	_ =	swait.ge [sflag:s24], $0x80  }
0x1f: {  	[sflag:s24] =	ssyncset.done $0x0  }
0x20: {  	s17 =	sadd.s32 s9, s17;
	[sflag:s24] =	ssyncadd.s32 $0xFFFFFF80  }
0x21: {  	[tilespmem:s31], [sflag:$0x3] =	stream.linear.gather [hbm4b:s17+s4], $0x80, $0x38;
	[tilespmem:$0x1BE00] =	vst v63  }
0x22: {  	_ =	swait.ge [sflag:s24], $0x80  }
0x23: {  	[sflag:s24] =	ssyncset.done $0x0  }
0x24: {  	[sflag:s24] =	ssyncadd.s32 $0xFFFFFF80  }
0x25: {  	[tilespmem:s0], [sflag:$0x2] =	stream.indirect.gather [hbm4b:s5+s28], $0x80, s30, s28, $0xb8;
	[tilespmem:$0x1BE00] =	vst v63  }
0x26: {  	_ =	swait.ge [sflag:s3], $0x4000  }
0x27: {  	s20 =	sand.u32 $0x3C00, s16;
	[sflag:s3] =	ssyncset.done $0x0  }
0x28: {  	s21 =	sand.u32 $0x300, s16;
	s17 =	sadd.s32 s12, s20;
	[sflag:s3] =	ssyncadd.s32 $0xFFFFC000  }
0x29: {  	[spmem:s2] =	stream.indirect.scatter.add.f32 [tilespmem:s29], [sflag:$0x3], $0x80, s26, s28, $0xb8;
	[tilespmem:$0x1BE00] =	vst v63  }
0x2a: {  	s16 =	sor.u32 s21, s17;
	_ =	swait.ge [sflag:s24], $0x4000  }
0x2b: {  	s16 =	sshrl.u32 s16, $0x3;
	[sflag:s24] =	ssyncset.done $0x0  }
0x2c: {  	s22 =	sadd.s32 s8, s16;
	[sflag:s24] =	ssyncadd.s32 $0xFFFFC000  }
0x2d: {  	[tilespmem:s25], [sflag:$0x3] =	stream.linear.gather [hbm4b:s22+s4], $0x80, $0x38;
	[tilespmem:$0x1BE00] =	vst v63  }
0x2e: {  	_ =	swait.ge [sflag:s24], $0x80  }
0x2f: {  	[sflag:s24] =	ssyncset.done $0x0  }
0x30: {  	s16 =	sadd.s32 s9, s16;
	[sflag:s24] =	ssyncadd.s32 $0xFFFFFF80  }
0x31: {  	[tilespmem:s26], [sflag:$0x3] =	stream.linear.gather [hbm4b:s16+s4], $0x80, $0x38;
	[tilespmem:$0x1BE00] =	vst v63  }
0x32: {  	_ =	swait.ge [sflag:s24], $0x80  }
0x33: {  	[sflag:s24] =	ssyncset.done $0x0  }
0x34: {  	[sflag:s24] =	ssyncadd.s32 $0xFFFFFF80  }
0x35: {  	[tilespmem:s29], [sflag:$0x1] =	stream.indirect.gather [hbm4b:s5+s28], $0x80, s25, s28, $0xb8;
	[tilespmem:$0x1BE00] =	vst v63  }
0x36: {  	_ =	swait.ge [sflag:s1], $0x4000  }
0x37: {  	[sflag:s1] =	ssyncset.done $0x0  }
0x38: {  	[sflag:s1] =	ssyncadd.s32 $0xFFFFC000  }
0x39: {  	[spmem:s2] =	stream.indirect.scatter.add.f32 [tilespmem:s0], [sflag:$0x3], $0x80, s31, s28, $0xb8;
	[tilespmem:$0x1BE00] =	vst v63  }
0x3a: {  	_ =	swait.ge [sflag:s24], $0x4000  }
0x3b: {  	[sflag:s24] =	ssyncset.done $0x0  }
0x3c: {  	s16 =	smov.u32 s23;
	s17 =	rddreg [dreg:$0xa];
	[sflag:s24] =	ssyncadd.s32 $0xFFFFC000  }
.LBB2_8:
0x3d: {  	[tilespmem:s30], [sflag:$0x3] =	stream.linear.gather [hbm4b:s17+s4], $0x80, $0x38;
	[tilespmem:$0x1BE00] =	vst v63  }
0x3e: {  	_ =	swait.ge [sflag:s24], $0x80  }
0x3f: {  	[sflag:s24] =	ssyncset.done $0x0  }
0x40: {  	[sflag:s24] =	ssyncadd.s32 $0xFFFFFF80  }
0x41: {  	[tilespmem:s31], [sflag:$0x3] =	stream.linear.gather [hbm4b:s16+s4], $0x80, $0x38;
	[tilespmem:$0x1BE00] =	vst v63  }
0x42: {  	_ =	swait.ge [sflag:s24], $0x80  }
0x43: {  	[sflag:s24] =	ssyncset.done $0x0  }
0x44: {  	[sflag:s24] =	ssyncadd.s32 $0xFFFFFF80  }
0x45: {  	[tilespmem:s0], [sflag:$0x2] =	stream.indirect.gather [hbm4b:s5+s28], $0x80, s30, s28, $0xb8;
	[tilespmem:$0x1BE00] =	vst v63  }
0x46: {  	_ =	swait.ge [sflag:s3], $0x4000  }
0x47: {  	[sflag:s3] =	ssyncset.done $0x0  }
0x48: {  	[sflag:s3] =	ssyncadd.s32 $0xFFFFC000  }
0x49: {  	[spmem:s2] =	stream.indirect.scatter.add.f32 [tilespmem:s29], [sflag:$0x3], $0x80, s26, s28, $0xb8;
	[tilespmem:$0x1BE00] =	vst v63  }
0x4a: {  	_ =	swait.ge [sflag:s24], $0x4000  }
0x4b: {  	[sflag:s24] =	ssyncset.done $0x0  }
0x4c: {  	[sflag:s24] =	ssyncadd.s32 $0xFFFFC000  }
0x4d: {  	_ =	swait.ge [sflag:s1], $0x4000  }
0x4e: {  	[sflag:s1] =	ssyncset.done $0x0  }
0x4f: {  	[sflag:s1] =	ssyncadd.s32 $0xFFFFC000  }
0x50: {  	[spmem:s2] =	stream.indirect.scatter.add.f32 [tilespmem:s0], [sflag:$0x3], $0x80, s31, s28, $0xb8;
	[tilespmem:$0x1BE00] =	vst v63  }
0x51: {  	_ =	swait.ge [sflag:s24], $0x4000  }
0x52: {  	s14 =	sadd.s32 $0x1, s14;
	[sflag:s24] =	ssyncset.done $0x0  }
0x53: {  	p1 =	sne.s32 s14, s19;
	[sflag:s24] =	ssyncadd.s32 $0xFFFFC000  }
.Ltmp1:
0x54: {  	[bflag:$0x0] =	sbarrier.arrive $0xFFFF;
	(pc) =	sbr.rel @!p1 .LBB2_9-.Ltmp1, $4  }
0x55: {  	[hbm:s18], [sflag:s13] =	dma.local [spmem:s15], $0x2780  }
0x56: {  	_ =	swait.ge [sflag:s24], $0x2780  }
0x57: {  	[sflag:s24] =	ssyncset.done $0x0  }
0x58: {  	[sflag:s24] =	ssyncadd.s32 $0xFFFFD880  }
.LBB2_1:
0x59: {  	s15 =	sshrl.u32 s11, $0x3;
	s16 =	rddreg [dreg:$0x1]  }
0x5a: {  	[spmem:s15], [sflag:s13] =	dma.local [hbm:s16], $0x2780  }
.Ltmp2:
0x5b: {  	_ =	swait.ge [sflag:s24], $0x2780;
	(pc) =	sbr.rel @!p0 .LBB2_2-.Ltmp2, $3  }
0x5c: {  	[sflag:s24] =	ssyncset.done $0x0  }
0x5d: {  	[sflag:s24] =	ssyncadd.s32 $0xFFFFD880  }
0x5e: {  	[bflag:$0x0] =	sbarrier.arrive $0xFFFF;
	_ =	sdelay $0x1  }
0x5f: {  	s16 =	rddreg [dreg:$0x6]  }
0x60: {  	[tilespmem:s25], [sflag:$0x3] =	stream.linear.gather [hbm4b:s16+s4], $0x80, $0x38;
	[tilespmem:$0x1BE00] =	vst v63  }
0x61: {  	s21 =	simm.s32 $0x0;
	_ =	swait.ge [sflag:s24], $0x80  }
0x62: {  	s17 =	sand.u32 $0x1C00, s21;
	s16 =	sand.u32 $0x300, s21;
	[sflag:s24] =	ssyncset.done $0x0  }
0x63: {  	s17 =	sadd.s32 s12, s17;
	s20 =	rddreg [dreg:$0x7];
	[sflag:s24] =	ssyncadd.s32 $0xFFFFFF80  }
0x64: {  	[tilespmem:s26], [sflag:$0x3] =	stream.linear.gather [hbm4b:s20+s4], $0x80, $0x38;
	[tilespmem:$0x1BE00] =	vst v63  }
0x65: {  	s16 =	sor.u32 s17, s16;
	_ =	swait.ge [sflag:s24], $0x80  }
0x66: {  	s16 =	sor.u32 $0x80, s16;
	[sflag:s24] =	ssyncset.done $0x0  }
0x67: {  	s16 =	sshrl.u32 s16, $0x3;
	[sflag:s24] =	ssyncadd.s32 $0xFFFFFF80  }
0x68: {  	[tilespmem:s29], [sflag:$0x1] =	stream.indirect.gather [hbm4b:s5+s28], $0x80, s25, s28, $0xb8;
	[tilespmem:$0x1BE00] =	vst v63  }
0x69: {  	s22 =	sadd.s32 s8, s16  }
0x6a: {  	[tilespmem:s30], [sflag:$0x3] =	stream.linear.gather [hbm4b:s22+s4], $0x80, $0x38;
	[tilespmem:$0x1BE00] =	vst v63  }
0x6b: {  	_ =	swait.ge [sflag:s24], $0x80  }
0x6c: {  	[sflag:s24] =	ssyncset.done $0x0  }
0x6d: {  	s16 =	sadd.s32 s9, s16;
	[sflag:s24] =	ssyncadd.s32 $0xFFFFFF80  }
0x6e: {  	[tilespmem:s31], [sflag:$0x3] =	stream.linear.gather [hbm4b:s16+s4], $0x80, $0x38;
	[tilespmem:$0x1BE00] =	vst v63  }
0x6f: {  	_ =	swait.ge [sflag:s24], $0x80  }
0x70: {  	[sflag:s24] =	ssyncset.done $0x0  }
0x71: {  	[sflag:s24] =	ssyncadd.s32 $0xFFFFFF80  }
0x72: {  	[tilespmem:s0], [sflag:$0x2] =	stream.indirect.gather [hbm4b:s5+s28], $0x80, s30, s28, $0xb8;
	[tilespmem:$0x1BE00] =	vst v63  }
0x73: {  	s17 =	simm.s32 $0x100;
	_ =	swait.ge [sflag:s3], $0x4000  }
0x74: {  	s20 =	sand.u32 $0x3C00, s17;
	[sflag:s3] =	ssyncset.done $0x0  }
0x75: {  	s16 =	sand.u32 $0x300, s17;
	s17 =	sadd.s32 s12, s20;
	[sflag:s3] =	ssyncadd.s32 $0xFFFFC000  }
0x76: {  	[spmem:s2] =	stream.indirect.scatter.add.f32 [tilespmem:s29], [sflag:$0x3], $0x80, s26, s28, $0xb8;
	[tilespmem:$0x1BE00] =	vst v63  }
0x77: {  	s16 =	sor.u32 s16, s17;
	_ =	swait.ge [sflag:s24], $0x4000  }
0x78: {  	s16 =	sshrl.u32 s16, $0x3;
	[sflag:s24] =	ssyncset.done $0x0  }
0x79: {  	s21 =	sadd.s32 s8, s16;
	[sflag:s24] =	ssyncadd.s32 $0xFFFFC000  }
0x7a: {  	[tilespmem:s25], [sflag:$0x3] =	stream.linear.gather [hbm4b:s21+s4], $0x80, $0x38;
	[tilespmem:$0x1BE00] =	vst v63  }
0x7b: {  	_ =	swait.ge [sflag:s24], $0x80  }
0x7c: {  	[sflag:s24] =	ssyncset.done $0x0  }
0x7d: {  	s22 =	simm.s32 $0x100;
	s16 =	sadd.s32 s9, s16;
	[sflag:s24] =	ssyncadd.s32 $0xFFFFFF80  }
0x7e: {  	[tilespmem:s26], [sflag:$0x3] =	stream.linear.gather [hbm4b:s16+s4], $0x80, $0x38;
	[tilespmem:$0x1BE00] =	vst v63  }
0x7f: {  	s20 =	sand.u32 $0x1C00, s22;
	_ =	swait.ge [sflag:s24], $0x80  }
0x80: {  	s20 =	sadd.s32 s12, s20;
	[sflag:s24] =	ssyncset.done $0x0  }
0x81: {  	s17 =	simm.s32 $0x300;
	s21 =	sand.u32 $0x300, s22;
	[sflag:s24] =	ssyncadd.s32 $0xFFFFFF80  }
0x82: {  	[tilespmem:s29], [sflag:$0x1] =	stream.indirect.gather [hbm4b:s5+s28], $0x80, s25, s28, $0xb8;
	[tilespmem:$0x1BE00] =	vst v63  }
0x83: {  	s20 =	sor.u32 s20, s21;
	s16 =	simm.s32 $0x200;
	_ =	swait.ge [sflag:s1], $0x4000  }
.LBB2_6:
0x84: {  	p1 =	sne.s32 s17, $0x1300  }
0x85: {  	[sflag:s1] =	ssyncset.done $0x0;
	s21 =	smov.u32 s17;
	s17 =	sadd.s32 $0x100, s17  }
0x86: {  	[sflag:s1] =	ssyncadd.s32 $0xFFFFC000  }
0x87: {  	[spmem:s2] =	stream.indirect.scatter.add.f32 [tilespmem:s0], [sflag:$0x3], $0x80, s31, s28, $0xb8;
	[tilespmem:$0x1BE00] =	vst v63  }
0x88: {  	s20 =	sor.u32 $0x80, s20;
	_ =	swait.ge [sflag:s24], $0x4000  }
0x89: {  	s20 =	sshrl.u32 s20, $0x3;
	[sflag:s24] =	ssyncset.done $0x0  }
0x8a: {  	s22 =	sadd.s32 s8, s20;
	[sflag:s24] =	ssyncadd.s32 $0xFFFFC000  }
0x8b: {  	[tilespmem:s30], [sflag:$0x3] =	stream.linear.gather [hbm4b:s22+s4], $0x80, $0x38;
	[tilespmem:$0x1BE00] =	vst v63  }
0x8c: {  	_ =	swait.ge [sflag:s24], $0x80  }
0x8d: {  	[sflag:s24] =	ssyncset.done $0x0  }
0x8e: {  	s20 =	sadd.s32 s9, s20;
	[sflag:s24] =	ssyncadd.s32 $0xFFFFFF80  }
0x8f: {  	[tilespmem:s31], [sflag:$0x3] =	stream.linear.gather [hbm4b:s20+s4], $0x80, $0x38;
	[tilespmem:$0x1BE00] =	vst v63  }
0x90: {  	_ =	swait.ge [sflag:s24], $0x80  }
0x91: {  	[sflag:s24] =	ssyncset.done $0x0  }
0x92: {  	[sflag:s24] =	ssyncadd.s32 $0xFFFFFF80  }
0x93: {  	[tilespmem:s0], [sflag:$0x2] =	stream.indirect.gather [hbm4b:s5+s28], $0x80, s30, s28, $0xb8;
	[tilespmem:$0x1BE00] =	vst v63  }
0x94: {  	_ =	swait.ge [sflag:s3], $0x4000  }
0x95: {  	[sflag:s3] =	ssyncset.done $0x0  }
0x96: {  	s22 =	sand.u32 $0x300, s16;
	s20 =	sand.u32 $0x3C00, s16;
	[sflag:s3] =	ssyncadd.s32 $0xFFFFC000  }
0x97: {  	[spmem:s2] =	stream.indirect.scatter.add.f32 [tilespmem:s29], [sflag:$0x3], $0x80, s26, s28, $0xb8;
	[tilespmem:$0x1BE00] =	vst v63  }
0x98: {  	s16 =	smov.u32 s21;
	s20 =	sadd.s32 s12, s20;
	_ =	swait.ge [sflag:s24], $0x4000  }
0x99: {  	s20 =	sor.u32 s22, s20;
	[sflag:s24] =	ssyncset.done $0x0  }
0x9a: {  	s20 =	sshrl.u32 s20, $0x3;
	[sflag:s24] =	ssyncadd.s32 $0xFFFFC000  }
0x9b: {  	s21 =	sadd.s32 s8, s20  }
0x9c: {  	[tilespmem:s25], [sflag:$0x3] =	stream.linear.gather [hbm4b:s21+s4], $0x80, $0x38;
	[tilespmem:$0x1BE00] =	vst v63  }
0x9d: {  	_ =	swait.ge [sflag:s24], $0x80  }
0x9e: {  	s20 =	sadd.s32 s9, s20;
	[sflag:s24] =	ssyncset.done $0x0  }
0x9f: {  	[sflag:s24] =	ssyncadd.s32 $0xFFFFFF80  }
0xa0: {  	[tilespmem:s26], [sflag:$0x3] =	stream.linear.gather [hbm4b:s20+s4], $0x80, $0x38;
	[tilespmem:$0x1BE00] =	vst v63  }
.Ltmp3:
0xa1: {  	s20 =	sadd.s32 $0xFFFFFF00, s16;
	_ =	swait.ge [sflag:s24], $0x80;
	(pc) =	sbr.rel @p1 .LBB2_6-.Ltmp3, $4  }
0xa2: {  	s21 =	sand.u32 $0x1C00, s20;
	[sflag:s24] =	ssyncset.done $0x0  }
0xa3: {  	s20 =	sand.u32 $0x300, s20;
	s21 =	sadd.s32 s12, s21;
	[sflag:s24] =	ssyncadd.s32 $0xFFFFFF80  }
0xa4: {  	[tilespmem:s29], [sflag:$0x1] =	stream.indirect.gather [hbm4b:s5+s28], $0x80, s25, s28, $0xb8;
	[tilespmem:$0x1BE00] =	vst v63  }
0xa5: {  	s20 =	sor.u32 s21, s20;
	_ =	swait.ge [sflag:s1], $0x4000  }
.Ltmp4:
0xa6: {  	_ = 	snop;
	(pc) =	sbr.rel .LBB2_7-.Ltmp4, $1  }
0xa7: {  	_ =	sdelay $0x3  }
.LBB2_2:
0xa8: {  	s16 =	rddreg [dreg:$0x4]  }
0xa9: {  	[tilespmem:s25], [sflag:$0x3] =	stream.linear.gather [hbm4b:s16+s4], $0x80, $0x38;
	[tilespmem:$0x1BE00] =	vst v63  }
0xaa: {  	s21 =	simm.s32 $0x0;
	_ =	swait.ge [sflag:s24], $0x80  }
0xab: {  	s17 =	sand.u32 $0x3C00, s21;
	s16 =	sand.u32 $0x300, s21;
	[sflag:s24] =	ssyncset.done $0x0  }
0xac: {  	s17 =	sadd.s32 s10, s17;
	s20 =	rddreg [dreg:$0x5];
	[sflag:s24] =	ssyncadd.s32 $0xFFFFFF80  }
0xad: {  	[tilespmem:s26], [sflag:$0x3] =	stream.linear.gather [hbm4b:s20+s4], $0x80, $0x38;
	[tilespmem:$0x1BE00] =	vst v63  }
0xae: {  	s16 =	sor.u32 s17, s16;
	_ =	swait.ge [sflag:s24], $0x80  }
0xaf: {  	s16 =	sor.u32 $0x80, s16;
	[sflag:s24] =	ssyncset.done $0x0  }
0xb0: {  	s16 =	sshrl.u32 s16, $0x3;
	[sflag:s24] =	ssyncadd.s32 $0xFFFFFF80  }
0xb1: {  	[tilespmem:s29], [sflag:$0x1] =	stream.indirect.gather [hbm4b:s5+s28], $0x80, s25, s28, $0xb8;
	[tilespmem:$0x1BE00] =	vst v63  }
0xb2: {  	s22 =	sadd.s32 s6, s16  }
0xb3: {  	[tilespmem:s30], [sflag:$0x3] =	stream.linear.gather [hbm4b:s22+s4], $0x80, $0x38;
	[tilespmem:$0x1BE00] =	vst v63  }
0xb4: {  	_ =	swait.ge [sflag:s24], $0x80  }
0xb5: {  	[sflag:s24] =	ssyncset.done $0x0  }
0xb6: {  	s16 =	sadd.s32 s7, s16;
	[sflag:s24] =	ssyncadd.s32 $0xFFFFFF80  }
0xb7: {  	[tilespmem:s31], [sflag:$0x3] =	stream.linear.gather [hbm4b:s16+s4], $0x80, $0x38;
	[tilespmem:$0x1BE00] =	vst v63  }
0xb8: {  	_ =	swait.ge [sflag:s24], $0x80  }
0xb9: {  	[sflag:s24] =	ssyncset.done $0x0  }
0xba: {  	[sflag:s24] =	ssyncadd.s32 $0xFFFFFF80  }
0xbb: {  	[tilespmem:s0], [sflag:$0x2] =	stream.indirect.gather [hbm4b:s5+s28], $0x80, s30, s28, $0xb8;
	[tilespmem:$0x1BE00] =	vst v63  }
0xbc: {  	s17 =	simm.s32 $0x100;
	_ =	swait.ge [sflag:s3], $0x4000  }
0xbd: {  	s20 =	sand.u32 $0x7C00, s17;
	[sflag:s3] =	ssyncset.done $0x0  }
0xbe: {  	s16 =	sand.u32 $0x300, s17;
	s17 =	sadd.s32 s10, s20;
	[sflag:s3] =	ssyncadd.s32 $0xFFFFC000  }
0xbf: {  	[spmem:s2] =	stream.indirect.scatter.add.f32 [tilespmem:s29], [sflag:$0x3], $0x80, s26, s28, $0xb8;
	[tilespmem:$0x1BE00] =	vst v63  }
0xc0: {  	s16 =	sor.u32 s16, s17;
	_ =	swait.ge [sflag:s24], $0x4000  }
0xc1: {  	s16 =	sshrl.u32 s16, $0x3;
	[sflag:s24] =	ssyncset.done $0x0  }
0xc2: {  	s21 =	sadd.s32 s6, s16;
	[sflag:s24] =	ssyncadd.s32 $0xFFFFC000  }
0xc3: {  	[tilespmem:s25], [sflag:$0x3] =	stream.linear.gather [hbm4b:s21+s4], $0x80, $0x38;
	[tilespmem:$0x1BE00] =	vst v63  }
0xc4: {  	_ =	swait.ge [sflag:s24], $0x80  }
0xc5: {  	[sflag:s24] =	ssyncset.done $0x0  }
0xc6: {  	s22 =	simm.s32 $0x100;
	s16 =	sadd.s32 s7, s16;
	[sflag:s24] =	ssyncadd.s32 $0xFFFFFF80  }
0xc7: {  	[tilespmem:s26], [sflag:$0x3] =	stream.linear.gather [hbm4b:s16+s4], $0x80, $0x38;
	[tilespmem:$0x1BE00] =	vst v63  }
0xc8: {  	s20 =	sand.u32 $0x3C00, s22;
	_ =	swait.ge [sflag:s24], $0x80  }
0xc9: {  	s20 =	sadd.s32 s10, s20;
	[sflag:s24] =	ssyncset.done $0x0  }
0xca: {  	s17 =	simm.s32 $0x300;
	s21 =	sand.u32 $0x300, s22;
	[sflag:s24] =	ssyncadd.s32 $0xFFFFFF80  }
0xcb: {  	[tilespmem:s29], [sflag:$0x1] =	stream.indirect.gather [hbm4b:s5+s28], $0x80, s25, s28, $0xb8;
	[tilespmem:$0x1BE00] =	vst v63  }
0xcc: {  	s20 =	sor.u32 s20, s21;
	s16 =	simm.s32 $0x200;
	_ =	swait.ge [sflag:s1], $0x4000  }
.LBB2_3:
0xcd: {  	p1 =	seq.s32 s17, $0x3A00  }
0xce: {  	[sflag:s1] =	ssyncset.done $0x0;
	s21 =	smov.u32 s17;
	s17 =	sadd.s32 $0x100, s17  }
0xcf: {  	[sflag:s1] =	ssyncadd.s32 $0xFFFFC000  }
0xd0: {  	[spmem:s2] =	stream.indirect.scatter.add.f32 [tilespmem:s0], [sflag:$0x3], $0x80, s31, s28, $0xb8;
	[tilespmem:$0x1BE00] =	vst v63  }
0xd1: {  	s20 =	sor.u32 $0x80, s20;
	_ =	swait.ge [sflag:s24], $0x4000  }
0xd2: {  	s20 =	sshrl.u32 s20, $0x3;
	[sflag:s24] =	ssyncset.done $0x0  }
0xd3: {  	s22 =	sadd.s32 s6, s20;
	[sflag:s24] =	ssyncadd.s32 $0xFFFFC000  }
0xd4: {  	[tilespmem:s30], [sflag:$0x3] =	stream.linear.gather [hbm4b:s22+s4], $0x80, $0x38;
	[tilespmem:$0x1BE00] =	vst v63  }
0xd5: {  	_ =	swait.ge [sflag:s24], $0x80  }
0xd6: {  	[sflag:s24] =	ssyncset.done $0x0  }
0xd7: {  	s20 =	sadd.s32 s7, s20;
	[sflag:s24] =	ssyncadd.s32 $0xFFFFFF80  }
0xd8: {  	[tilespmem:s31], [sflag:$0x3] =	stream.linear.gather [hbm4b:s20+s4], $0x80, $0x38;
	[tilespmem:$0x1BE00] =	vst v63  }
0xd9: {  	_ =	swait.ge [sflag:s24], $0x80  }
0xda: {  	[sflag:s24] =	ssyncset.done $0x0  }
0xdb: {  	[sflag:s24] =	ssyncadd.s32 $0xFFFFFF80  }
0xdc: {  	[tilespmem:s0], [sflag:$0x2] =	stream.indirect.gather [hbm4b:s5+s28], $0x80, s30, s28, $0xb8;
	[tilespmem:$0x1BE00] =	vst v63  }
0xdd: {  	_ =	swait.ge [sflag:s3], $0x4000  }
0xde: {  	[sflag:s3] =	ssyncset.done $0x0  }
0xdf: {  	s22 =	sand.u32 $0x300, s16;
	s20 =	sand.u32 $0x7C00, s16;
	[sflag:s3] =	ssyncadd.s32 $0xFFFFC000  }
0xe0: {  	[spmem:s2] =	stream.indirect.scatter.add.f32 [tilespmem:s29], [sflag:$0x3], $0x80, s26, s28, $0xb8;
	[tilespmem:$0x1BE00] =	vst v63  }
0xe1: {  	s16 =	smov.u32 s21;
	s20 =	sadd.s32 s10, s20;
	_ =	swait.ge [sflag:s24], $0x4000  }
0xe2: {  	s20 =	sor.u32 s22, s20;
	[sflag:s24] =	ssyncset.done $0x0  }
0xe3: {  	s20 =	sshrl.u32 s20, $0x3;
	[sflag:s24] =	ssyncadd.s32 $0xFFFFC000  }
0xe4: {  	s21 =	sadd.s32 s6, s20  }
0xe5: {  	[tilespmem:s25], [sflag:$0x3] =	stream.linear.gather [hbm4b:s21+s4], $0x80, $0x38;
	[tilespmem:$0x1BE00] =	vst v63  }
0xe6: {  	_ =	swait.ge [sflag:s24], $0x80  }
0xe7: {  	s20 =	sadd.s32 s7, s20;
	[sflag:s24] =	ssyncset.done $0x0  }
0xe8: {  	[sflag:s24] =	ssyncadd.s32 $0xFFFFFF80  }
0xe9: {  	[tilespmem:s26], [sflag:$0x3] =	stream.linear.gather [hbm4b:s20+s4], $0x80, $0x38;
	[tilespmem:$0x1BE00] =	vst v63  }
.Ltmp5:
0xea: {  	s20 =	sadd.s32 $0xFFFFFF00, s16;
	_ =	swait.ge [sflag:s24], $0x80;
	(pc) =	sbr.rel @!p1 .LBB2_3-.Ltmp5, $4  }
0xeb: {  	s21 =	sand.u32 $0x3C00, s20;
	[sflag:s24] =	ssyncset.done $0x0  }
0xec: {  	s20 =	sand.u32 $0x300, s20;
	s21 =	sadd.s32 s10, s21;
	[sflag:s24] =	ssyncadd.s32 $0xFFFFFF80  }
0xed: {  	[tilespmem:s29], [sflag:$0x1] =	stream.indirect.gather [hbm4b:s5+s28], $0x80, s25, s28, $0xb8;
	[tilespmem:$0x1BE00] =	vst v63  }
0xee: {  	s20 =	sor.u32 s21, s20;
	_ =	swait.ge [sflag:s1], $0x4000  }
0xef: {  	[sflag:s1] =	ssyncset.done $0x0  }
0xf0: {  	[sflag:s1] =	ssyncadd.s32 $0xFFFFC000  }
0xf1: {  	[spmem:s2] =	stream.indirect.scatter.add.f32 [tilespmem:s0], [sflag:$0x3], $0x80, s31, s28, $0xb8;
	[tilespmem:$0x1BE00] =	vst v63  }
0xf2: {  	s17 =	sor.u32 $0x80, s20;
	_ =	swait.ge [sflag:s24], $0x4000  }
0xf3: {  	s17 =	sshrl.u32 s17, $0x3;
	[sflag:s24] =	ssyncset.done $0x0  }
0xf4: {  	s22 =	sadd.s32 s6, s17;
	[sflag:s24] =	ssyncadd.s32 $0xFFFFC000  }
0xf5: {  	[tilespmem:s30], [sflag:$0x3] =	stream.linear.gather [hbm4b:s22+s4], $0x80, $0x38;
	[tilespmem:$0x1BE00] =	vst v63  }
0xf6: {  	_ =	swait.ge [sflag:s24], $0x80  }
0xf7: {  	[sflag:s24] =	ssyncset.done $0x0  }
0xf8: {  	s17 =	sadd.s32 s7, s17;
	[sflag:s24] =	ssyncadd.s32 $0xFFFFFF80  }
0xf9: {  	[tilespmem:s31], [sflag:$0x3] =	stream.linear.gather [hbm4b:s17+s4], $0x80, $0x38;
	[tilespmem:$0x1BE00] =	vst v63  }
0xfa: {  	_ =	swait.ge [sflag:s24], $0x80  }
0xfb: {  	[sflag:s24] =	ssyncset.done $0x0  }
0xfc: {  	[sflag:s24] =	ssyncadd.s32 $0xFFFFFF80  }
0xfd: {  	[tilespmem:s0], [sflag:$0x2] =	stream.indirect.gather [hbm4b:s5+s28], $0x80, s30, s28, $0xb8;
	[tilespmem:$0x1BE00] =	vst v63  }
0xfe: {  	_ =	swait.ge [sflag:s3], $0x4000  }
0xff: {  	s20 =	sand.u32 $0x7C00, s16;
	[sflag:s3] =	ssyncset.done $0x0  }
0x100: {  	s21 =	sand.u32 $0x300, s16;
	s17 =	sadd.s32 s10, s20;
	[sflag:s3] =	ssyncadd.s32 $0xFFFFC000  }
0x101: {  	[spmem:s2] =	stream.indirect.scatter.add.f32 [tilespmem:s29], [sflag:$0x3], $0x80, s26, s28, $0xb8;
	[tilespmem:$0x1BE00] =	vst v63  }
0x102: {  	s16 =	sor.u32 s21, s17;
	_ =	swait.ge [sflag:s24], $0x4000  }
0x103: {  	s16 =	sshrl.u32 s16, $0x3;
	[sflag:s24] =	ssyncset.done $0x0  }
0x104: {  	s22 =	sadd.s32 s6, s16;
	[sflag:s24] =	ssyncadd.s32 $0xFFFFC000  }
0x105: {  	[tilespmem:s25], [sflag:$0x3] =	stream.linear.gather [hbm4b:s22+s4], $0x80, $0x38;
	[tilespmem:$0x1BE00] =	vst v63  }
0x106: {  	_ =	swait.ge [sflag:s24], $0x80  }
0x107: {  	[sflag:s24] =	ssyncset.done $0x0  }
0x108: {  	s16 =	sadd.s32 s7, s16;
	[sflag:s24] =	ssyncadd.s32 $0xFFFFFF80  }
0x109: {  	[tilespmem:s26], [sflag:$0x3] =	stream.linear.gather [hbm4b:s16+s4], $0x80, $0x38;
	[tilespmem:$0x1BE00] =	vst v63  }
0x10a: {  	_ =	swait.ge [sflag:s24], $0x80  }
0x10b: {  	[sflag:s24] =	ssyncset.done $0x0  }
0x10c: {  	[sflag:s24] =	ssyncadd.s32 $0xFFFFFF80  }
0x10d: {  	[tilespmem:s29], [sflag:$0x1] =	stream.indirect.gather [hbm4b:s5+s28], $0x80, s25, s28, $0xb8;
	[tilespmem:$0x1BE00] =	vst v63  }
0x10e: {  	_ =	swait.ge [sflag:s1], $0x4000  }
0x10f: {  	[sflag:s1] =	ssyncset.done $0x0  }
.Ltmp6:
0x110: {  	[sflag:s1] =	ssyncadd.s32 $0xFFFFC000;
	(pc) =	sbr.rel .LBB2_8-.Ltmp6, $4  }
0x111: {  	[spmem:s2] =	stream.indirect.scatter.add.f32 [tilespmem:s0], [sflag:$0x3], $0x80, s31, s28, $0xb8;
	[tilespmem:$0x1BE00] =	vst v63  }
0x112: {  	_ =	swait.ge [sflag:s24], $0x4000  }
0x113: {  	[sflag:s24] =	ssyncset.done $0x0;
	s17 =	rddreg [dreg:$0x8]  }
0x114: {  	s16 =	rddreg [dreg:$0x9];
	[sflag:s24] =	ssyncadd.s32 $0xFFFFC000  }
.LBB2_9:
0x115: {  	_ =	sfence.sel $0x180000  }
0x116: {  	[bflag:$0x0] =	sbarrier.arrive $0xFFFF  }
0x117: {  	_ =	strace $0x9000004D  }
0x118: {  	s0 =	stileid.u32;
	[bflag:$0x2] =	sbarrier.arrive $0xFFFF  }
0x119: {  	p0 =	sne.s32 s0, $0x0;
	s0 =	rddreg [dreg:$0x3]  }
0x11a: {  	s0 =	sadd.s32 @!p0 $0x100000, s0  }
0x11b: {  	[sflag:s0] =	ssyncadd.tile.s32 @!p0 $0x1;
	_ =	shalt  }
.Lfunc_end2:
_tile_overlayer_lowered:
.L_overlay_start_2:
0x11c: {  	(tag) =	ssettag $0x2  }
0x11d: {  	s0 =	rddreg [dreg:$0x0];
	s2 =	stileid.u32  }
0x11e: {  	s1 =	rddreg [dreg:$0x1];
	p0 =	sne.s32 s2, $0x0  }
0x11f: {  	s3 =	rddreg [dreg:$0x2];
	[bflag:$0x3] =	sbarrier.arrive $0xFFFF;
	s2 =	simm.s32 @!p0 $0x1C03  }
0x120: {  	[timem:s3], [sflag:s2] =	dma.local @!p0 [hbm:s0], s1  }
0x121: {  	s0 =	simm.s32 @!p0 $0x3  }
0x122: {  	_ =	swait.ge @!p0 [sflag:s0], s1  }
0x123: {  	s1 =	ssub.s32 @!p0 $0x0, s1;
	[sflag:s0] =	ssyncset.done @!p0 $0x0  }
0x124: {  	[sflag:s0] =	ssyncadd.s32 @!p0 s1  }
0x125: {  	[bflag:$0x3] =	sbarrier.arrive $0xFFFF  }
0x126: {  	_ =	shalt  }

// kernel: kernel.8.cloned.1.call-start
scs
__scs_entry_jumppad:
0x0: {  	(pc) =	sbr.rel $0x88, $3  }
0x1: {  	(tag) =	ssettag $0x0;
	lr =	simm.s32 $0x1  }
0x2: {  	[smem:$0x3F90] =	sst lr;
	_ =	strace $0xD0000000  }
0x3: {  	_ = 	snop  }
0x4: {  	_ = 	snop  }
0x5: {  	_ = 	snop  }
0x6: {  	_ = 	snop  }
0x7: {  	_ = 	snop  }
__scs_overlays_trampoline_lowered:
0x8: {  	[smem:$0x3F9F] =	sst s0  }
0x9: {  	[smem:$0x3FA0] =	sst s1  }
0xa: {  	[smem:$0x3FA1] =	sst s2  }
0xb: {  	[smem:$0x3FA2] =	sst s3  }
0xc: {  	[smem:$0x3FA3] =	sst s4  }
0xd: {  	[smem:$0x3FA4] =	sst s5  }
0xe: {  	[smem:$0x3FA5] =	sst s6  }
0xf: {  	[smem:$0x3FA6] =	sst s7  }
0x10: {  	[smem:$0x3FA7] =	sst s8  }
0x11: {  	[smem:$0x3FA8] =	sst s9;
	s0 =	simm.s32 @!p0 $0x0  }
0x12: {  	s1 =	sld [smem:$0x3F8E];
	s0 =	simm.s32 @p0 $0x1  }
0x13: {  	[smem:$0x3FA9] =	sst s0;
	s0 =	simm.s32 @!p1 $0x0  }
0x14: {  	s2 =	sld [smem:$0x3F8D];
	s0 =	simm.s32 @p1 $0x1  }
0x15: {  	[smem:$0x3FAA] =	sst s0;
	s0 =	simm.s32 @!p2 $0x0  }
0x16: {  	s3 =	sld [smem:$0x3FDB];
	s0 =	simm.s32 @p2 $0x1  }
0x17: {  	s4 =	simm.s32 $0x1BF5;
	[smem:$0x3FAC] =	sst s0  }
0x18: {  	s0 =	sld [smem:$0x3F8F];
	_ =	swait.ge [sflag:s4], $0x0  }
0x19: {  	s7 =	sld [smem:$0x3F90]  }
0x1a: {  	s8 =	sadd.s32 $0xFFFFE003, lr  }
0x1b: {  	s9 =	sadd.s32 $0xFFFFFEF7, lr;
	s5 =	simm.s32 $0xFFFFFFFF;
	p2 =	slt.u32 s8, $0xFFFFF086  }
0x1c: {  	p1 =	slt.u32 s9, $0xF7A;
	s5 =	simm.s32 @!p2 $0x0  }
0x1d: {  	s5 =	simm.s32 @p1 $0x1;
	p0 =	seq.s32 s7, s2  }
0x1e: {  	s7 =	smul.u32 @!p0 $0xF7A, s2;
	p2 =	seq.s32 @!p0 s5, $0x0  }
0x1f: {  	s9 =	smul.u32 $0xF7A, s1;
	s8 =	simm.s32 @!p0 $0x1BF5;
	p2 =	por !p2, p0  }
0x20: {  	[sflag:s8] =	ssyncset.s32 @!p0 $0xFFFFF086;
	s6 =	sadd.s32 @!p0 s3, s7;
	s7 =	simm.s32 @!p0 $0x108  }
0x21: {  	s3 =	sadd.s32 s3, s9;
	s6 =	sadd.s32 @!p0 $0x88, s6;
	s7 =	simm.s32 @p2 $0x1082  }
0x22: {  	[simem:s7], [sflag:s8] =	dma.local @!p0 [hbm:s6], $0xF7A  }
0x23: {  	s9 =	sor.u32 $0xD0000000, s2;
	s6 =	simm.s32 $0x108;
	_ =	swait.ge @!p0 [sflag:s8], $0x0  }
0x24: {  	s3 =	sadd.s32 $0x88, s3;
	s6 =	simm.s32 @!p1 $0x1082;
	[sflag:s4] =	ssyncset.s32 $0xFFFFF086  }
0x25: {  	[simem:s6], [sflag:s4] =	dma.local [hbm:s3], $0xF7A  }
0x26: {  	[smem:$0x3F90] =	sst s1;
	(tag) =	ssettag s2;
	_ =	strace s9  }
0x27: {  	s1 =	sld [smem:$0x3FA0]  }
0x28: {  	s2 =	sld [smem:$0x3FA1]  }
0x29: {  	s4 =	sld [smem:$0x3FA3]  }
0x2a: {  	p0 =	seq.s32 s5, $0x0;
	s5 =	sld [smem:$0x3FA4]  }
0x2b: {  	s6 =	sld [smem:$0x3FA5]  }
0x2c: {  	s7 =	sld [smem:$0x3FA6]  }
0x2d: {  	s3 =	simm.s32 $0x108;
	s8 =	sld [smem:$0x3FA7]  }
0x2e: {  	s3 =	simm.s32 @!p0 $0x1082;
	s9 =	sld [smem:$0x3FA8]  }
0x2f: {  	lr =	sadd.s32 s0, s3;
	s0 =	sld [smem:$0x3F9F]  }
0x30: {  	s3 =	sld [smem:$0x3FA2]  }
0x31: {  	[smem:$0x3FAB] =	sst s10  }
0x32: {  	s10 =	sld [smem:$0x3FA9];
	_ =	sdelay $0x3  }
0x33: {  	p0 =	seq.s32 s10, $0x1;
	s10 =	sld [smem:$0x3FAB];
	_ =	sdelay $0x3  }
0x34: {  	[smem:$0x3FAB] =	sst s10  }
0x35: {  	s10 =	sld [smem:$0x3FAA];
	_ =	sdelay $0x3  }
0x36: {  	p1 =	seq.s32 s10, $0x1;
	s10 =	sld [smem:$0x3FAB];
	_ =	sdelay $0x3  }
0x37: {  	[smem:$0x3FAB] =	sst s10  }
0x38: {  	s10 =	sld [smem:$0x3FAC]  }
0x39: {  	_ = 	snop;
	(pc) =	sbr.ind lr, $3  }
0x3a: {  	_ = 	snop  }
0x3b: {  	_ = 	snop  }
0x3c: {  	p2 =	seq.s32 s10, $0x1;
	s10 =	sld [smem:$0x3FAB]  }
0x3d: {  	_ =	shalt  }
0x3e: {  	_ =	shalt  }
0x3f: {  	_ =	shalt  }
0x40: {  	_ =	shalt  }
0x41: {  	_ =	shalt  }
0x42: {  	_ =	shalt  }
0x43: {  	_ =	shalt  }
0x44: {  	_ =	shalt  }
0x45: {  	_ =	shalt  }
0x46: {  	_ =	shalt  }
0x47: {  	_ =	shalt  }
0x48: {  	_ =	shalt  }
0x49: {  	_ =	shalt  }
0x4a: {  	_ =	shalt  }
0x4b: {  	_ =	shalt  }
0x4c: {  	_ =	shalt  }
0x4d: {  	_ =	shalt  }
0x4e: {  	_ =	shalt  }
0x4f: {  	_ =	shalt  }
0x50: {  	_ =	shalt  }
0x51: {  	_ =	shalt  }
0x52: {  	_ =	shalt  }
0x53: {  	_ =	shalt  }
0x54: {  	_ =	shalt  }
0x55: {  	_ =	shalt  }
0x56: {  	_ =	shalt  }
0x57: {  	_ =	shalt  }
0x58: {  	_ =	shalt  }
0x59: {  	_ =	shalt  }
0x5a: {  	_ =	shalt  }
0x5b: {  	_ =	shalt  }
0x5c: {  	_ =	shalt  }
0x5d: {  	_ =	shalt  }
0x5e: {  	_ =	shalt  }
0x5f: {  	_ =	shalt  }
0x60: {  	_ =	shalt  }
0x61: {  	_ =	shalt  }
0x62: {  	_ =	shalt  }
0x63: {  	_ =	shalt  }
0x64: {  	_ =	shalt  }
0x65: {  	_ =	shalt  }
0x66: {  	_ =	shalt  }
0x67: {  	_ =	shalt  }
0x68: {  	_ =	shalt  }
0x69: {  	_ =	shalt  }
0x6a: {  	_ =	shalt  }
0x6b: {  	_ =	shalt  }
0x6c: {  	_ =	shalt  }
0x6d: {  	_ =	shalt  }
0x6e: {  	_ =	shalt  }
0x6f: {  	_ =	shalt  }
0x70: {  	_ =	shalt  }
0x71: {  	_ =	shalt  }
0x72: {  	_ =	shalt  }
0x73: {  	_ =	shalt  }
0x74: {  	_ =	shalt  }
0x75: {  	_ =	shalt  }
0x76: {  	_ =	shalt  }
0x77: {  	_ =	shalt  }
0x78: {  	_ =	shalt  }
0x79: {  	_ =	shalt  }
0x7a: {  	_ =	shalt  }
0x7b: {  	_ =	shalt  }
0x7c: {  	_ =	shalt  }
0x7d: {  	_ =	shalt  }
0x7e: {  	_ =	shalt  }
0x7f: {  	_ =	shalt  }
0x80: {  	_ =	shalt  }
0x81: {  	_ =	shalt  }
0x82: {  	_ =	shalt  }
0x83: {  	_ =	shalt  }
0x84: {  	_ =	shalt  }
0x85: {  	_ =	shalt  }
0x86: {  	_ =	shalt  }
0x87: {  	_ =	shalt  }
.Lfunc_end0:
.L_simem_size_0:
called_computation_lowered:
.L_overlay_start_0:
0x88: {  	s2 =	sld [smem:$0x3FD9]  }
0x89: {  	s3 =	sld [smem:$0x3FFE];
	_ =	sdelay $0x1  }
0x8a: {  	s1 =	srdreg.scid  }
0x8b: {  	s0 =	sand.u32 $0x1, s1  }
0x8c: {  	s17 =	sshll.u32 s0, $0xA;
	s2 =	sadd.s32 s3, s2  }
0x8d: {  	s2 =	sadd.s32 s2, s17  }
0x8e: {  	[smem:$0x3FB7] =	sst s2  }
0x8f: {  	_ = 	snop  }
0x90: {  	s2 =	sld [smem:$0x3FD0];
	(tm) =	ssettm $0x1  }
0x91: {  	s18 =	sld [smem:$0x3FFB];
	_ =	sdelay $0x3  }
0x92: {  	_ =	strace s18  }
0x93: {  	s3 =	sld [smem:$0x3FFC];
	_ =	sdelay $0x3  }
0x94: {  	_ =	strace s3  }
0x95: {  	s3 =	sld [smem:$0x3FFD];
	_ =	sdelay $0x3  }
0x96: {  	_ =	strace s3  }
0x97: {  	_ =	strace $0x8FFFFFFF  }
0x98: {  	s19 =	sld [smem:$0x3FDB];
	_ =	sdelay $0x1  }
0x99: {  	s4 =	simm.s32 $_scs_section_size  }
0x9a: {  	s5 =	simm.s32 $_size__tile_overlayer_lowered;
	s6 =	simm.s32 $_tile_overlayer_lowered  }
0x9b: {  	s22 =	simm.s32 $0x1BFF;
	s21 =	sshll.u32 s6, $0x1;
	s3 =	sadd.s32 s4, s19  }
0x9c: {  	s7 =	simm.s32 $0x0;
	s20 =	sshll.u32 s5, $0x1;
	s5 =	sadd.s32 s21, s3  }
0x9d: {  	[timem:s7], [sflag:s22] =	dma.local [hbm:s5], s20  }
0x9e: {  	_ =	swait.ge [sflag:s22], s20  }
0x9f: {  	s4 =	ssub.s32 $0x0, s20;
	[sflag:s22] =	ssyncset.done $0x0  }
0xa0: {  	[sflag:s22] =	ssyncadd.s32 s4;
	_ =	sdelay $0x1  }
0xa1: {  	s23 =	simm.s32 $0x1B8B  }
0xa2: {  	_ =	swait.ge [sflag:s23], $0x1  }
0xa3: {  	[sflag:s23] =	ssyncset.done $0x0  }
0xa4: {  	s25 =	simm.s32 $0x1B8E;
	s24 =	sld [smem:$0x3FFE];
	[sflag:s23] =	ssyncadd.s32 $0xFFFFFFFF  }
0xa5: {  	s26 =	simm.s32 $execute0_lowered;
	[smem:$0x3FD2] =	sst s25  }
0xa6: {  	s5 =	sshll.u32 s26, $0x1;
	_ =	strace $0x80000046;
	[dreg:$0x1] =	wrdreg $0xFFFFFFFF  }
0xa7: {  	s28 =	simm.s32 $_size_execute0_lowered;
	s3 =	sadd.s32 s3, s5;
	[dreg:$0x0] =	wrdreg $0x0  }
0xa8: {  	s5 =	sshll.u32 s28, $0x1;
	[dreg:$0x2] =	wrdreg s3  }
0xa9: {  	[dreg:$0x3] =	wrdreg s5  }
0xaa: {  	[dreg:$0x4] =	wrdreg $0xC0  }
0xab: {  	_ =	task [dreg:s7], $0x5FFFF  }
0xac: {  	[dreg:$0x1] =	wrdreg $0xFFFFFFFF  }
0xad: {  	[dreg:$0x0] =	wrdreg $0x60  }
0xae: {  	[dreg:$0x2] =	wrdreg s2  }
0xaf: {  	[dreg:$0x3] =	wrdreg s24  }
0xb0: {  	[dreg:$0x4] =	wrdreg $0x0  }
0xb1: {  	[dreg:$0x5] =	wrdreg $0x9  }
0xb2: {  	_ =	task.clear_ibuf [dreg:s7], $0x6FFFF;
	_ =	strace $0x90000046  }
0xb3: {  	s29 =	simm.s32 $0x9;
	_ =	strace $0x80000048  }
0xb4: {  	_ =	swait.ge [sflag:s29], $0x1  }
0xb5: {  	[sflag:s29] =	ssyncadd.s32 $0xFFFFFFFF  }
0xb6: {  	_ =	strace $0x90000048  }
0xb7: {  	_ =	sfence  }
0xb8: {  	s30 =	sld [smem:$0x0];
	_ =	sdelay $0x2  }
0xb9: {  	s31 =	sshll.u32 s1, $0xD;
	s1 =	sshrl.u32 s1, $0x2  }
0xba: {  	s3 =	sand.u32 $0x4000, s31;
	s1 =	sadd.s32 s1, s30  }
0xbb: {  	s0 =	sor.u32 s3, s0;
	s1 =	sshll.u32 s1, $0x11  }
0xbc: {  	s0 =	sor.u32 s1, s0  }
0xbd: {  	s0 =	sadd.s32 $0x8F2B, s0  }
0xbe: {  	[sflag:s0] =	ssyncadd.remote.s32 $0x1  }
0xbf: {  	_ =	sfence.sel $0xFFFF  }
0xc0: {  	[dreg:$0x0] =	wrdreg $0xFFFFFFFF;
	(pc) =	sbr.abs _section_cstart, $3  }
0xc1: {  	[dreg:$0x1] =	wrdreg $0xFFFFFFFF  }
0xc2: {  	_ =	task.clear_ibuf [dreg:s7], $0x2FFFF;
	_ =	strace $0x9FFFFFFF  }
0xc3: {  	(tm) =	ssettm $0x7FFFFFFF  }
tec
execute0_lowered:
.L_overlay_start_1:
0x0: {  	(tag) =	ssettag $0x1  }
0x1: {  	s1 =	rddreg [dreg:$0x0]  }
0x2: {  	s8 =	rddreg [dreg:$0x1]  }
0x3: {  	s2 =	rddreg [dreg:$0x2]  }
0x4: {  	s3 =	srdreg.scid;
	s0 =	rddreg [dreg:$0x3];
	s4 =	simm.s32 $0x0  }
0x5: {  	s14 =	simm.s32 $0x3;
	s15 =	simm.s32 $0x13D00;
	s16 =	simm.s32 $0x13C00  }
0x6: {  	s17 =	simm.s32 $0x13C80;
	s18 =	simm.s32 $0x1;
	s19 =	simm.s32 $0x80  }
0x7: {  	s20 =	simm.s32 $0x2;
	s6 =	sand.u32 $0x1, s3;
	s3 =	stileid.u32  }
0x8: {  	s21 =	simm.s32 $0x0;
	[smem:$0x7FF] =	sst s4;
	s7 =	smul.u32 $0x13C000, s6  }
0x9: {  	s5 =	sadd.s32 $0x3A00, s8;
	s9 =	smul.u32 $0x13C00, s3;
	_ =	strace $0x80000047  }
0xa: {  	s26 =	sshll.u32 s3, $0x1;
	s10 =	ssub.s32 $0x2, s6;
	s28 =	smul.u32 $0x4F000, s3  }
0xb: {  	s30 =	sshll.u32 s3, $0x6;
	s6 =	sor.u32 s6, s26;
	s12 =	sshrl.u32 s10, $0x1  }
0xc: {  	s7 =	sadd.s32 s9, s7;
	s6 =	smul.u32 $0x2800, s6;
	s12 =	ssub.s32 s10, s12  }
0xd: {  	s29 =	sshrl.u32 s28, $0x2;
	s11 =	sshrl.u32 s7, $0x3;
	s7 =	sadd.s32 $0x6200, s8  }
0xe: {  	s13 =	sadd.s32 s29, s2;
	s11 =	sadd.s32 s11, s8;
	s31 =	sshrl.u32 s6, $0x3  }
0xf: {  	s8 =	sor.u32 $0x1C03, s30;
	s13 =	sshrl.u32 s13, $0x3;
	s9 =	sadd.s32 s1, s31  }
0x10: {  	s10 =	sadd.s32 $0x6A00, s11;
	s11 =	smax.u32 s12, $0x1;
	s12 =	sadd.s32 $0x4F0, s9  }
.LBB2_1:
0x11: {  	[spmem:s13], [sflag:s8] =	dma.local [hbm:s5], $0x2780  }
0x12: {  	_ =	swait.ge [sflag:s14], $0x2780  }
0x13: {  	s22 =	simm.s32 $0x0;
	[sflag:s14] =	ssyncset.done $0x0  }
0x14: {  	s23 =	sand.u32 $0x3C00, s22;
	[sflag:s14] =	ssyncadd.s32 $0xFFFFD880  }
0x15: {  	[tilespmem:s15], [sflag:$0x3] =	stream.linear.gather [hbm4b:s7+s4], $0x4000, $0x38;
	[tilespmem:$0x17D00] =	vst v63  }
0x16: {  	s22 =	sand.u32 $0x300, s22;
	s23 =	sadd.s32 s6, s23;
	_ =	swait.ge [sflag:s14], $0x4000  }
0x17: {  	s22 =	sor.u32 s23, s22;
	[sflag:s14] =	ssyncset.done $0x0  }
0x18: {  	s22 =	sor.u32 $0x80, s22;
	[sflag:s14] =	ssyncadd.s32 $0xFFFFC000  }
0x19: {  	s22 =	sshrl.u32 s22, $0x3;
	[bflag:$0x0] =	sbarrier.arrive $0xFFFF  }
0x1a: {  	[tilespmem:s16], [sflag:$0x1] =	stream.linear.gather [hbm4b:s9+s4], $0x80, $0x38;
	[tilespmem:$0x17D00] =	vst v63  }
0x1b: {  	s22 =	sadd.s32 s1, s22  }
0x1c: {  	[tilespmem:s17], [sflag:$0x2] =	stream.linear.gather [hbm4b:s22+s4], $0x80, $0x38;
	[tilespmem:$0x17D00] =	vst v63  }
0x1d: {  	s29 =	simm.s32 $0x100;
	s31 =	simm.s32 $0x100;
	_ =	swait.ge [sflag:s18], $0x80  }
0x1e: {  	s30 =	sand.u32 $0x7C00, s29;
	s24 =	sand.u32 $0x3C00, s31;
	[sflag:s18] =	ssyncset.done $0x0  }
0x1f: {  	s23 =	sadd.s32 s6, s30;
	s22 =	sand.u32 $0x300, s29;
	[sflag:s18] =	ssyncadd.s32 $0xFFFFFF80  }
0x20: {  	[spmem:s2] =	stream.indirect.scatter.add.f32 [tilespmem:s15], [sflag:$0x3], $0x80, s16, s19, $0xb8;
	[tilespmem:$0x17D00] =	vst v63  }
0x21: {  	s25 =	sand.u32 $0x300, s31;
	s22 =	sor.u32 s22, s23;
	_ =	swait.ge [sflag:s14], $0x4000  }
0x22: {  	s24 =	sadd.s32 s6, s24;
	s22 =	sshrl.u32 s22, $0x3;
	[sflag:s14] =	ssyncset.done $0x0  }
0x23: {  	s24 =	sor.u32 s24, s25;
	s22 =	sadd.s32 s1, s22;
	[sflag:s14] =	ssyncadd.s32 $0xFFFFC000  }
0x24: {  	[tilespmem:s16], [sflag:$0x1] =	stream.linear.gather [hbm4b:s22+s4], $0x80, $0x38;
	[tilespmem:$0x17D00] =	vst v63  }
0x25: {  	s23 =	simm.s32 $0x300;
	s22 =	simm.s32 $0x200;
	_ =	swait.ge [sflag:s20], $0x80  }
.LBB2_2:
0x26: {  	p0 =	sne.s32 s23, $0x2700  }
0x27: {  	[sflag:s20] =	ssyncset.done $0x0;
	s25 =	smov.u32 s23;
	s23 =	sadd.s32 $0x100, s23  }
0x28: {  	[sflag:s20] =	ssyncadd.s32 $0xFFFFFF80  }
0x29: {  	[spmem:s2] =	stream.indirect.scatter.add.f32 [tilespmem:s15], [sflag:$0x3], $0x80, s17, s19, $0xb8;
	[tilespmem:$0x17D00] =	vst v63  }
0x2a: {  	s24 =	sor.u32 $0x80, s24;
	_ =	swait.ge [sflag:s14], $0x4000  }
0x2b: {  	s24 =	sshrl.u32 s24, $0x3;
	[sflag:s14] =	ssyncset.done $0x0  }
0x2c: {  	s24 =	sadd.s32 s1, s24;
	[sflag:s14] =	ssyncadd.s32 $0xFFFFC000  }
0x2d: {  	[tilespmem:s17], [sflag:$0x2] =	stream.linear.gather [hbm4b:s24+s4], $0x80, $0x38;
	[tilespmem:$0x17D00] =	vst v63  }
0x2e: {  	_ =	swait.ge [sflag:s18], $0x80  }
0x2f: {  	s26 =	sand.u32 $0x300, s22;
	[sflag:s18] =	ssyncset.done $0x0  }
0x30: {  	s24 =	sand.u32 $0x7C00, s22;
	s22 =	smov.u32 s25;
	[sflag:s18] =	ssyncadd.s32 $0xFFFFFF80  }
0x31: {  	[spmem:s2] =	stream.indirect.scatter.add.f32 [tilespmem:s15], [sflag:$0x3], $0x80, s16, s19, $0xb8;
	[tilespmem:$0x17D00] =	vst v63  }
0x32: {  	s24 =	sadd.s32 s6, s24;
	s25 =	sadd.s32 $0xFFFFFF00, s22;
	_ =	swait.ge [sflag:s14], $0x4000  }
.Ltmp0:
0x33: {  	s24 =	sor.u32 s26, s24;
	[sflag:s14] =	ssyncset.done $0x0;
	(pc) =	sbr.rel @p0 .LBB2_2-.Ltmp0, $4  }
0x34: {  	s26 =	sand.u32 $0x3C00, s25;
	s24 =	sshrl.u32 s24, $0x3;
	[sflag:s14] =	ssyncadd.s32 $0xFFFFC000  }
0x35: {  	s25 =	sand.u32 $0x300, s25;
	s26 =	sadd.s32 s6, s26;
	s24 =	sadd.s32 s1, s24  }
0x36: {  	[tilespmem:s16], [sflag:$0x1] =	stream.linear.gather [hbm4b:s24+s4], $0x80, $0x38;
	[tilespmem:$0x17D00] =	vst v63  }
0x37: {  	s24 =	sor.u32 s26, s25;
	_ =	swait.ge [sflag:s20], $0x80  }
0x38: {  	[sflag:s20] =	ssyncset.done $0x0  }
0x39: {  	[sflag:s20] =	ssyncadd.s32 $0xFFFFFF80  }
0x3a: {  	[spmem:s2] =	stream.indirect.scatter.add.f32 [tilespmem:s15], [sflag:$0x3], $0x80, s17, s19, $0xb8;
	[tilespmem:$0x17D00] =	vst v63  }
0x3b: {  	s23 =	sor.u32 $0x80, s24;
	_ =	swait.ge [sflag:s14], $0x4000  }
0x3c: {  	s23 =	sshrl.u32 s23, $0x3;
	[sflag:s14] =	ssyncset.done $0x0  }
0x3d: {  	s23 =	sadd.s32 s1, s23;
	[sflag:s14] =	ssyncadd.s32 $0xFFFFC000  }
0x3e: {  	[tilespmem:s17], [sflag:$0x2] =	stream.linear.gather [hbm4b:s23+s4], $0x80, $0x38;
	[tilespmem:$0x17D00] =	vst v63  }
0x3f: {  	_ =	swait.ge [sflag:s18], $0x80  }
0x40: {  	s30 =	sand.u32 $0x7C00, s22;
	[sflag:s18] =	ssyncset.done $0x0  }
0x41: {  	s31 =	sand.u32 $0x300, s22;
	s23 =	sadd.s32 s6, s30;
	[sflag:s18] =	ssyncadd.s32 $0xFFFFFF80  }
0x42: {  	[spmem:s2] =	stream.indirect.scatter.add.f32 [tilespmem:s15], [sflag:$0x3], $0x80, s16, s19, $0xb8;
	[tilespmem:$0x17D00] =	vst v63  }
0x43: {  	s22 =	sor.u32 s31, s23;
	_ =	swait.ge [sflag:s14], $0x4000  }
0x44: {  	s22 =	sshrl.u32 s22, $0x3;
	[sflag:s14] =	ssyncset.done $0x0  }
0x45: {  	s22 =	sadd.s32 s1, s22;
	[sflag:s14] =	ssyncadd.s32 $0xFFFFC000  }
0x46: {  	[tilespmem:s16], [sflag:$0x1] =	stream.linear.gather [hbm4b:s22+s4], $0x80, $0x38;
	[tilespmem:$0x17D00] =	vst v63  }
0x47: {  	_ =	swait.ge [sflag:s20], $0x80  }
0x48: {  	[sflag:s20] =	ssyncset.done $0x0  }
0x49: {  	[sflag:s20] =	ssyncadd.s32 $0xFFFFFF80  }
0x4a: {  	[spmem:s2] =	stream.indirect.scatter.add.f32 [tilespmem:s15], [sflag:$0x3], $0x80, s17, s19, $0xb8;
	[tilespmem:$0x17D00] =	vst v63  }
0x4b: {  	_ =	swait.ge [sflag:s14], $0x4000  }
0x4c: {  	[sflag:s14] =	ssyncset.done $0x0  }
0x4d: {  	[sflag:s14] =	ssyncadd.s32 $0xFFFFC000  }
0x4e: {  	[tilespmem:s17], [sflag:$0x2] =	stream.linear.gather [hbm4b:s12+s4], $0x80, $0x38;
	[tilespmem:$0x17D00] =	vst v63  }
0x4f: {  	_ =	swait.ge [sflag:s18], $0x80  }
0x50: {  	[sflag:s18] =	ssyncset.done $0x0  }
0x51: {  	[sflag:s18] =	ssyncadd.s32 $0xFFFFFF80  }
0x52: {  	[spmem:s2] =	stream.indirect.scatter.add.f32 [tilespmem:s15], [sflag:$0x3], $0x80, s16, s19, $0xb8;
	[tilespmem:$0x17D00] =	vst v63  }
0x53: {  	_ =	swait.ge [sflag:s14], $0x4000  }
0x54: {  	[sflag:s14] =	ssyncset.done $0x0  }
0x55: {  	[sflag:s14] =	ssyncadd.s32 $0xFFFFC000  }
0x56: {  	_ =	swait.ge [sflag:s20], $0x80  }
0x57: {  	[sflag:s20] =	ssyncset.done $0x0  }
0x58: {  	[sflag:s20] =	ssyncadd.s32 $0xFFFFFF80  }
0x59: {  	[spmem:s2] =	stream.indirect.scatter.add.f32 [tilespmem:s15], [sflag:$0x3], $0x80, s17, s19, $0xb8;
	[tilespmem:$0x17D00] =	vst v63  }
0x5a: {  	_ =	swait.ge [sflag:s14], $0x4000  }
0x5b: {  	s21 =	sadd.s32 $0x1, s21;
	[sflag:s14] =	ssyncset.done $0x0  }
0x5c: {  	p0 =	sne.s32 s21, s11;
	[sflag:s14] =	ssyncadd.s32 $0xFFFFC000  }
.Ltmp1:
0x5d: {  	[bflag:$0x0] =	sbarrier.arrive $0xFFFF;
	(pc) =	sbr.rel @p0 .LBB2_1-.Ltmp1, $4  }
0x5e: {  	[hbm:s10], [sflag:s8] =	dma.local [spmem:s13], $0x2780  }
0x5f: {  	_ =	swait.ge [sflag:s14], $0x2780  }
0x60: {  	[sflag:s14] =	ssyncset.done $0x0  }
0x61: {  	[sflag:s14] =	ssyncadd.s32 $0xFFFFD880  }
0x62: {  	_ =	sfence.sel $0x180000  }
0x63: {  	[bflag:$0x0] =	sbarrier.arrive $0xFFFF  }
0x64: {  	p0 =	sne.s32 s3, $0x0;
	_ =	strace $0x90000047  }
0x65: {  	s0 =	sadd.s32 @!p0 $0x100000, s0;
	[bflag:$0x2] =	sbarrier.arrive $0xFFFF  }
0x66: {  	[sflag:s0] =	ssyncadd.tile.s32 @!p0 $0x1;
	_ =	shalt  }
.Lfunc_end2:
_tile_overlayer_lowered:
.L_overlay_start_2:
0x67: {  	(tag) =	ssettag $0x2  }
0x68: {  	s0 =	rddreg [dreg:$0x0];
	s2 =	stileid.u32  }
0x69: {  	s1 =	rddreg [dreg:$0x1];
	p0 =	sne.s32 s2, $0x0  }
0x6a: {  	s3 =	rddreg [dreg:$0x2];
	[bflag:$0x3] =	sbarrier.arrive $0xFFFF;
	s2 =	simm.s32 @!p0 $0x1C03  }
0x6b: {  	[timem:s3], [sflag:s2] =	dma.local @!p0 [hbm:s0], s1  }
0x6c: {  	s0 =	simm.s32 @!p0 $0x3  }
0x6d: {  	_ =	swait.ge @!p0 [sflag:s0], s1  }
0x6e: {  	s1 =	ssub.s32 @!p0 $0x0, s1;
	[sflag:s0] =	ssyncset.done @!p0 $0x0  }
0x6f: {  	[sflag:s0] =	ssyncadd.s32 @!p0 s1  }
0x70: {  	[bflag:$0x3] =	sbarrier.arrive $0xFFFF  }
0x71: {  	_ =	shalt  }

</sc_bundles>
